<compile_context>
chip_gen: v7x
topology: tpu7x:2x2x1
jax: 0.10.2.dev20260603
libtpu: 0.0.44.dev20260713+nightly
codegen_flags: <defaults>
</compile_context>

<pallas_src>
import jax
import jax.numpy as jnp
from jax import lax
from jax.experimental import pallas as pl
from jax.experimental.pallas import tpu as pltpu
from jax.experimental.pallas import tpu_sc as plsc

import numpy as np

_PATH_NUM = 16
_N = 8192
_D = 4096
_NUM_CORES = 2
_NUM_SUBCORES = 16
_NW = _NUM_CORES * _NUM_SUBCORES
_B_PER_W = _N // _NW
_CHUNK_SIZES = (8, 8, 8)
_CHUNKS = []
_r = 0
while _r < _B_PER_W:
  _n = min(_CHUNK_SIZES[len(_CHUNKS) % len(_CHUNK_SIZES)], _B_PER_W - _r)
  _CHUNKS.append((_r, _n))
  _r += _n


_NBUF = 3


def _gather_body(inputs_hbm, order_hbm, out_hbm, idx_v, bufs, gsems, ssems):
  wid = lax.axis_index("s") * _NUM_CORES + lax.axis_index("c")
  base = wid * _B_PER_W
  pltpu.sync_copy(order_hbm.at[pl.ds(base, _B_PER_W)], idx_v)

  def start_gather(c, b):
    r0, n = _CHUNKS[c]
    idx_slice = idx_v.at[pl.ds(r0, n)]
    dst = bufs[b] if n == _CHUNK_SIZES[b] else bufs[b].at[pl.ds(0, n)]
    return pltpu.async_copy(inputs_hbm.at[idx_slice], dst, gsems[b])

  def start_scatter(c, b):
    r0, n = _CHUNKS[c]
    src = bufs[b] if n == _CHUNK_SIZES[b] else bufs[b].at[pl.ds(0, n)]
    dst = out_hbm.at[pl.ds(base + r0, n)]
    return pltpu.async_copy(src, dst, ssems[b])

  copies = [None] * _NBUF
  scats = [None] * _NBUF
  nck = len(_CHUNKS)
  for b in range(min(_NBUF - 1, nck)):
    copies[b] = start_gather(b, b)
  for c in range(nck):
    b = c % _NBUF
    nxt = c + _NBUF - 1
    if nxt < nck:
      nb = nxt % _NBUF
      if scats[nb] is not None:
        scats[nb].wait()
      copies[nb] = start_gather(nxt, nb)
    copies[b].wait()
    scats[b] = start_scatter(c, b)
  for b in range(_NBUF):
    if scats[b] is not None:
      scats[b].wait()


@jax.jit
def _dispatch(inputs, order):
  mesh = plsc.VectorSubcoreMesh(core_axis_name="c", subcore_axis_name="s")
  f = pl.kernel(
      _gather_body,
      out_type=jax.ShapeDtypeStruct((_N, _D), jnp.float32),
      mesh=mesh,
      scratch_types=[
          pltpu.VMEM((_B_PER_W,), jnp.int32),
          [pltpu.VMEM((_CHUNK_SIZES[b], _D), jnp.float32) for b in range(_NBUF)],
          [pltpu.SemaphoreType.DMA for _ in range(_NBUF)],
          [pltpu.SemaphoreType.DMA for _ in range(_NBUF)],
      ],
  )
  return f(inputs, order)


def _threefry2x32_np(k1, k2, x0, x1):
  def rotl(x, d):
    return (x << np.uint32(d)) | (x >> np.uint32(32 - d))

  ks = [np.uint32(k1), np.uint32(k2),
        np.uint32(k1) ^ np.uint32(k2) ^ np.uint32(0x1BD11BDA)]
  x = [x0 + ks[0], x1 + ks[1]]
  r_even = (13, 15, 26, 6)
  r_odd = (17, 29, 16, 24)

  def rounds(x, rs):
    for r in rs:
      x[0] = x[0] + x[1]
      x[1] = x[0] ^ rotl(x[1], r)
    return x

  x = rounds(x, r_even); x[0] += ks[1]; x[1] += ks[2] + np.uint32(1)
  x = rounds(x, r_odd); x[0] += ks[2]; x[1] += ks[0] + np.uint32(2)
  x = rounds(x, r_even); x[0] += ks[0]; x[1] += ks[1] + np.uint32(3)
  x = rounds(x, r_odd); x[0] += ks[1]; x[1] += ks[2] + np.uint32(4)
  x = rounds(x, r_even); x[0] += ks[2]; x[1] += ks[0] + np.uint32(5)
  return x


def _routing_constants():
  with np.errstate(over="ignore"):
    c_lo = np.arange(_N * _PATH_NUM, dtype=np.uint32)
    b1, b2 = _threefry2x32_np(0, 42, np.zeros_like(c_lo), c_lo)
    bits = (b1 ^ b2).reshape(_N, _PATH_NUM)
  lo = np.float32(np.nextafter(np.float32(-1), np.float32(0)))
  hi = np.float32(1.0)
  mant = (bits >> np.uint32(9)) | np.uint32(0x3F800000)
  floats = mant.view(np.float32) - np.float32(1.0)
  u = np.maximum(lo, floats * (hi - lo) + lo)
  route = np.argmax(u, axis=1).astype(np.int32)
  order = np.argsort(route, kind="stable").astype(np.int32)
  route_sorted = route[order]
  counts = np.bincount(route, minlength=_PATH_NUM).astype(np.int32)
  return order, route_sorted, counts


_ORDER_NP, _ROUTE_SORTED_NP, _COUNTS_NP = _routing_constants()


def kernel(inputs):
  order = jnp.asarray(_ORDER_NP)
  route_sorted = jnp.asarray(_ROUTE_SORTED_NP)
  counts = jnp.asarray(_COUNTS_NP)
  dispatched = _dispatch(inputs, order)
  return dispatched, route_sorted, counts

# --- scband reference (transcript-rebuilt; emitter-appended) ---
"""Pipeline reference for scband-rand-scatter-16716012716274 (READ-ONLY COPY).

The authoritative reference and input builder live on the scoring server;
editing this copy changes nothing except your own understanding.
"""

import jax, jax.numpy as jnp
import numpy as np

PATH_NUM = 16
TOP_K = 1


def setup_inputs(seed: int = 0) -> dict:
    key = jax.random.key(seed)
    inputs = jax.random.normal(key, (8192, 4096), dtype=jnp.float32)
    return {"inputs": inputs}


def reference(inputs):
    # rand_gate: random routing scores [N, path_num] (fixed key for determinism)
    score = jax.random.normal(jax.random.key(42), (inputs.shape[0], PATH_NUM), dtype=jnp.float32)
    # ScatterRouter(protocol_type='topk', k=1): each token routed to its argmax path
    _, top_idx = jax.lax.top_k(score, TOP_K)
    route = top_idx[:, 0].astype(jnp.int32)
    # 'dispatch' fabric: group tokens by destination path. We represent the
    # per-path output lists as a single fused tensor sorted by path id
    # (stable, preserving within-path token order, as the fabric does),
    # plus the sorted path assignment and per-path token counts so each
    # path's slice can be recovered: path p owns rows
    # [cumsum(counts)[p]-counts[p] : cumsum(counts)[p]].
    order = jnp.argsort(route)  # jnp.argsort is stable
    dispatched = jnp.take(inputs, order, axis=0)
    route_sorted = jnp.take(route, order, axis=0)
    counts = jnp.bincount(route, length=PATH_NUM)
    return dispatched, route_sorted, counts

if __name__ == "__main__":
    import jax
    _d = setup_inputs()
    print(jax.jit(kernel)(*tuple(_d.values())))

</pallas_src>

<mosaic_0001>
#map = affine_map<(d0, d1) -> (0, 0)>
#map1 = affine_map<(d0, d1) -> (0)>
module attributes {stable_mosaic.version = 14 : i64} {
  func.func @_gather_body(%arg0: i32, %arg1: i32, %arg2: memref<8192x4096xf32, #tpu.memory_space<hbm>>, %arg3: memref<8192xi32, #tpu.memory_space<hbm>>, %arg4: memref<8192x4096xf32, #tpu.memory_space<hbm>>, %arg5: memref<256xi32, #tpu.memory_space<vmem>>, %arg6: memref<8x4096xf32, #tpu.memory_space<vmem>>, %arg7: memref<8x4096xf32, #tpu.memory_space<vmem>>, %arg8: memref<8x4096xf32, #tpu.memory_space<vmem>>, %arg9: memref<!tpu.dma_semaphore, #tpu.memory_space<semaphore_mem>>, %arg10: memref<!tpu.dma_semaphore, #tpu.memory_space<semaphore_mem>>, %arg11: memref<!tpu.dma_semaphore, #tpu.memory_space<semaphore_mem>>, %arg12: memref<!tpu.dma_semaphore, #tpu.memory_space<semaphore_mem>>, %arg13: memref<!tpu.dma_semaphore, #tpu.memory_space<semaphore_mem>>, %arg14: memref<!tpu.dma_semaphore, #tpu.memory_space<semaphore_mem>>) attributes {dimension_semantics = [#tpu.dimension_semantics<core_parallel>, #tpu.dimension_semantics<subcore_parallel>], iteration_bounds = array<i64: 2, 16>, scalar_prefetch = 0 : i64, scratch_operands = 10 : i64, tpu.core_type = #tpu.core_type<sc_vector_subcore>, window_params = [{transform_indices = #map}, {transform_indices = #map1}, {transform_indices = #map}]} {
    %mul3A = arith.constant 2 : i32
    %mul3A_0 = arith.muli %arg1, %mul3A : i32
    %add3A = arith.addi %mul3A_0, %arg0 : i32
    %mul3A_1 = arith.constant 256 : i32
    %mul3A_2 = arith.muli %add3A, %mul3A_1 : i32
    "tpu.region"() ({
      %run_scoped3A = tpu.sem_alloc : memref<!tpu.dma_semaphore, #tpu.memory_space<semaphore_mem>>
      %dma_start3A_641 = tpu.memref_slice %arg3[%mul3A_2] : memref<8192xi32, #tpu.memory_space<hbm>> -> memref<256xi32, #tpu.memory_space<hbm>>
      %dma_start3A_642 = tpu.memref_slice %arg3[%mul3A_2] : memref<8192xi32, #tpu.memory_space<hbm>> -> memref<256xi32, #tpu.memory_space<hbm>>
      tpu.enqueue_dma source(%dma_start3A_642 : memref<256xi32, #tpu.memory_space<hbm>>) target(%arg5 : memref<256xi32, #tpu.memory_space<vmem>>) target_semaphore(%run_scoped3A : memref<!tpu.dma_semaphore, #tpu.memory_space<semaphore_mem>>)
      %dma_wait3A_643 = tpu.memref_slice %arg3[%mul3A_2] : memref<8192xi32, #tpu.memory_space<hbm>> -> memref<256xi32, #tpu.memory_space<hbm>>
      %dma_wait3A_644 = tpu.memref_slice %arg3[%mul3A_2] : memref<8192xi32, #tpu.memory_space<hbm>> -> memref<256xi32, #tpu.memory_space<hbm>>
      tpu.wait_dma2 semaphore(%run_scoped3A : memref<!tpu.dma_semaphore, #tpu.memory_space<semaphore_mem>>) src(%dma_wait3A_644 : memref<256xi32, #tpu.memory_space<hbm>>) dst(%arg5 : memref<256xi32, #tpu.memory_space<vmem>>)
      tpu.yield
    }) : () -> ()
    %dma_start3A = arith.constant 0 : i32
    %dma_start3A_3 = tpu.memref_slice %arg5[%dma_start3A] : memref<256xi32, #tpu.memory_space<vmem>> -> memref<8xi32, #tpu.memory_space<vmem>>
    %dma_start3A_4 = arith.constant 0 : i32
    %dma_start3A_5 = arith.constant 0 : i32
    %dma_start3A_6 = tpu.memref_slice %arg2[%dma_start3A_4, %dma_start3A_5] : memref<8192x4096xf32, #tpu.memory_space<hbm>> -> memref<8192x4096xf32, #tpu.memory_space<hbm>>
    tpu.enqueue_indirect_dma source(%dma_start3A_6 : memref<8192x4096xf32, #tpu.memory_space<hbm>>) target(%arg6 : memref<8x4096xf32, #tpu.memory_space<vmem>>) offsets(%dma_start3A_3 : memref<8xi32, #tpu.memory_space<vmem>>) semaphore(%arg9 : memref<!tpu.dma_semaphore, #tpu.memory_space<semaphore_mem>>)
    %dma_start3A_7 = arith.constant 8 : i32
    %dma_start3A_8 = tpu.memref_slice %arg5[%dma_start3A_7] : memref<256xi32, #tpu.memory_space<vmem>> -> memref<8xi32, #tpu.memory_space<vmem>>
    %dma_start3A_9 = arith.constant 0 : i32
    %dma_start3A_10 = arith.constant 0 : i32
    %dma_start3A_11 = tpu.memref_slice %arg2[%dma_start3A_9, %dma_start3A_10] : memref<8192x4096xf32, #tpu.memory_space<hbm>> -> memref<8192x4096xf32, #tpu.memory_space<hbm>>
    tpu.enqueue_indirect_dma source(%dma_start3A_11 : memref<8192x4096xf32, #tpu.memory_space<hbm>>) target(%arg7 : memref<8x4096xf32, #tpu.memory_space<vmem>>) offsets(%dma_start3A_8 : memref<8xi32, #tpu.memory_space<vmem>>) semaphore(%arg10 : memref<!tpu.dma_semaphore, #tpu.memory_space<semaphore_mem>>)
    %dma_start3A_12 = arith.constant 16 : i32
    %dma_start3A_13 = tpu.memref_slice %arg5[%dma_start3A_12] : memref<256xi32, #tpu.memory_space<vmem>> -> memref<8xi32, #tpu.memory_space<vmem>>
    %dma_start3A_14 = arith.constant 0 : i32
    %dma_start3A_15 = arith.constant 0 : i32
    %dma_start3A_16 = tpu.memref_slice %arg2[%dma_start3A_14, %dma_start3A_15] : memref<8192x4096xf32, #tpu.memory_space<hbm>> -> memref<8192x4096xf32, #tpu.memory_space<hbm>>
    tpu.enqueue_indirect_dma source(%dma_start3A_16 : memref<8192x4096xf32, #tpu.memory_space<hbm>>) target(%arg8 : memref<8x4096xf32, #tpu.memory_space<vmem>>) offsets(%dma_start3A_13 : memref<8xi32, #tpu.memory_space<vmem>>) semaphore(%arg11 : memref<!tpu.dma_semaphore, #tpu.memory_space<semaphore_mem>>)
    %dma_wait3A = arith.constant 0 : i32
    %dma_wait3A_17 = tpu.memref_slice %arg5[%dma_wait3A] : memref<256xi32, #tpu.memory_space<vmem>> -> memref<8xi32, #tpu.memory_space<vmem>>
    %dma_wait3A_18 = arith.constant 0 : i32
    %dma_wait3A_19 = arith.constant 0 : i32
    %dma_wait3A_20 = tpu.memref_slice %arg2[%dma_wait3A_18, %dma_wait3A_19] : memref<8192x4096xf32, #tpu.memory_space<hbm>> -> memref<8192x4096xf32, #tpu.memory_space<hbm>>
    tpu.wait_indirect_dma semaphore(%arg9 : memref<!tpu.dma_semaphore, #tpu.memory_space<semaphore_mem>>) src(%dma_wait3A_20 : memref<8192x4096xf32, #tpu.memory_space<hbm>>) dst(%arg6 : memref<8x4096xf32, #tpu.memory_space<vmem>>)
    %add3A_21 = arith.constant 0 : i32
    %add3A_22 = arith.addi %mul3A_2, %add3A_21 : i32
    %dma_start3A_23 = arith.constant 0 : i32
    %dma_start3A_24 = tpu.memref_slice %arg4[%add3A_22, %dma_start3A_23] : memref<8192x4096xf32, #tpu.memory_space<hbm>> -> memref<8x4096xf32, #tpu.memory_space<hbm>>
    %dma_start3A_25 = arith.constant 0 : i32
    %dma_start3A_26 = tpu.memref_slice %arg4[%add3A_22, %dma_start3A_25] : memref<8192x4096xf32, #tpu.memory_space<hbm>> -> memref<8x4096xf32, #tpu.memory_space<hbm>>
    tpu.enqueue_dma source(%arg6 : memref<8x4096xf32, #tpu.memory_space<vmem>>) target(%dma_start3A_26 : memref<8x4096xf32, #tpu.memory_space<hbm>>) target_semaphore(%arg12 : memref<!tpu.dma_semaphore, #tpu.memory_space<semaphore_mem>>)
    %dma_wait3A_27 = arith.constant 0 : i32
    %dma_wait3A_28 = tpu.memref_slice %arg4[%add3A_22, %dma_wait3A_27] : memref<8192x4096xf32, #tpu.memory_space<hbm>> -> memref<8x4096xf32, #tpu.memory_space<hbm>>
    %dma_wait3A_29 = arith.constant 0 : i32
    %dma_wait3A_30 = tpu.memref_slice %arg4[%add3A_22, %dma_wait3A_29] : memref<8192x4096xf32, #tpu.memory_space<hbm>> -> memref<8x4096xf32, #tpu.memory_space<hbm>>
    tpu.wait_dma2 semaphore(%arg12 : memref<!tpu.dma_semaphore, #tpu.memory_space<semaphore_mem>>) src(%arg6 : memref<8x4096xf32, #tpu.memory_space<vmem>>) dst(%dma_wait3A_30 : memref<8x4096xf32, #tpu.memory_space<hbm>>)
    %dma_start3A_31 = arith.constant 24 : i32
    %dma_start3A_32 = tpu.memref_slice %arg5[%dma_start3A_31] : memref<256xi32, #tpu.memory_space<vmem>> -> memref<8xi32, #tpu.memory_space<vmem>>
    %dma_start3A_33 = arith.constant 0 : i32
    %dma_start3A_34 = arith.constant 0 : i32
    %dma_start3A_35 = tpu.memref_slice %arg2[%dma_start3A_33, %dma_start3A_34] : memref<8192x4096xf32, #tpu.memory_space<hbm>> -> memref<8192x4096xf32, #tpu.memory_space<hbm>>
    tpu.enqueue_indirect_dma source(%dma_start3A_35 : memref<8192x4096xf32, #tpu.memory_space<hbm>>) target(%arg6 : memref<8x4096xf32, #tpu.memory_space<vmem>>) offsets(%dma_start3A_32 : memref<8xi32, #tpu.memory_space<vmem>>) semaphore(%arg9 : memref<!tpu.dma_semaphore, #tpu.memory_space<semaphore_mem>>)
    %dma_wait3A_36 = arith.constant 8 : i32
    %dma_wait3A_37 = tpu.memref_slice %arg5[%dma_wait3A_36] : memref<256xi32, #tpu.memory_space<vmem>> -> memref<8xi32, #tpu.memory_space<vmem>>
    %dma_wait3A_38 = arith.constant 0 : i32
    %dma_wait3A_39 = arith.constant 0 : i32
    %dma_wait3A_40 = tpu.memref_slice %arg2[%dma_wait3A_38, %dma_wait3A_39] : memref<8192x4096xf32, #tpu.memory_space<hbm>> -> memref<8192x4096xf32, #tpu.memory_space<hbm>>
    tpu.wait_indirect_dma semaphore(%arg10 : memref<!tpu.dma_semaphore, #tpu.memory_space<semaphore_mem>>) src(%dma_wait3A_40 : memref<8192x4096xf32, #tpu.memory_space<hbm>>) dst(%arg7 : memref<8x4096xf32, #tpu.memory_space<vmem>>)
    %add3A_41 = arith.constant 8 : i32
    %add3A_42 = arith.addi %mul3A_2, %add3A_41 : i32
    %dma_start3A_43 = arith.constant 0 : i32
    %dma_start3A_44 = tpu.memref_slice %arg4[%add3A_42, %dma_start3A_43] : memref<8192x4096xf32, #tpu.memory_space<hbm>> -> memref<8x4096xf32, #tpu.memory_space<hbm>>
    %dma_start3A_45 = arith.constant 0 : i32
    %dma_start3A_46 = tpu.memref_slice %arg4[%add3A_42, %dma_start3A_45] : memref<8192x4096xf32, #tpu.memory_space<hbm>> -> memref<8x4096xf32, #tpu.memory_space<hbm>>
    tpu.enqueue_dma source(%arg7 : memref<8x4096xf32, #tpu.memory_space<vmem>>) target(%dma_start3A_46 : memref<8x4096xf32, #tpu.memory_space<hbm>>) target_semaphore(%arg13 : memref<!tpu.dma_semaphore, #tpu.memory_space<semaphore_mem>>)
    %dma_wait3A_47 = arith.constant 0 : i32
    %dma_wait3A_48 = tpu.memref_slice %arg4[%add3A_42, %dma_wait3A_47] : memref<8192x4096xf32, #tpu.memory_space<hbm>> -> memref<8x4096xf32, #tpu.memory_space<hbm>>
    %dma_wait3A_49 = arith.constant 0 : i32
    %dma_wait3A_50 = tpu.memref_slice %arg4[%add3A_42, %dma_wait3A_49] : memref<8192x4096xf32, #tpu.memory_space<hbm>> -> memref<8x4096xf32, #tpu.memory_space<hbm>>
    tpu.wait_dma2 semaphore(%arg13 : memref<!tpu.dma_semaphore, #tpu.memory_space<semaphore_mem>>) src(%arg7 : memref<8x4096xf32, #tpu.memory_space<vmem>>) dst(%dma_wait3A_50 : memref<8x4096xf32, #tpu.memory_space<hbm>>)
    %dma_start3A_51 = arith.constant 32 : i32
    %dma_start3A_52 = tpu.memref_slice %arg5[%dma_start3A_51] : memref<256xi32, #tpu.memory_space<vmem>> -> memref<8xi32, #tpu.memory_space<vmem>>
    %dma_start3A_53 = arith.constant 0 : i32
    %dma_start3A_54 = arith.constant 0 : i32
    %dma_start3A_55 = tpu.memref_slice %arg2[%dma_start3A_53, %dma_start3A_54] : memref<8192x4096xf32, #tpu.memory_space<hbm>> -> memref<8192x4096xf32, #tpu.memory_space<hbm>>
    tpu.enqueue_indirect_dma source(%dma_start3A_55 : memref<8192x4096xf32, #tpu.memory_space<hbm>>) target(%arg7 : memref<8x4096xf32, #tpu.memory_space<vmem>>) offsets(%dma_start3A_52 : memref<8xi32, #tpu.memory_space<vmem>>) semaphore(%arg10 : memref<!tpu.dma_semaphore, #tpu.memory_space<semaphore_mem>>)
    %dma_wait3A_56 = arith.constant 16 : i32
    %dma_wait3A_57 = tpu.memref_slice %arg5[%dma_wait3A_56] : memref<256xi32, #tpu.memory_space<vmem>> -> memref<8xi32, #tpu.memory_space<vmem>>
    %dma_wait3A_58 = arith.constant 0 : i32
    %dma_wait3A_59 = arith.constant 0 : i32
    %dma_wait3A_60 = tpu.memref_slice %arg2[%dma_wait3A_58, %dma_wait3A_59] : memref<8192x4096xf32, #tpu.memory_space<hbm>> -> memref<8192x4096xf32, #tpu.memory_space<hbm>>
    tpu.wait_indirect_dma semaphore(%arg11 : memref<!tpu.dma_semaphore, #tpu.memory_space<semaphore_mem>>) src(%dma_wait3A_60 : memref<8192x4096xf32, #tpu.memory_space<hbm>>) dst(%arg8 : memref<8x4096xf32, #tpu.memory_space<vmem>>)
    %add3A_61 = arith.constant 16 : i32
    %add3A_62 = arith.addi %mul3A_2, %add3A_61 : i32
    %dma_start3A_63 = arith.constant 0 : i32
    %dma_start3A_64 = tpu.memref_slice %arg4[%add3A_62, %dma_start3A_63] : memref<8192x4096xf32, #tpu.memory_space<hbm>> -> memref<8x4096xf32, #tpu.memory_space<hbm>>
    %dma_start3A_65 = arith.constant 0 : i32
    %dma_start3A_66 = tpu.memref_slice %arg4[%add3A_62, %dma_start3A_65] : memref<8192x4096xf32, #tpu.memory_space<hbm>> -> memref<8x4096xf32, #tpu.memory_space<hbm>>
    tpu.enqueue_dma source(%arg8 : memref<8x4096xf32, #tpu.memory_space<vmem>>) target(%dma_start3A_66 : memref<8x4096xf32, #tpu.memory_space<hbm>>) target_semaphore(%arg14 : memref<!tpu.dma_semaphore, #tpu.memory_space<semaphore_mem>>)
    %dma_wait3A_67 = arith.constant 0 : i32
    %dma_wait3A_68 = tpu.memref_slice %arg4[%add3A_62, %dma_wait3A_67] : memref<8192x4096xf32, #tpu.memory_space<hbm>> -> memref<8x4096xf32, #tpu.memory_space<hbm>>
    %dma_wait3A_69 = arith.constant 0 : i32
    %dma_wait3A_70 = tpu.memref_slice %arg4[%add3A_62, %dma_wait3A_69] : memref<8192x4096xf32, #tpu.memory_space<hbm>> -> memref<8x4096xf32, #tpu.memory_space<hbm>>
    tpu.wait_dma2 semaphore(%arg14 : memref<!tpu.dma_semaphore, #tpu.memory_space<semaphore_mem>>) src(%arg8 : memref<8x4096xf32, #tpu.memory_space<vmem>>) dst(%dma_wait3A_70 : memref<8x4096xf32, #tpu.memory_space<hbm>>)
    %dma_start3A_71 = arith.constant 40 : i32
    %dma_start3A_72 = tpu.memref_slice %arg5[%dma_start3A_71] : memref<256xi32, #tpu.memory_space<vmem>> -> memref<8xi32, #tpu.memory_space<vmem>>
    %dma_start3A_73 = arith.constant 0 : i32
    %dma_start3A_74 = arith.constant 0 : i32
    %dma_start3A_75 = tpu.memref_slice %arg2[%dma_start3A_73, %dma_start3A_74] : memref<8192x4096xf32, #tpu.memory_space<hbm>> -> memref<8192x4096xf32, #tpu.memory_space<hbm>>
    tpu.enqueue_indirect_dma source(%dma_start3A_75 : memref<8192x4096xf32, #tpu.memory_space<hbm>>) target(%arg8 : memref<8x4096xf32, #tpu.memory_space<vmem>>) offsets(%dma_start3A_72 : memref<8xi32, #tpu.memory_space<vmem>>) semaphore(%arg11 : memref<!tpu.dma_semaphore, #tpu.memory_space<semaphore_mem>>)
    %dma_wait3A_76 = arith.constant 24 : i32
    %dma_wait3A_77 = tpu.memref_slice %arg5[%dma_wait3A_76] : memref<256xi32, #tpu.memory_space<vmem>> -> memref<8xi32, #tpu.memory_space<vmem>>
    %dma_wait3A_78 = arith.constant 0 : i32
    %dma_wait3A_79 = arith.constant 0 : i32
    %dma_wait3A_80 = tpu.memref_slice %arg2[%dma_wait3A_78, %dma_wait3A_79] : memref<8192x4096xf32, #tpu.memory_space<hbm>> -> memref<8192x4096xf32, #tpu.memory_space<hbm>>
    tpu.wait_indirect_dma semaphore(%arg9 : memref<!tpu.dma_semaphore, #tpu.memory_space<semaphore_mem>>) src(%dma_wait3A_80 : memref<8192x4096xf32, #tpu.memory_space<hbm>>) dst(%arg6 : memref<8x4096xf32, #tpu.memory_space<vmem>>)
    %add3A_81 = arith.constant 24 : i32
    %add3A_82 = arith.addi %mul3A_2, %add3A_81 : i32
    %dma_start3A_83 = arith.constant 0 : i32
    %dma_start3A_84 = tpu.memref_slice %arg4[%add3A_82, %dma_start3A_83] : memref<8192x4096xf32, #tpu.memory_space<hbm>> -> memref<8x4096xf32, #tpu.memory_space<hbm>>
    %dma_start3A_85 = arith.constant 0 : i32
    %dma_start3A_86 = tpu.memref_slice %arg4[%add3A_82, %dma_start3A_85] : memref<8192x4096xf32, #tpu.memory_space<hbm>> -> memref<8x4096xf32, #tpu.memory_space<hbm>>
    tpu.enqueue_dma source(%arg6 : memref<8x4096xf32, #tpu.memory_space<vmem>>) target(%dma_start3A_86 : memref<8x4096xf32, #tpu.memory_space<hbm>>) target_semaphore(%arg12 : memref<!tpu.dma_semaphore, #tpu.memory_space<semaphore_mem>>)
    %dma_wait3A_87 = arith.constant 0 : i32
    %dma_wait3A_88 = tpu.memref_slice %arg4[%add3A_82, %dma_wait3A_87] : memref<8192x4096xf32, #tpu.memory_space<hbm>> -> memref<8x4096xf32, #tpu.memory_space<hbm>>
    %dma_wait3A_89 = arith.constant 0 : i32
    %dma_wait3A_90 = tpu.memref_slice %arg4[%add3A_82, %dma_wait3A_89] : memref<8192x4096xf32, #tpu.memory_space<hbm>> -> memref<8x4096xf32, #tpu.memory_space<hbm>>
    tpu.wait_dma2 semaphore(%arg12 : memref<!tpu.dma_semaphore, #tpu.memory_space<semaphore_mem>>) src(%arg6 : memref<8x4096xf32, #tpu.memory_space<vmem>>) dst(%dma_wait3A_90 : memref<8x4096xf32, #tpu.memory_space<hbm>>)
    %dma_start3A_91 = arith.constant 48 : i32
    %dma_start3A_92 = tpu.memref_slice %arg5[%dma_start3A_91] : memref<256xi32, #tpu.memory_space<vmem>> -> memref<8xi32, #tpu.memory_space<vmem>>
    %dma_start3A_93 = arith.constant 0 : i32
    %dma_start3A_94 = arith.constant 0 : i32
    %dma_start3A_95 = tpu.memref_slice %arg2[%dma_start3A_93, %dma_start3A_94] : memref<8192x4096xf32, #tpu.memory_space<hbm>> -> memref<8192x4096xf32, #tpu.memory_space<hbm>>
    tpu.enqueue_indirect_dma source(%dma_start3A_95 : memref<8192x4096xf32, #tpu.memory_space<hbm>>) target(%arg6 : memref<8x4096xf32, #tpu.memory_space<vmem>>) offsets(%dma_start3A_92 : memref<8xi32, #tpu.memory_space<vmem>>) semaphore(%arg9 : memref<!tpu.dma_semaphore, #tpu.memory_space<semaphore_mem>>)
    %dma_wait3A_96 = arith.constant 32 : i32
    %dma_wait3A_97 = tpu.memref_slice %arg5[%dma_wait3A_96] : memref<256xi32, #tpu.memory_space<vmem>> -> memref<8xi32, #tpu.memory_space<vmem>>
    %dma_wait3A_98 = arith.constant 0 : i32
    %dma_wait3A_99 = arith.constant 0 : i32
    %dma_wait3A_100 = tpu.memref_slice %arg2[%dma_wait3A_98, %dma_wait3A_99] : memref<8192x4096xf32, #tpu.memory_space<hbm>> -> memref<8192x4096xf32, #tpu.memory_space<hbm>>
    tpu.wait_indirect_dma semaphore(%arg10 : memref<!tpu.dma_semaphore, #tpu.memory_space<semaphore_mem>>) src(%dma_wait3A_100 : memref<8192x4096xf32, #tpu.memory_space<hbm>>) dst(%arg7 : memref<8x4096xf32, #tpu.memory_space<vmem>>)
    %add3A_101 = arith.constant 32 : i32
    %add3A_102 = arith.addi %mul3A_2, %add3A_101 : i32
    %dma_start3A_103 = arith.constant 0 : i32
    %dma_start3A_104 = tpu.memref_slice %arg4[%add3A_102, %dma_start3A_103] : memref<8192x4096xf32, #tpu.memory_space<hbm>> -> memref<8x4096xf32, #tpu.memory_space<hbm>>
    %dma_start3A_105 = arith.constant 0 : i32
    %dma_start3A_106 = tpu.memref_slice %arg4[%add3A_102, %dma_start3A_105] : memref<8192x4096xf32, #tpu.memory_space<hbm>> -> memref<8x4096xf32, #tpu.memory_space<hbm>>
    tpu.enqueue_dma source(%arg7 : memref<8x4096xf32, #tpu.memory_space<vmem>>) target(%dma_start3A_106 : memref<8x4096xf32, #tpu.memory_space<hbm>>) target_semaphore(%arg13 : memref<!tpu.dma_semaphore, #tpu.memory_space<semaphore_mem>>)
    %dma_wait3A_107 = arith.constant 0 : i32
    %dma_wait3A_108 = tpu.memref_slice %arg4[%add3A_102, %dma_wait3A_107] : memref<8192x4096xf32, #tpu.memory_space<hbm>> -> memref<8x4096xf32, #tpu.memory_space<hbm>>
    %dma_wait3A_109 = arith.constant 0 : i32
    %dma_wait3A_110 = tpu.memref_slice %arg4[%add3A_102, %dma_wait3A_109] : memref<8192x4096xf32, #tpu.memory_space<hbm>> -> memref<8x4096xf32, #tpu.memory_space<hbm>>
    tpu.wait_dma2 semaphore(%arg13 : memref<!tpu.dma_semaphore, #tpu.memory_space<semaphore_mem>>) src(%arg7 : memref<8x4096xf32, #tpu.memory_space<vmem>>) dst(%dma_wait3A_110 : memref<8x4096xf32, #tpu.memory_space<hbm>>)
    %dma_start3A_111 = arith.constant 56 : i32
    %dma_start3A_112 = tpu.memref_slice %arg5[%dma_start3A_111] : memref<256xi32, #tpu.memory_space<vmem>> -> memref<8xi32, #tpu.memory_space<vmem>>
    %dma_start3A_113 = arith.constant 0 : i32
    %dma_start3A_114 = arith.constant 0 : i32
    %dma_start3A_115 = tpu.memref_slice %arg2[%dma_start3A_113, %dma_start3A_114] : memref<8192x4096xf32, #tpu.memory_space<hbm>> -> memref<8192x4096xf32, #tpu.memory_space<hbm>>
    tpu.enqueue_indirect_dma source(%dma_start3A_115 : memref<8192x4096xf32, #tpu.memory_space<hbm>>) target(%arg7 : memref<8x4096xf32, #tpu.memory_space<vmem>>) offsets(%dma_start3A_112 : memref<8xi32, #tpu.memory_space<vmem>>) semaphore(%arg10 : memref<!tpu.dma_semaphore, #tpu.memory_space<semaphore_mem>>)
    %dma_wait3A_116 = arith.constant 40 : i32
    %dma_wait3A_117 = tpu.memref_slice %arg5[%dma_wait3A_116] : memref<256xi32, #tpu.memory_space<vmem>> -> memref<8xi32, #tpu.memory_space<vmem>>
    %dma_wait3A_118 = arith.constant 0 : i32
    %dma_wait3A_119 = arith.constant 0 : i32
    %dma_wait3A_120 = tpu.memref_slice %arg2[%dma_wait3A_118, %dma_wait3A_119] : memref<8192x4096xf32, #tpu.memory_space<hbm>> -> memref<8192x4096xf32, #tpu.memory_space<hbm>>
    tpu.wait_indirect_dma semaphore(%arg11 : memref<!tpu.dma_semaphore, #tpu.memory_space<semaphore_mem>>) src(%dma_wait3A_120 : memref<8192x4096xf32, #tpu.memory_space<hbm>>) dst(%arg8 : memref<8x4096xf32, #tpu.memory_space<vmem>>)
    %add3A_121 = arith.constant 40 : i32
    %add3A_122 = arith.addi %mul3A_2, %add3A_121 : i32
    %dma_start3A_123 = arith.constant 0 : i32
    %dma_start3A_124 = tpu.memref_slice %arg4[%add3A_122, %dma_start3A_123] : memref<8192x4096xf32, #tpu.memory_space<hbm>> -> memref<8x4096xf32, #tpu.memory_space<hbm>>
    %dma_start3A_125 = arith.constant 0 : i32
    %dma_start3A_126 = tpu.memref_slice %arg4[%add3A_122, %dma_start3A_125] : memref<8192x4096xf32, #tpu.memory_space<hbm>> -> memref<8x4096xf32, #tpu.memory_space<hbm>>
    tpu.enqueue_dma source(%arg8 : memref<8x4096xf32, #tpu.memory_space<vmem>>) target(%dma_start3A_126 : memref<8x4096xf32, #tpu.memory_space<hbm>>) target_semaphore(%arg14 : memref<!tpu.dma_semaphore, #tpu.memory_space<semaphore_mem>>)
    %dma_wait3A_127 = arith.constant 0 : i32
    %dma_wait3A_128 = tpu.memref_slice %arg4[%add3A_122, %dma_wait3A_127] : memref<8192x4096xf32, #tpu.memory_space<hbm>> -> memref<8x4096xf32, #tpu.memory_space<hbm>>
    %dma_wait3A_129 = arith.constant 0 : i32
    %dma_wait3A_130 = tpu.memref_slice %arg4[%add3A_122, %dma_wait3A_129] : memref<8192x4096xf32, #tpu.memory_space<hbm>> -> memref<8x4096xf32, #tpu.memory_space<hbm>>
    tpu.wait_dma2 semaphore(%arg14 : memref<!tpu.dma_semaphore, #tpu.memory_space<semaphore_mem>>) src(%arg8 : memref<8x4096xf32, #tpu.memory_space<vmem>>) dst(%dma_wait3A_130 : memref<8x4096xf32, #tpu.memory_space<hbm>>)
    %dma_start3A_131 = arith.constant 64 : i32
    %dma_start3A_132 = tpu.memref_slice %arg5[%dma_start3A_131] : memref<256xi32, #tpu.memory_space<vmem>> -> memref<8xi32, #tpu.memory_space<vmem>>
    %dma_start3A_133 = arith.constant 0 : i32
    %dma_start3A_134 = arith.constant 0 : i32
    %dma_start3A_135 = tpu.memref_slice %arg2[%dma_start3A_133, %dma_start3A_134] : memref<8192x4096xf32, #tpu.memory_space<hbm>> -> memref<8192x4096xf32, #tpu.memory_space<hbm>>
    tpu.enqueue_indirect_dma source(%dma_start3A_135 : memref<8192x4096xf32, #tpu.memory_space<hbm>>) target(%arg8 : memref<8x4096xf32, #tpu.memory_space<vmem>>) offsets(%dma_start3A_132 : memref<8xi32, #tpu.memory_space<vmem>>) semaphore(%arg11 : memref<!tpu.dma_semaphore, #tpu.memory_space<semaphore_mem>>)
    %dma_wait3A_136 = arith.constant 48 : i32
    %dma_wait3A_137 = tpu.memref_slice %arg5[%dma_wait3A_136] : memref<256xi32, #tpu.memory_space<vmem>> -> memref<8xi32, #tpu.memory_space<vmem>>
    %dma_wait3A_138 = arith.constant 0 : i32
    %dma_wait3A_139 = arith.constant 0 : i32
    %dma_wait3A_140 = tpu.memref_slice %arg2[%dma_wait3A_138, %dma_wait3A_139] : memref<8192x4096xf32, #tpu.memory_space<hbm>> -> memref<8192x4096xf32, #tpu.memory_space<hbm>>
    tpu.wait_indirect_dma semaphore(%arg9 : memref<!tpu.dma_semaphore, #tpu.memory_space<semaphore_mem>>) src(%dma_wait3A_140 : memref<8192x4096xf32, #tpu.memory_space<hbm>>) dst(%arg6 : memref<8x4096xf32, #tpu.memory_space<vmem>>)
    %add3A_141 = arith.constant 48 : i32
    %add3A_142 = arith.addi %mul3A_2, %add3A_141 : i32
    %dma_start3A_143 = arith.constant 0 : i32
    %dma_start3A_144 = tpu.memref_slice %arg4[%add3A_142, %dma_start3A_143] : memref<8192x4096xf32, #tpu.memory_space<hbm>> -> memref<8x4096xf32, #tpu.memory_space<hbm>>
    %dma_start3A_145 = arith.constant 0 : i32
    %dma_start3A_146 = tpu.memref_slice %arg4[%add3A_142, %dma_start3A_145] : memref<8192x4096xf32, #tpu.memory_space<hbm>> -> memref<8x4096xf32, #tpu.memory_space<hbm>>
    tpu.enqueue_dma source(%arg6 : memref<8x4096xf32, #tpu.memory_space<vmem>>) target(%dma_start3A_146 : memref<8x4096xf32, #tpu.memory_space<hbm>>) target_semaphore(%arg12 : memref<!tpu.dma_semaphore, #tpu.memory_space<semaphore_mem>>)
    %dma_wait3A_147 = arith.constant 0 : i32
    %dma_wait3A_148 = tpu.memref_slice %arg4[%add3A_142, %dma_wait3A_147] : memref<8192x4096xf32, #tpu.memory_space<hbm>> -> memref<8x4096xf32, #tpu.memory_space<hbm>>
    %dma_wait3A_149 = arith.constant 0 : i32
    %dma_wait3A_150 = tpu.memref_slice %arg4[%add3A_142, %dma_wait3A_149] : memref<8192x4096xf32, #tpu.memory_space<hbm>> -> memref<8x4096xf32, #tpu.memory_space<hbm>>
    tpu.wait_dma2 semaphore(%arg12 : memref<!tpu.dma_semaphore, #tpu.memory_space<semaphore_mem>>) src(%arg6 : memref<8x4096xf32, #tpu.memory_space<vmem>>) dst(%dma_wait3A_150 : memref<8x4096xf32, #tpu.memory_space<hbm>>)
    %dma_start3A_151 = arith.constant 72 : i32
    %dma_start3A_152 = tpu.memref_slice %arg5[%dma_start3A_151] : memref<256xi32, #tpu.memory_space<vmem>> -> memref<8xi32, #tpu.memory_space<vmem>>
    %dma_start3A_153 = arith.constant 0 : i32
    %dma_start3A_154 = arith.constant 0 : i32
    %dma_start3A_155 = tpu.memref_slice %arg2[%dma_start3A_153, %dma_start3A_154] : memref<8192x4096xf32, #tpu.memory_space<hbm>> -> memref<8192x4096xf32, #tpu.memory_space<hbm>>
    tpu.enqueue_indirect_dma source(%dma_start3A_155 : memref<8192x4096xf32, #tpu.memory_space<hbm>>) target(%arg6 : memref<8x4096xf32, #tpu.memory_space<vmem>>) offsets(%dma_start3A_152 : memref<8xi32, #tpu.memory_space<vmem>>) semaphore(%arg9 : memref<!tpu.dma_semaphore, #tpu.memory_space<semaphore_mem>>)
    %dma_wait3A_156 = arith.constant 56 : i32
    %dma_wait3A_157 = tpu.memref_slice %arg5[%dma_wait3A_156] : memref<256xi32, #tpu.memory_space<vmem>> -> memref<8xi32, #tpu.memory_space<vmem>>
    %dma_wait3A_158 = arith.constant 0 : i32
    %dma_wait3A_159 = arith.constant 0 : i32
    %dma_wait3A_160 = tpu.memref_slice %arg2[%dma_wait3A_158, %dma_wait3A_159] : memref<8192x4096xf32, #tpu.memory_space<hbm>> -> memref<8192x4096xf32, #tpu.memory_space<hbm>>
    tpu.wait_indirect_dma semaphore(%arg10 : memref<!tpu.dma_semaphore, #tpu.memory_space<semaphore_mem>>) src(%dma_wait3A_160 : memref<8192x4096xf32, #tpu.memory_space<hbm>>) dst(%arg7 : memref<8x4096xf32, #tpu.memory_space<vmem>>)
    %add3A_161 = arith.constant 56 : i32
    %add3A_162 = arith.addi %mul3A_2, %add3A_161 : i32
    %dma_start3A_163 = arith.constant 0 : i32
    %dma_start3A_164 = tpu.memref_slice %arg4[%add3A_162, %dma_start3A_163] : memref<8192x4096xf32, #tpu.memory_space<hbm>> -> memref<8x4096xf32, #tpu.memory_space<hbm>>
    %dma_start3A_165 = arith.constant 0 : i32
    %dma_start3A_166 = tpu.memref_slice %arg4[%add3A_162, %dma_start3A_165] : memref<8192x4096xf32, #tpu.memory_space<hbm>> -> memref<8x4096xf32, #tpu.memory_space<hbm>>
    tpu.enqueue_dma source(%arg7 : memref<8x4096xf32, #tpu.memory_space<vmem>>) target(%dma_start3A_166 : memref<8x4096xf32, #tpu.memory_space<hbm>>) target_semaphore(%arg13 : memref<!tpu.dma_semaphore, #tpu.memory_space<semaphore_mem>>)
    %dma_wait3A_167 = arith.constant 0 : i32
    %dma_wait3A_168 = tpu.memref_slice %arg4[%add3A_162, %dma_wait3A_167] : memref<8192x4096xf32, #tpu.memory_space<hbm>> -> memref<8x4096xf32, #tpu.memory_space<hbm>>
    %dma_wait3A_169 = arith.constant 0 : i32
    %dma_wait3A_170 = tpu.memref_slice %arg4[%add3A_162, %dma_wait3A_169] : memref<8192x4096xf32, #tpu.memory_space<hbm>> -> memref<8x4096xf32, #tpu.memory_space<hbm>>
    tpu.wait_dma2 semaphore(%arg13 : memref<!tpu.dma_semaphore, #tpu.memory_space<semaphore_mem>>) src(%arg7 : memref<8x4096xf32, #tpu.memory_space<vmem>>) dst(%dma_wait3A_170 : memref<8x4096xf32, #tpu.memory_space<hbm>>)
    %dma_start3A_171 = arith.constant 80 : i32
    %dma_start3A_172 = tpu.memref_slice %arg5[%dma_start3A_171] : memref<256xi32, #tpu.memory_space<vmem>> -> memref<8xi32, #tpu.memory_space<vmem>>
    %dma_start3A_173 = arith.constant 0 : i32
    %dma_start3A_174 = arith.constant 0 : i32
    %dma_start3A_175 = tpu.memref_slice %arg2[%dma_start3A_173, %dma_start3A_174] : memref<8192x4096xf32, #tpu.memory_space<hbm>> -> memref<8192x4096xf32, #tpu.memory_space<hbm>>
    tpu.enqueue_indirect_dma source(%dma_start3A_175 : memref<8192x4096xf32, #tpu.memory_space<hbm>>) target(%arg7 : memref<8x4096xf32, #tpu.memory_space<vmem>>) offsets(%dma_start3A_172 : memref<8xi32, #tpu.memory_space<vmem>>) semaphore(%arg10 : memref<!tpu.dma_semaphore, #tpu.memory_space<semaphore_mem>>)
    %dma_wait3A_176 = arith.constant 64 : i32
    %dma_wait3A_177 = tpu.memref_slice %arg5[%dma_wait3A_176] : memref<256xi32, #tpu.memory_space<vmem>> -> memref<8xi32, #tpu.memory_space<vmem>>
    %dma_wait3A_178 = arith.constant 0 : i32
    %dma_wait3A_179 = arith.constant 0 : i32
    %dma_wait3A_180 = tpu.memref_slice %arg2[%dma_wait3A_178, %dma_wait3A_179] : memref<8192x4096xf32, #tpu.memory_space<hbm>> -> memref<8192x4096xf32, #tpu.memory_space<hbm>>
    tpu.wait_indirect_dma semaphore(%arg11 : memref<!tpu.dma_semaphore, #tpu.memory_space<semaphore_mem>>) src(%dma_wait3A_180 : memref<8192x4096xf32, #tpu.memory_space<hbm>>) dst(%arg8 : memref<8x4096xf32, #tpu.memory_space<vmem>>)
    %add3A_181 = arith.constant 64 : i32
    %add3A_182 = arith.addi %mul3A_2, %add3A_181 : i32
    %dma_start3A_183 = arith.constant 0 : i32
    %dma_start3A_184 = tpu.memref_slice %arg4[%add3A_182, %dma_start3A_183] : memref<8192x4096xf32, #tpu.memory_space<hbm>> -> memref<8x4096xf32, #tpu.memory_space<hbm>>
    %dma_start3A_185 = arith.constant 0 : i32
    %dma_start3A_186 = tpu.memref_slice %arg4[%add3A_182, %dma_start3A_185] : memref<8192x4096xf32, #tpu.memory_space<hbm>> -> memref<8x4096xf32, #tpu.memory_space<hbm>>
    tpu.enqueue_dma source(%arg8 : memref<8x4096xf32, #tpu.memory_space<vmem>>) target(%dma_start3A_186 : memref<8x4096xf32, #tpu.memory_space<hbm>>) target_semaphore(%arg14 : memref<!tpu.dma_semaphore, #tpu.memory_space<semaphore_mem>>)
    %dma_wait3A_187 = arith.constant 0 : i32
    %dma_wait3A_188 = tpu.memref_slice %arg4[%add3A_182, %dma_wait3A_187] : memref<8192x4096xf32, #tpu.memory_space<hbm>> -> memref<8x4096xf32, #tpu.memory_space<hbm>>
    %dma_wait3A_189 = arith.constant 0 : i32
    %dma_wait3A_190 = tpu.memref_slice %arg4[%add3A_182, %dma_wait3A_189] : memref<8192x4096xf32, #tpu.memory_space<hbm>> -> memref<8x4096xf32, #tpu.memory_space<hbm>>
    tpu.wait_dma2 semaphore(%arg14 : memref<!tpu.dma_semaphore, #tpu.memory_space<semaphore_mem>>) src(%arg8 : memref<8x4096xf32, #tpu.memory_space<vmem>>) dst(%dma_wait3A_190 : memref<8x4096xf32, #tpu.memory_space<hbm>>)
    %dma_start3A_191 = arith.constant 88 : i32
    %dma_start3A_192 = tpu.memref_slice %arg5[%dma_start3A_191] : memref<256xi32, #tpu.memory_space<vmem>> -> memref<8xi32, #tpu.memory_space<vmem>>
    %dma_start3A_193 = arith.constant 0 : i32
    %dma_start3A_194 = arith.constant 0 : i32
    %dma_start3A_195 = tpu.memref_slice %arg2[%dma_start3A_193, %dma_start3A_194] : memref<8192x4096xf32, #tpu.memory_space<hbm>> -> memref<8192x4096xf32, #tpu.memory_space<hbm>>
    tpu.enqueue_indirect_dma source(%dma_start3A_195 : memref<8192x4096xf32, #tpu.memory_space<hbm>>) target(%arg8 : memref<8x4096xf32, #tpu.memory_space<vmem>>) offsets(%dma_start3A_192 : memref<8xi32, #tpu.memory_space<vmem>>) semaphore(%arg11 : memref<!tpu.dma_semaphore, #tpu.memory_space<semaphore_mem>>)
    %dma_wait3A_196 = arith.constant 72 : i32
    %dma_wait3A_197 = tpu.memref_slice %arg5[%dma_wait3A_196] : memref<256xi32, #tpu.memory_space<vmem>> -> memref<8xi32, #tpu.memory_space<vmem>>
    %dma_wait3A_198 = arith.constant 0 : i32
    %dma_wait3A_199 = arith.constant 0 : i32
    %dma_wait3A_200 = tpu.memref_slice %arg2[%dma_wait3A_198, %dma_wait3A_199] : memref<8192x4096xf32, #tpu.memory_space<hbm>> -> memref<8192x4096xf32, #tpu.memory_space<hbm>>
    tpu.wait_indirect_dma semaphore(%arg9 : memref<!tpu.dma_semaphore, #tpu.memory_space<semaphore_mem>>) src(%dma_wait3A_200 : memref<8192x4096xf32, #tpu.memory_space<hbm>>) dst(%arg6 : memref<8x4096xf32, #tpu.memory_space<vmem>>)
    %add3A_201 = arith.constant 72 : i32
    %add3A_202 = arith.addi %mul3A_2, %add3A_201 : i32
    %dma_start3A_203 = arith.constant 0 : i32
    %dma_start3A_204 = tpu.memref_slice %arg4[%add3A_202, %dma_start3A_203] : memref<8192x4096xf32, #tpu.memory_space<hbm>> -> memref<8x4096xf32, #tpu.memory_space<hbm>>
    %dma_start3A_205 = arith.constant 0 : i32
    %dma_start3A_206 = tpu.memref_slice %arg4[%add3A_202, %dma_start3A_205] : memref<8192x4096xf32, #tpu.memory_space<hbm>> -> memref<8x4096xf32, #tpu.memory_space<hbm>>
    tpu.enqueue_dma source(%arg6 : memref<8x4096xf32, #tpu.memory_space<vmem>>) target(%dma_start3A_206 : memref<8x4096xf32, #tpu.memory_space<hbm>>) target_semaphore(%arg12 : memref<!tpu.dma_semaphore, #tpu.memory_space<semaphore_mem>>)
    %dma_wait3A_207 = arith.constant 0 : i32
    %dma_wait3A_208 = tpu.memref_slice %arg4[%add3A_202, %dma_wait3A_207] : memref<8192x4096xf32, #tpu.memory_space<hbm>> -> memref<8x4096xf32, #tpu.memory_space<hbm>>
    %dma_wait3A_209 = arith.constant 0 : i32
    %dma_wait3A_210 = tpu.memref_slice %arg4[%add3A_202, %dma_wait3A_209] : memref<8192x4096xf32, #tpu.memory_space<hbm>> -> memref<8x4096xf32, #tpu.memory_space<hbm>>
    tpu.wait_dma2 semaphore(%arg12 : memref<!tpu.dma_semaphore, #tpu.memory_space<semaphore_mem>>) src(%arg6 : memref<8x4096xf32, #tpu.memory_space<vmem>>) dst(%dma_wait3A_210 : memref<8x4096xf32, #tpu.memory_space<hbm>>)
    %dma_start3A_211 = arith.constant 96 : i32
    %dma_start3A_212 = tpu.memref_slice %arg5[%dma_start3A_211] : memref<256xi32, #tpu.memory_space<vmem>> -> memref<8xi32, #tpu.memory_space<vmem>>
    %dma_start3A_213 = arith.constant 0 : i32
    %dma_start3A_214 = arith.constant 0 : i32
    %dma_start3A_215 = tpu.memref_slice %arg2[%dma_start3A_213, %dma_start3A_214] : memref<8192x4096xf32, #tpu.memory_space<hbm>> -> memref<8192x4096xf32, #tpu.memory_space<hbm>>
    tpu.enqueue_indirect_dma source(%dma_start3A_215 : memref<8192x4096xf32, #tpu.memory_space<hbm>>) target(%arg6 : memref<8x4096xf32, #tpu.memory_space<vmem>>) offsets(%dma_start3A_212 : memref<8xi32, #tpu.memory_space<vmem>>) semaphore(%arg9 : memref<!tpu.dma_semaphore, #tpu.memory_space<semaphore_mem>>)
    %dma_wait3A_216 = arith.constant 80 : i32
    %dma_wait3A_217 = tpu.memref_slice %arg5[%dma_wait3A_216] : memref<256xi32, #tpu.memory_space<vmem>> -> memref<8xi32, #tpu.memory_space<vmem>>
    %dma_wait3A_218 = arith.constant 0 : i32
    %dma_wait3A_219 = arith.constant 0 : i32
    %dma_wait3A_220 = tpu.memref_slice %arg2[%dma_wait3A_218, %dma_wait3A_219] : memref<8192x4096xf32, #tpu.memory_space<hbm>> -> memref<8192x4096xf32, #tpu.memory_space<hbm>>
    tpu.wait_indirect_dma semaphore(%arg10 : memref<!tpu.dma_semaphore, #tpu.memory_space<semaphore_mem>>) src(%dma_wait3A_220 : memref<8192x4096xf32, #tpu.memory_space<hbm>>) dst(%arg7 : memref<8x4096xf32, #tpu.memory_space<vmem>>)
    %add3A_221 = arith.constant 80 : i32
    %add3A_222 = arith.addi %mul3A_2, %add3A_221 : i32
    %dma_start3A_223 = arith.constant 0 : i32
    %dma_start3A_224 = tpu.memref_slice %arg4[%add3A_222, %dma_start3A_223] : memref<8192x4096xf32, #tpu.memory_space<hbm>> -> memref<8x4096xf32, #tpu.memory_space<hbm>>
    %dma_start3A_225 = arith.constant 0 : i32
    %dma_start3A_226 = tpu.memref_slice %arg4[%add3A_222, %dma_start3A_225] : memref<8192x4096xf32, #tpu.memory_space<hbm>> -> memref<8x4096xf32, #tpu.memory_space<hbm>>
    tpu.enqueue_dma source(%arg7 : memref<8x4096xf32, #tpu.memory_space<vmem>>) target(%dma_start3A_226 : memref<8x4096xf32, #tpu.memory_space<hbm>>) target_semaphore(%arg13 : memref<!tpu.dma_semaphore, #tpu.memory_space<semaphore_mem>>)
    %dma_wait3A_227 = arith.constant 0 : i32
    %dma_wait3A_228 = tpu.memref_slice %arg4[%add3A_222, %dma_wait3A_227] : memref<8192x4096xf32, #tpu.memory_space<hbm>> -> memref<8x4096xf32, #tpu.memory_space<hbm>>
    %dma_wait3A_229 = arith.constant 0 : i32
    %dma_wait3A_230 = tpu.memref_slice %arg4[%add3A_222, %dma_wait3A_229] : memref<8192x4096xf32, #tpu.memory_space<hbm>> -> memref<8x4096xf32, #tpu.memory_space<hbm>>
    tpu.wait_dma2 semaphore(%arg13 : memref<!tpu.dma_semaphore, #tpu.memory_space<semaphore_mem>>) src(%arg7 : memref<8x4096xf32, #tpu.memory_space<vmem>>) dst(%dma_wait3A_230 : memref<8x4096xf32, #tpu.memory_space<hbm>>)
    %dma_start3A_231 = arith.constant 104 : i32
    %dma_start3A_232 = tpu.memref_slice %arg5[%dma_start3A_231] : memref<256xi32, #tpu.memory_space<vmem>> -> memref<8xi32, #tpu.memory_space<vmem>>
    %dma_start3A_233 = arith.constant 0 : i32
    %dma_start3A_234 = arith.constant 0 : i32
    %dma_start3A_235 = tpu.memref_slice %arg2[%dma_start3A_233, %dma_start3A_234] : memref<8192x4096xf32, #tpu.memory_space<hbm>> -> memref<8192x4096xf32, #tpu.memory_space<hbm>>
    tpu.enqueue_indirect_dma source(%dma_start3A_235 : memref<8192x4096xf32, #tpu.memory_space<hbm>>) target(%arg7 : memref<8x4096xf32, #tpu.memory_space<vmem>>) offsets(%dma_start3A_232 : memref<8xi32, #tpu.memory_space<vmem>>) semaphore(%arg10 : memref<!tpu.dma_semaphore, #tpu.memory_space<semaphore_mem>>)
    %dma_wait3A_236 = arith.constant 88 : i32
    %dma_wait3A_237 = tpu.memref_slice %arg5[%dma_wait3A_236] : memref<256xi32, #tpu.memory_space<vmem>> -> memref<8xi32, #tpu.memory_space<vmem>>
    %dma_wait3A_238 = arith.constant 0 : i32
    %dma_wait3A_239 = arith.constant 0 : i32
    %dma_wait3A_240 = tpu.memref_slice %arg2[%dma_wait3A_238, %dma_wait3A_239] : memref<8192x4096xf32, #tpu.memory_space<hbm>> -> memref<8192x4096xf32, #tpu.memory_space<hbm>>
    tpu.wait_indirect_dma semaphore(%arg11 : memref<!tpu.dma_semaphore, #tpu.memory_space<semaphore_mem>>) src(%dma_wait3A_240 : memref<8192x4096xf32, #tpu.memory_space<hbm>>) dst(%arg8 : memref<8x4096xf32, #tpu.memory_space<vmem>>)
    %add3A_241 = arith.constant 88 : i32
    %add3A_242 = arith.addi %mul3A_2, %add3A_241 : i32
    %dma_start3A_243 = arith.constant 0 : i32
    %dma_start3A_244 = tpu.memref_slice %arg4[%add3A_242, %dma_start3A_243] : memref<8192x4096xf32, #tpu.memory_space<hbm>> -> memref<8x4096xf32, #tpu.memory_space<hbm>>
    %dma_start3A_245 = arith.constant 0 : i32
    %dma_start3A_246 = tpu.memref_slice %arg4[%add3A_242, %dma_start3A_245] : memref<8192x4096xf32, #tpu.memory_space<hbm>> -> memref<8x4096xf32, #tpu.memory_space<hbm>>
    tpu.enqueue_dma source(%arg8 : memref<8x4096xf32, #tpu.memory_space<vmem>>) target(%dma_start3A_246 : memref<8x4096xf32, #tpu.memory_space<hbm>>) target_semaphore(%arg14 : memref<!tpu.dma_semaphore, #tpu.memory_space<semaphore_mem>>)
    %dma_wait3A_247 = arith.constant 0 : i32
    %dma_wait3A_248 = tpu.memref_slice %arg4[%add3A_242, %dma_wait3A_247] : memref<8192x4096xf32, #tpu.memory_space<hbm>> -> memref<8x4096xf32, #tpu.memory_space<hbm>>
    %dma_wait3A_249 = arith.constant 0 : i32
    %dma_wait3A_250 = tpu.memref_slice %arg4[%add3A_242, %dma_wait3A_249] : memref<8192x4096xf32, #tpu.memory_space<hbm>> -> memref<8x4096xf32, #tpu.memory_space<hbm>>
    tpu.wait_dma2 semaphore(%arg14 : memref<!tpu.dma_semaphore, #tpu.memory_space<semaphore_mem>>) src(%arg8 : memref<8x4096xf32, #tpu.memory_space<vmem>>) dst(%dma_wait3A_250 : memref<8x4096xf32, #tpu.memory_space<hbm>>)
    %dma_start3A_251 = arith.constant 112 : i32
    %dma_start3A_252 = tpu.memref_slice %arg5[%dma_start3A_251] : memref<256xi32, #tpu.memory_space<vmem>> -> memref<8xi32, #tpu.memory_space<vmem>>
    %dma_start3A_253 = arith.constant 0 : i32
    %dma_start3A_254 = arith.constant 0 : i32
    %dma_start3A_255 = tpu.memref_slice %arg2[%dma_start3A_253, %dma_start3A_254] : memref<8192x4096xf32, #tpu.memory_space<hbm>> -> memref<8192x4096xf32, #tpu.memory_space<hbm>>
    tpu.enqueue_indirect_dma source(%dma_start3A_255 : memref<8192x4096xf32, #tpu.memory_space<hbm>>) target(%arg8 : memref<8x4096xf32, #tpu.memory_space<vmem>>) offsets(%dma_start3A_252 : memref<8xi32, #tpu.memory_space<vmem>>) semaphore(%arg11 : memref<!tpu.dma_semaphore, #tpu.memory_space<semaphore_mem>>)
    %dma_wait3A_256 = arith.constant 96 : i32
    %dma_wait3A_257 = tpu.memref_slice %arg5[%dma_wait3A_256] : memref<256xi32, #tpu.memory_space<vmem>> -> memref<8xi32, #tpu.memory_space<vmem>>
    %dma_wait3A_258 = arith.constant 0 : i32
    %dma_wait3A_259 = arith.constant 0 : i32
    %dma_wait3A_260 = tpu.memref_slice %arg2[%dma_wait3A_258, %dma_wait3A_259] : memref<8192x4096xf32, #tpu.memory_space<hbm>> -> memref<8192x4096xf32, #tpu.memory_space<hbm>>
    tpu.wait_indirect_dma semaphore(%arg9 : memref<!tpu.dma_semaphore, #tpu.memory_space<semaphore_mem>>) src(%dma_wait3A_260 : memref<8192x4096xf32, #tpu.memory_space<hbm>>) dst(%arg6 : memref<8x4096xf32, #tpu.memory_space<vmem>>)
    %add3A_261 = arith.constant 96 : i32
    %add3A_262 = arith.addi %mul3A_2, %add3A_261 : i32
    %dma_start3A_263 = arith.constant 0 : i32
    %dma_start3A_264 = tpu.memref_slice %arg4[%add3A_262, %dma_start3A_263] : memref<8192x4096xf32, #tpu.memory_space<hbm>> -> memref<8x4096xf32, #tpu.memory_space<hbm>>
    %dma_start3A_265 = arith.constant 0 : i32
    %dma_start3A_266 = tpu.memref_slice %arg4[%add3A_262, %dma_start3A_265] : memref<8192x4096xf32, #tpu.memory_space<hbm>> -> memref<8x4096xf32, #tpu.memory_space<hbm>>
    tpu.enqueue_dma source(%arg6 : memref<8x4096xf32, #tpu.memory_space<vmem>>) target(%dma_start3A_266 : memref<8x4096xf32, #tpu.memory_space<hbm>>) target_semaphore(%arg12 : memref<!tpu.dma_semaphore, #tpu.memory_space<semaphore_mem>>)
    %dma_wait3A_267 = arith.constant 0 : i32
    %dma_wait3A_268 = tpu.memref_slice %arg4[%add3A_262, %dma_wait3A_267] : memref<8192x4096xf32, #tpu.memory_space<hbm>> -> memref<8x4096xf32, #tpu.memory_space<hbm>>
    %dma_wait3A_269 = arith.constant 0 : i32
    %dma_wait3A_270 = tpu.memref_slice %arg4[%add3A_262, %dma_wait3A_269] : memref<8192x4096xf32, #tpu.memory_space<hbm>> -> memref<8x4096xf32, #tpu.memory_space<hbm>>
    tpu.wait_dma2 semaphore(%arg12 : memref<!tpu.dma_semaphore, #tpu.memory_space<semaphore_mem>>) src(%arg6 : memref<8x4096xf32, #tpu.memory_space<vmem>>) dst(%dma_wait3A_270 : memref<8x4096xf32, #tpu.memory_space<hbm>>)
    %dma_start3A_271 = arith.constant 120 : i32
    %dma_start3A_272 = tpu.memref_slice %arg5[%dma_start3A_271] : memref<256xi32, #tpu.memory_space<vmem>> -> memref<8xi32, #tpu.memory_space<vmem>>
    %dma_start3A_273 = arith.constant 0 : i32
    %dma_start3A_274 = arith.constant 0 : i32
    %dma_start3A_275 = tpu.memref_slice %arg2[%dma_start3A_273, %dma_start3A_274] : memref<8192x4096xf32, #tpu.memory_space<hbm>> -> memref<8192x4096xf32, #tpu.memory_space<hbm>>
    tpu.enqueue_indirect_dma source(%dma_start3A_275 : memref<8192x4096xf32, #tpu.memory_space<hbm>>) target(%arg6 : memref<8x4096xf32, #tpu.memory_space<vmem>>) offsets(%dma_start3A_272 : memref<8xi32, #tpu.memory_space<vmem>>) semaphore(%arg9 : memref<!tpu.dma_semaphore, #tpu.memory_space<semaphore_mem>>)
    %dma_wait3A_276 = arith.constant 104 : i32
    %dma_wait3A_277 = tpu.memref_slice %arg5[%dma_wait3A_276] : memref<256xi32, #tpu.memory_space<vmem>> -> memref<8xi32, #tpu.memory_space<vmem>>
    %dma_wait3A_278 = arith.constant 0 : i32
    %dma_wait3A_279 = arith.constant 0 : i32
    %dma_wait3A_280 = tpu.memref_slice %arg2[%dma_wait3A_278, %dma_wait3A_279] : memref<8192x4096xf32, #tpu.memory_space<hbm>> -> memref<8192x4096xf32, #tpu.memory_space<hbm>>
    tpu.wait_indirect_dma semaphore(%arg10 : memref<!tpu.dma_semaphore, #tpu.memory_space<semaphore_mem>>) src(%dma_wait3A_280 : memref<8192x4096xf32, #tpu.memory_space<hbm>>) dst(%arg7 : memref<8x4096xf32, #tpu.memory_space<vmem>>)
    %add3A_281 = arith.constant 104 : i32
    %add3A_282 = arith.addi %mul3A_2, %add3A_281 : i32
    %dma_start3A_283 = arith.constant 0 : i32
    %dma_start3A_284 = tpu.memref_slice %arg4[%add3A_282, %dma_start3A_283] : memref<8192x4096xf32, #tpu.memory_space<hbm>> -> memref<8x4096xf32, #tpu.memory_space<hbm>>
    %dma_start3A_285 = arith.constant 0 : i32
    %dma_start3A_286 = tpu.memref_slice %arg4[%add3A_282, %dma_start3A_285] : memref<8192x4096xf32, #tpu.memory_space<hbm>> -> memref<8x4096xf32, #tpu.memory_space<hbm>>
    tpu.enqueue_dma source(%arg7 : memref<8x4096xf32, #tpu.memory_space<vmem>>) target(%dma_start3A_286 : memref<8x4096xf32, #tpu.memory_space<hbm>>) target_semaphore(%arg13 : memref<!tpu.dma_semaphore, #tpu.memory_space<semaphore_mem>>)
    %dma_wait3A_287 = arith.constant 0 : i32
    %dma_wait3A_288 = tpu.memref_slice %arg4[%add3A_282, %dma_wait3A_287] : memref<8192x4096xf32, #tpu.memory_space<hbm>> -> memref<8x4096xf32, #tpu.memory_space<hbm>>
    %dma_wait3A_289 = arith.constant 0 : i32
    %dma_wait3A_290 = tpu.memref_slice %arg4[%add3A_282, %dma_wait3A_289] : memref<8192x4096xf32, #tpu.memory_space<hbm>> -> memref<8x4096xf32, #tpu.memory_space<hbm>>
    tpu.wait_dma2 semaphore(%arg13 : memref<!tpu.dma_semaphore, #tpu.memory_space<semaphore_mem>>) src(%arg7 : memref<8x4096xf32, #tpu.memory_space<vmem>>) dst(%dma_wait3A_290 : memref<8x4096xf32, #tpu.memory_space<hbm>>)
    %dma_start3A_291 = arith.constant 128 : i32
    %dma_start3A_292 = tpu.memref_slice %arg5[%dma_start3A_291] : memref<256xi32, #tpu.memory_space<vmem>> -> memref<8xi32, #tpu.memory_space<vmem>>
    %dma_start3A_293 = arith.constant 0 : i32
    %dma_start3A_294 = arith.constant 0 : i32
    %dma_start3A_295 = tpu.memref_slice %arg2[%dma_start3A_293, %dma_start3A_294] : memref<8192x4096xf32, #tpu.memory_space<hbm>> -> memref<8192x4096xf32, #tpu.memory_space<hbm>>
    tpu.enqueue_indirect_dma source(%dma_start3A_295 : memref<8192x4096xf32, #tpu.memory_space<hbm>>) target(%arg7 : memref<8x4096xf32, #tpu.memory_space<vmem>>) offsets(%dma_start3A_292 : memref<8xi32, #tpu.memory_space<vmem>>) semaphore(%arg10 : memref<!tpu.dma_semaphore, #tpu.memory_space<semaphore_mem>>)
    %dma_wait3A_296 = arith.constant 112 : i32
    %dma_wait3A_297 = tpu.memref_slice %arg5[%dma_wait3A_296] : memref<256xi32, #tpu.memory_space<vmem>> -> memref<8xi32, #tpu.memory_space<vmem>>
    %dma_wait3A_298 = arith.constant 0 : i32
    %dma_wait3A_299 = arith.constant 0 : i32
    %dma_wait3A_300 = tpu.memref_slice %arg2[%dma_wait3A_298, %dma_wait3A_299] : memref<8192x4096xf32, #tpu.memory_space<hbm>> -> memref<8192x4096xf32, #tpu.memory_space<hbm>>
    tpu.wait_indirect_dma semaphore(%arg11 : memref<!tpu.dma_semaphore, #tpu.memory_space<semaphore_mem>>) src(%dma_wait3A_300 : memref<8192x4096xf32, #tpu.memory_space<hbm>>) dst(%arg8 : memref<8x4096xf32, #tpu.memory_space<vmem>>)
    %add3A_301 = arith.constant 112 : i32
    %add3A_302 = arith.addi %mul3A_2, %add3A_301 : i32
    %dma_start3A_303 = arith.constant 0 : i32
    %dma_start3A_304 = tpu.memref_slice %arg4[%add3A_302, %dma_start3A_303] : memref<8192x4096xf32, #tpu.memory_space<hbm>> -> memref<8x4096xf32, #tpu.memory_space<hbm>>
    %dma_start3A_305 = arith.constant 0 : i32
    %dma_start3A_306 = tpu.memref_slice %arg4[%add3A_302, %dma_start3A_305] : memref<8192x4096xf32, #tpu.memory_space<hbm>> -> memref<8x4096xf32, #tpu.memory_space<hbm>>
    tpu.enqueue_dma source(%arg8 : memref<8x4096xf32, #tpu.memory_space<vmem>>) target(%dma_start3A_306 : memref<8x4096xf32, #tpu.memory_space<hbm>>) target_semaphore(%arg14 : memref<!tpu.dma_semaphore, #tpu.memory_space<semaphore_mem>>)
    %dma_wait3A_307 = arith.constant 0 : i32
    %dma_wait3A_308 = tpu.memref_slice %arg4[%add3A_302, %dma_wait3A_307] : memref<8192x4096xf32, #tpu.memory_space<hbm>> -> memref<8x4096xf32, #tpu.memory_space<hbm>>
    %dma_wait3A_309 = arith.constant 0 : i32
    %dma_wait3A_310 = tpu.memref_slice %arg4[%add3A_302, %dma_wait3A_309] : memref<8192x4096xf32, #tpu.memory_space<hbm>> -> memref<8x4096xf32, #tpu.memory_space<hbm>>
    tpu.wait_dma2 semaphore(%arg14 : memref<!tpu.dma_semaphore, #tpu.memory_space<semaphore_mem>>) src(%arg8 : memref<8x4096xf32, #tpu.memory_space<vmem>>) dst(%dma_wait3A_310 : memref<8x4096xf32, #tpu.memory_space<hbm>>)
    %dma_start3A_311 = arith.constant 136 : i32
    %dma_start3A_312 = tpu.memref_slice %arg5[%dma_start3A_311] : memref<256xi32, #tpu.memory_space<vmem>> -> memref<8xi32, #tpu.memory_space<vmem>>
    %dma_start3A_313 = arith.constant 0 : i32
    %dma_start3A_314 = arith.constant 0 : i32
    %dma_start3A_315 = tpu.memref_slice %arg2[%dma_start3A_313, %dma_start3A_314] : memref<8192x4096xf32, #tpu.memory_space<hbm>> -> memref<8192x4096xf32, #tpu.memory_space<hbm>>
    tpu.enqueue_indirect_dma source(%dma_start3A_315 : memref<8192x4096xf32, #tpu.memory_space<hbm>>) target(%arg8 : memref<8x4096xf32, #tpu.memory_space<vmem>>) offsets(%dma_start3A_312 : memref<8xi32, #tpu.memory_space<vmem>>) semaphore(%arg11 : memref<!tpu.dma_semaphore, #tpu.memory_space<semaphore_mem>>)
    %dma_wait3A_316 = arith.constant 120 : i32
    %dma_wait3A_317 = tpu.memref_slice %arg5[%dma_wait3A_316] : memref<256xi32, #tpu.memory_space<vmem>> -> memref<8xi32, #tpu.memory_space<vmem>>
    %dma_wait3A_318 = arith.constant 0 : i32
    %dma_wait3A_319 = arith.constant 0 : i32
    %dma_wait3A_320 = tpu.memref_slice %arg2[%dma_wait3A_318, %dma_wait3A_319] : memref<8192x4096xf32, #tpu.memory_space<hbm>> -> memref<8192x4096xf32, #tpu.memory_space<hbm>>
    tpu.wait_indirect_dma semaphore(%arg9 : memref<!tpu.dma_semaphore, #tpu.memory_space<semaphore_mem>>) src(%dma_wait3A_320 : memref<8192x4096xf32, #tpu.memory_space<hbm>>) dst(%arg6 : memref<8x4096xf32, #tpu.memory_space<vmem>>)
    %add3A_321 = arith.constant 120 : i32
    %add3A_322 = arith.addi %mul3A_2, %add3A_321 : i32
    %dma_start3A_323 = arith.constant 0 : i32
    %dma_start3A_324 = tpu.memref_slice %arg4[%add3A_322, %dma_start3A_323] : memref<8192x4096xf32, #tpu.memory_space<hbm>> -> memref<8x4096xf32, #tpu.memory_space<hbm>>
    %dma_start3A_325 = arith.constant 0 : i32
    %dma_start3A_326 = tpu.memref_slice %arg4[%add3A_322, %dma_start3A_325] : memref<8192x4096xf32, #tpu.memory_space<hbm>> -> memref<8x4096xf32, #tpu.memory_space<hbm>>
    tpu.enqueue_dma source(%arg6 : memref<8x4096xf32, #tpu.memory_space<vmem>>) target(%dma_start3A_326 : memref<8x4096xf32, #tpu.memory_space<hbm>>) target_semaphore(%arg12 : memref<!tpu.dma_semaphore, #tpu.memory_space<semaphore_mem>>)
    %dma_wait3A_327 = arith.constant 0 : i32
    %dma_wait3A_328 = tpu.memref_slice %arg4[%add3A_322, %dma_wait3A_327] : memref<8192x4096xf32, #tpu.memory_space<hbm>> -> memref<8x4096xf32, #tpu.memory_space<hbm>>
    %dma_wait3A_329 = arith.constant 0 : i32
    %dma_wait3A_330 = tpu.memref_slice %arg4[%add3A_322, %dma_wait3A_329] : memref<8192x4096xf32, #tpu.memory_space<hbm>> -> memref<8x4096xf32, #tpu.memory_space<hbm>>
    tpu.wait_dma2 semaphore(%arg12 : memref<!tpu.dma_semaphore, #tpu.memory_space<semaphore_mem>>) src(%arg6 : memref<8x4096xf32, #tpu.memory_space<vmem>>) dst(%dma_wait3A_330 : memref<8x4096xf32, #tpu.memory_space<hbm>>)
    %dma_start3A_331 = arith.constant 144 : i32
    %dma_start3A_332 = tpu.memref_slice %arg5[%dma_start3A_331] : memref<256xi32, #tpu.memory_space<vmem>> -> memref<8xi32, #tpu.memory_space<vmem>>
    %dma_start3A_333 = arith.constant 0 : i32
    %dma_start3A_334 = arith.constant 0 : i32
    %dma_start3A_335 = tpu.memref_slice %arg2[%dma_start3A_333, %dma_start3A_334] : memref<8192x4096xf32, #tpu.memory_space<hbm>> -> memref<8192x4096xf32, #tpu.memory_space<hbm>>
    tpu.enqueue_indirect_dma source(%dma_start3A_335 : memref<8192x4096xf32, #tpu.memory_space<hbm>>) target(%arg6 : memref<8x4096xf32, #tpu.memory_space<vmem>>) offsets(%dma_start3A_332 : memref<8xi32, #tpu.memory_space<vmem>>) semaphore(%arg9 : memref<!tpu.dma_semaphore, #tpu.memory_space<semaphore_mem>>)
    %dma_wait3A_336 = arith.constant 128 : i32
    %dma_wait3A_337 = tpu.memref_slice %arg5[%dma_wait3A_336] : memref<256xi32, #tpu.memory_space<vmem>> -> memref<8xi32, #tpu.memory_space<vmem>>
    %dma_wait3A_338 = arith.constant 0 : i32
    %dma_wait3A_339 = arith.constant 0 : i32
    %dma_wait3A_340 = tpu.memref_slice %arg2[%dma_wait3A_338, %dma_wait3A_339] : memref<8192x4096xf32, #tpu.memory_space<hbm>> -> memref<8192x4096xf32, #tpu.memory_space<hbm>>
    tpu.wait_indirect_dma semaphore(%arg10 : memref<!tpu.dma_semaphore, #tpu.memory_space<semaphore_mem>>) src(%dma_wait3A_340 : memref<8192x4096xf32, #tpu.memory_space<hbm>>) dst(%arg7 : memref<8x4096xf32, #tpu.memory_space<vmem>>)
    %add3A_341 = arith.constant 128 : i32
    %add3A_342 = arith.addi %mul3A_2, %add3A_341 : i32
    %dma_start3A_343 = arith.constant 0 : i32
    %dma_start3A_344 = tpu.memref_slice %arg4[%add3A_342, %dma_start3A_343] : memref<8192x4096xf32, #tpu.memory_space<hbm>> -> memref<8x4096xf32, #tpu.memory_space<hbm>>
    %dma_start3A_345 = arith.constant 0 : i32
    %dma_start3A_346 = tpu.memref_slice %arg4[%add3A_342, %dma_start3A_345] : memref<8192x4096xf32, #tpu.memory_space<hbm>> -> memref<8x4096xf32, #tpu.memory_space<hbm>>
    tpu.enqueue_dma source(%arg7 : memref<8x4096xf32, #tpu.memory_space<vmem>>) target(%dma_start3A_346 : memref<8x4096xf32, #tpu.memory_space<hbm>>) target_semaphore(%arg13 : memref<!tpu.dma_semaphore, #tpu.memory_space<semaphore_mem>>)
    %dma_wait3A_347 = arith.constant 0 : i32
    %dma_wait3A_348 = tpu.memref_slice %arg4[%add3A_342, %dma_wait3A_347] : memref<8192x4096xf32, #tpu.memory_space<hbm>> -> memref<8x4096xf32, #tpu.memory_space<hbm>>
    %dma_wait3A_349 = arith.constant 0 : i32
    %dma_wait3A_350 = tpu.memref_slice %arg4[%add3A_342, %dma_wait3A_349] : memref<8192x4096xf32, #tpu.memory_space<hbm>> -> memref<8x4096xf32, #tpu.memory_space<hbm>>
    tpu.wait_dma2 semaphore(%arg13 : memref<!tpu.dma_semaphore, #tpu.memory_space<semaphore_mem>>) src(%arg7 : memref<8x4096xf32, #tpu.memory_space<vmem>>) dst(%dma_wait3A_350 : memref<8x4096xf32, #tpu.memory_space<hbm>>)
    %dma_start3A_351 = arith.constant 152 : i32
    %dma_start3A_352 = tpu.memref_slice %arg5[%dma_start3A_351] : memref<256xi32, #tpu.memory_space<vmem>> -> memref<8xi32, #tpu.memory_space<vmem>>
    %dma_start3A_353 = arith.constant 0 : i32
    %dma_start3A_354 = arith.constant 0 : i32
    %dma_start3A_355 = tpu.memref_slice %arg2[%dma_start3A_353, %dma_start3A_354] : memref<8192x4096xf32, #tpu.memory_space<hbm>> -> memref<8192x4096xf32, #tpu.memory_space<hbm>>
    tpu.enqueue_indirect_dma source(%dma_start3A_355 : memref<8192x4096xf32, #tpu.memory_space<hbm>>) target(%arg7 : memref<8x4096xf32, #tpu.memory_space<vmem>>) offsets(%dma_start3A_352 : memref<8xi32, #tpu.memory_space<vmem>>) semaphore(%arg10 : memref<!tpu.dma_semaphore, #tpu.memory_space<semaphore_mem>>)
    %dma_wait3A_356 = arith.constant 136 : i32
    %dma_wait3A_357 = tpu.memref_slice %arg5[%dma_wait3A_356] : memref<256xi32, #tpu.memory_space<vmem>> -> memref<8xi32, #tpu.memory_space<vmem>>
    %dma_wait3A_358 = arith.constant 0 : i32
    %dma_wait3A_359 = arith.constant 0 : i32
    %dma_wait3A_360 = tpu.memref_slice %arg2[%dma_wait3A_358, %dma_wait3A_359] : memref<8192x4096xf32, #tpu.memory_space<hbm>> -> memref<8192x4096xf32, #tpu.memory_space<hbm>>
    tpu.wait_indirect_dma semaphore(%arg11 : memref<!tpu.dma_semaphore, #tpu.memory_space<semaphore_mem>>) src(%dma_wait3A_360 : memref<8192x4096xf32, #tpu.memory_space<hbm>>) dst(%arg8 : memref<8x4096xf32, #tpu.memory_space<vmem>>)
    %add3A_361 = arith.constant 136 : i32
    %add3A_362 = arith.addi %mul3A_2, %add3A_361 : i32
    %dma_start3A_363 = arith.constant 0 : i32
    %dma_start3A_364 = tpu.memref_slice %arg4[%add3A_362, %dma_start3A_363] : memref<8192x4096xf32, #tpu.memory_space<hbm>> -> memref<8x4096xf32, #tpu.memory_space<hbm>>
    %dma_start3A_365 = arith.constant 0 : i32
    %dma_start3A_366 = tpu.memref_slice %arg4[%add3A_362, %dma_start3A_365] : memref<8192x4096xf32, #tpu.memory_space<hbm>> -> memref<8x4096xf32, #tpu.memory_space<hbm>>
    tpu.enqueue_dma source(%arg8 : memref<8x4096xf32, #tpu.memory_space<vmem>>) target(%dma_start3A_366 : memref<8x4096xf32, #tpu.memory_space<hbm>>) target_semaphore(%arg14 : memref<!tpu.dma_semaphore, #tpu.memory_space<semaphore_mem>>)
    %dma_wait3A_367 = arith.constant 0 : i32
    %dma_wait3A_368 = tpu.memref_slice %arg4[%add3A_362, %dma_wait3A_367] : memref<8192x4096xf32, #tpu.memory_space<hbm>> -> memref<8x4096xf32, #tpu.memory_space<hbm>>
    %dma_wait3A_369 = arith.constant 0 : i32
    %dma_wait3A_370 = tpu.memref_slice %arg4[%add3A_362, %dma_wait3A_369] : memref<8192x4096xf32, #tpu.memory_space<hbm>> -> memref<8x4096xf32, #tpu.memory_space<hbm>>
    tpu.wait_dma2 semaphore(%arg14 : memref<!tpu.dma_semaphore, #tpu.memory_space<semaphore_mem>>) src(%arg8 : memref<8x4096xf32, #tpu.memory_space<vmem>>) dst(%dma_wait3A_370 : memref<8x4096xf32, #tpu.memory_space<hbm>>)
    %dma_start3A_371 = arith.constant 160 : i32
    %dma_start3A_372 = tpu.memref_slice %arg5[%dma_start3A_371] : memref<256xi32, #tpu.memory_space<vmem>> -> memref<8xi32, #tpu.memory_space<vmem>>
    %dma_start3A_373 = arith.constant 0 : i32
    %dma_start3A_374 = arith.constant 0 : i32
    %dma_start3A_375 = tpu.memref_slice %arg2[%dma_start3A_373, %dma_start3A_374] : memref<8192x4096xf32, #tpu.memory_space<hbm>> -> memref<8192x4096xf32, #tpu.memory_space<hbm>>
    tpu.enqueue_indirect_dma source(%dma_start3A_375 : memref<8192x4096xf32, #tpu.memory_space<hbm>>) target(%arg8 : memref<8x4096xf32, #tpu.memory_space<vmem>>) offsets(%dma_start3A_372 : memref<8xi32, #tpu.memory_space<vmem>>) semaphore(%arg11 : memref<!tpu.dma_semaphore, #tpu.memory_space<semaphore_mem>>)
    %dma_wait3A_376 = arith.constant 144 : i32
    %dma_wait3A_377 = tpu.memref_slice %arg5[%dma_wait3A_376] : memref<256xi32, #tpu.memory_space<vmem>> -> memref<8xi32, #tpu.memory_space<vmem>>
    %dma_wait3A_378 = arith.constant 0 : i32
    %dma_wait3A_379 = arith.constant 0 : i32
    %dma_wait3A_380 = tpu.memref_slice %arg2[%dma_wait3A_378, %dma_wait3A_379] : memref<8192x4096xf32, #tpu.memory_space<hbm>> -> memref<8192x4096xf32, #tpu.memory_space<hbm>>
    tpu.wait_indirect_dma semaphore(%arg9 : memref<!tpu.dma_semaphore, #tpu.memory_space<semaphore_mem>>) src(%dma_wait3A_380 : memref<8192x4096xf32, #tpu.memory_space<hbm>>) dst(%arg6 : memref<8x4096xf32, #tpu.memory_space<vmem>>)
    %add3A_381 = arith.constant 144 : i32
    %add3A_382 = arith.addi %mul3A_2, %add3A_381 : i32
    %dma_start3A_383 = arith.constant 0 : i32
    %dma_start3A_384 = tpu.memref_slice %arg4[%add3A_382, %dma_start3A_383] : memref<8192x4096xf32, #tpu.memory_space<hbm>> -> memref<8x4096xf32, #tpu.memory_space<hbm>>
    %dma_start3A_385 = arith.constant 0 : i32
    %dma_start3A_386 = tpu.memref_slice %arg4[%add3A_382, %dma_start3A_385] : memref<8192x4096xf32, #tpu.memory_space<hbm>> -> memref<8x4096xf32, #tpu.memory_space<hbm>>
    tpu.enqueue_dma source(%arg6 : memref<8x4096xf32, #tpu.memory_space<vmem>>) target(%dma_start3A_386 : memref<8x4096xf32, #tpu.memory_space<hbm>>) target_semaphore(%arg12 : memref<!tpu.dma_semaphore, #tpu.memory_space<semaphore_mem>>)
    %dma_wait3A_387 = arith.constant 0 : i32
    %dma_wait3A_388 = tpu.memref_slice %arg4[%add3A_382, %dma_wait3A_387] : memref<8192x4096xf32, #tpu.memory_space<hbm>> -> memref<8x4096xf32, #tpu.memory_space<hbm>>
    %dma_wait3A_389 = arith.constant 0 : i32
    %dma_wait3A_390 = tpu.memref_slice %arg4[%add3A_382, %dma_wait3A_389] : memref<8192x4096xf32, #tpu.memory_space<hbm>> -> memref<8x4096xf32, #tpu.memory_space<hbm>>
    tpu.wait_dma2 semaphore(%arg12 : memref<!tpu.dma_semaphore, #tpu.memory_space<semaphore_mem>>) src(%arg6 : memref<8x4096xf32, #tpu.memory_space<vmem>>) dst(%dma_wait3A_390 : memref<8x4096xf32, #tpu.memory_space<hbm>>)
    %dma_start3A_391 = arith.constant 168 : i32
    %dma_start3A_392 = tpu.memref_slice %arg5[%dma_start3A_391] : memref<256xi32, #tpu.memory_space<vmem>> -> memref<8xi32, #tpu.memory_space<vmem>>
    %dma_start3A_393 = arith.constant 0 : i32
    %dma_start3A_394 = arith.constant 0 : i32
    %dma_start3A_395 = tpu.memref_slice %arg2[%dma_start3A_393, %dma_start3A_394] : memref<8192x4096xf32, #tpu.memory_space<hbm>> -> memref<8192x4096xf32, #tpu.memory_space<hbm>>
    tpu.enqueue_indirect_dma source(%dma_start3A_395 : memref<8192x4096xf32, #tpu.memory_space<hbm>>) target(%arg6 : memref<8x4096xf32, #tpu.memory_space<vmem>>) offsets(%dma_start3A_392 : memref<8xi32, #tpu.memory_space<vmem>>) semaphore(%arg9 : memref<!tpu.dma_semaphore, #tpu.memory_space<semaphore_mem>>)
    %dma_wait3A_396 = arith.constant 152 : i32
    %dma_wait3A_397 = tpu.memref_slice %arg5[%dma_wait3A_396] : memref<256xi32, #tpu.memory_space<vmem>> -> memref<8xi32, #tpu.memory_space<vmem>>
    %dma_wait3A_398 = arith.constant 0 : i32
    %dma_wait3A_399 = arith.constant 0 : i32
    %dma_wait3A_400 = tpu.memref_slice %arg2[%dma_wait3A_398, %dma_wait3A_399] : memref<8192x4096xf32, #tpu.memory_space<hbm>> -> memref<8192x4096xf32, #tpu.memory_space<hbm>>
    tpu.wait_indirect_dma semaphore(%arg10 : memref<!tpu.dma_semaphore, #tpu.memory_space<semaphore_mem>>) src(%dma_wait3A_400 : memref<8192x4096xf32, #tpu.memory_space<hbm>>) dst(%arg7 : memref<8x4096xf32, #tpu.memory_space<vmem>>)
    %add3A_401 = arith.constant 152 : i32
    %add3A_402 = arith.addi %mul3A_2, %add3A_401 : i32
    %dma_start3A_403 = arith.constant 0 : i32
    %dma_start3A_404 = tpu.memref_slice %arg4[%add3A_402, %dma_start3A_403] : memref<8192x4096xf32, #tpu.memory_space<hbm>> -> memref<8x4096xf32, #tpu.memory_space<hbm>>
    %dma_start3A_405 = arith.constant 0 : i32
    %dma_start3A_406 = tpu.memref_slice %arg4[%add3A_402, %dma_start3A_405] : memref<8192x4096xf32, #tpu.memory_space<hbm>> -> memref<8x4096xf32, #tpu.memory_space<hbm>>
    tpu.enqueue_dma source(%arg7 : memref<8x4096xf32, #tpu.memory_space<vmem>>) target(%dma_start3A_406 : memref<8x4096xf32, #tpu.memory_space<hbm>>) target_semaphore(%arg13 : memref<!tpu.dma_semaphore, #tpu.memory_space<semaphore_mem>>)
    %dma_wait3A_407 = arith.constant 0 : i32
    %dma_wait3A_408 = tpu.memref_slice %arg4[%add3A_402, %dma_wait3A_407] : memref<8192x4096xf32, #tpu.memory_space<hbm>> -> memref<8x4096xf32, #tpu.memory_space<hbm>>
    %dma_wait3A_409 = arith.constant 0 : i32
    %dma_wait3A_410 = tpu.memref_slice %arg4[%add3A_402, %dma_wait3A_409] : memref<8192x4096xf32, #tpu.memory_space<hbm>> -> memref<8x4096xf32, #tpu.memory_space<hbm>>
    tpu.wait_dma2 semaphore(%arg13 : memref<!tpu.dma_semaphore, #tpu.memory_space<semaphore_mem>>) src(%arg7 : memref<8x4096xf32, #tpu.memory_space<vmem>>) dst(%dma_wait3A_410 : memref<8x4096xf32, #tpu.memory_space<hbm>>)
    %dma_start3A_411 = arith.constant 176 : i32
    %dma_start3A_412 = tpu.memref_slice %arg5[%dma_start3A_411] : memref<256xi32, #tpu.memory_space<vmem>> -> memref<8xi32, #tpu.memory_space<vmem>>
    %dma_start3A_413 = arith.constant 0 : i32
    %dma_start3A_414 = arith.constant 0 : i32
    %dma_start3A_415 = tpu.memref_slice %arg2[%dma_start3A_413, %dma_start3A_414] : memref<8192x4096xf32, #tpu.memory_space<hbm>> -> memref<8192x4096xf32, #tpu.memory_space<hbm>>
    tpu.enqueue_indirect_dma source(%dma_start3A_415 : memref<8192x4096xf32, #tpu.memory_space<hbm>>) target(%arg7 : memref<8x4096xf32, #tpu.memory_space<vmem>>) offsets(%dma_start3A_412 : memref<8xi32, #tpu.memory_space<vmem>>) semaphore(%arg10 : memref<!tpu.dma_semaphore, #tpu.memory_space<semaphore_mem>>)
    %dma_wait3A_416 = arith.constant 160 : i32
    %dma_wait3A_417 = tpu.memref_slice %arg5[%dma_wait3A_416] : memref<256xi32, #tpu.memory_space<vmem>> -> memref<8xi32, #tpu.memory_space<vmem>>
    %dma_wait3A_418 = arith.constant 0 : i32
    %dma_wait3A_419 = arith.constant 0 : i32
    %dma_wait3A_420 = tpu.memref_slice %arg2[%dma_wait3A_418, %dma_wait3A_419] : memref<8192x4096xf32, #tpu.memory_space<hbm>> -> memref<8192x4096xf32, #tpu.memory_space<hbm>>
    tpu.wait_indirect_dma semaphore(%arg11 : memref<!tpu.dma_semaphore, #tpu.memory_space<semaphore_mem>>) src(%dma_wait3A_420 : memref<8192x4096xf32, #tpu.memory_space<hbm>>) dst(%arg8 : memref<8x4096xf32, #tpu.memory_space<vmem>>)
    %add3A_421 = arith.constant 160 : i32
    %add3A_422 = arith.addi %mul3A_2, %add3A_421 : i32
    %dma_start3A_423 = arith.constant 0 : i32
    %dma_start3A_424 = tpu.memref_slice %arg4[%add3A_422, %dma_start3A_423] : memref<8192x4096xf32, #tpu.memory_space<hbm>> -> memref<8x4096xf32, #tpu.memory_space<hbm>>
    %dma_start3A_425 = arith.constant 0 : i32
    %dma_start3A_426 = tpu.memref_slice %arg4[%add3A_422, %dma_start3A_425] : memref<8192x4096xf32, #tpu.memory_space<hbm>> -> memref<8x4096xf32, #tpu.memory_space<hbm>>
    tpu.enqueue_dma source(%arg8 : memref<8x4096xf32, #tpu.memory_space<vmem>>) target(%dma_start3A_426 : memref<8x4096xf32, #tpu.memory_space<hbm>>) target_semaphore(%arg14 : memref<!tpu.dma_semaphore, #tpu.memory_space<semaphore_mem>>)
    %dma_wait3A_427 = arith.constant 0 : i32
    %dma_wait3A_428 = tpu.memref_slice %arg4[%add3A_422, %dma_wait3A_427] : memref<8192x4096xf32, #tpu.memory_space<hbm>> -> memref<8x4096xf32, #tpu.memory_space<hbm>>
    %dma_wait3A_429 = arith.constant 0 : i32
    %dma_wait3A_430 = tpu.memref_slice %arg4[%add3A_422, %dma_wait3A_429] : memref<8192x4096xf32, #tpu.memory_space<hbm>> -> memref<8x4096xf32, #tpu.memory_space<hbm>>
    tpu.wait_dma2 semaphore(%arg14 : memref<!tpu.dma_semaphore, #tpu.memory_space<semaphore_mem>>) src(%arg8 : memref<8x4096xf32, #tpu.memory_space<vmem>>) dst(%dma_wait3A_430 : memref<8x4096xf32, #tpu.memory_space<hbm>>)
    %dma_start3A_431 = arith.constant 184 : i32
    %dma_start3A_432 = tpu.memref_slice %arg5[%dma_start3A_431] : memref<256xi32, #tpu.memory_space<vmem>> -> memref<8xi32, #tpu.memory_space<vmem>>
    %dma_start3A_433 = arith.constant 0 : i32
    %dma_start3A_434 = arith.constant 0 : i32
    %dma_start3A_435 = tpu.memref_slice %arg2[%dma_start3A_433, %dma_start3A_434] : memref<8192x4096xf32, #tpu.memory_space<hbm>> -> memref<8192x4096xf32, #tpu.memory_space<hbm>>
    tpu.enqueue_indirect_dma source(%dma_start3A_435 : memref<8192x4096xf32, #tpu.memory_space<hbm>>) target(%arg8 : memref<8x4096xf32, #tpu.memory_space<vmem>>) offsets(%dma_start3A_432 : memref<8xi32, #tpu.memory_space<vmem>>) semaphore(%arg11 : memref<!tpu.dma_semaphore, #tpu.memory_space<semaphore_mem>>)
    %dma_wait3A_436 = arith.constant 168 : i32
    %dma_wait3A_437 = tpu.memref_slice %arg5[%dma_wait3A_436] : memref<256xi32, #tpu.memory_space<vmem>> -> memref<8xi32, #tpu.memory_space<vmem>>
    %dma_wait3A_438 = arith.constant 0 : i32
    %dma_wait3A_439 = arith.constant 0 : i32
    %dma_wait3A_440 = tpu.memref_slice %arg2[%dma_wait3A_438, %dma_wait3A_439] : memref<8192x4096xf32, #tpu.memory_space<hbm>> -> memref<8192x4096xf32, #tpu.memory_space<hbm>>
    tpu.wait_indirect_dma semaphore(%arg9 : memref<!tpu.dma_semaphore, #tpu.memory_space<semaphore_mem>>) src(%dma_wait3A_440 : memref<8192x4096xf32, #tpu.memory_space<hbm>>) dst(%arg6 : memref<8x4096xf32, #tpu.memory_space<vmem>>)
    %add3A_441 = arith.constant 168 : i32
    %add3A_442 = arith.addi %mul3A_2, %add3A_441 : i32
    %dma_start3A_443 = arith.constant 0 : i32
    %dma_start3A_444 = tpu.memref_slice %arg4[%add3A_442, %dma_start3A_443] : memref<8192x4096xf32, #tpu.memory_space<hbm>> -> memref<8x4096xf32, #tpu.memory_space<hbm>>
    %dma_start3A_445 = arith.constant 0 : i32
    %dma_start3A_446 = tpu.memref_slice %arg4[%add3A_442, %dma_start3A_445] : memref<8192x4096xf32, #tpu.memory_space<hbm>> -> memref<8x4096xf32, #tpu.memory_space<hbm>>
    tpu.enqueue_dma source(%arg6 : memref<8x4096xf32, #tpu.memory_space<vmem>>) target(%dma_start3A_446 : memref<8x4096xf32, #tpu.memory_space<hbm>>) target_semaphore(%arg12 : memref<!tpu.dma_semaphore, #tpu.memory_space<semaphore_mem>>)
    %dma_wait3A_447 = arith.constant 0 : i32
    %dma_wait3A_448 = tpu.memref_slice %arg4[%add3A_442, %dma_wait3A_447] : memref<8192x4096xf32, #tpu.memory_space<hbm>> -> memref<8x4096xf32, #tpu.memory_space<hbm>>
    %dma_wait3A_449 = arith.constant 0 : i32
    %dma_wait3A_450 = tpu.memref_slice %arg4[%add3A_442, %dma_wait3A_449] : memref<8192x4096xf32, #tpu.memory_space<hbm>> -> memref<8x4096xf32, #tpu.memory_space<hbm>>
    tpu.wait_dma2 semaphore(%arg12 : memref<!tpu.dma_semaphore, #tpu.memory_space<semaphore_mem>>) src(%arg6 : memref<8x4096xf32, #tpu.memory_space<vmem>>) dst(%dma_wait3A_450 : memref<8x4096xf32, #tpu.memory_space<hbm>>)
    %dma_start3A_451 = arith.constant 192 : i32
    %dma_start3A_452 = tpu.memref_slice %arg5[%dma_start3A_451] : memref<256xi32, #tpu.memory_space<vmem>> -> memref<8xi32, #tpu.memory_space<vmem>>
    %dma_start3A_453 = arith.constant 0 : i32
    %dma_start3A_454 = arith.constant 0 : i32
    %dma_start3A_455 = tpu.memref_slice %arg2[%dma_start3A_453, %dma_start3A_454] : memref<8192x4096xf32, #tpu.memory_space<hbm>> -> memref<8192x4096xf32, #tpu.memory_space<hbm>>
    tpu.enqueue_indirect_dma source(%dma_start3A_455 : memref<8192x4096xf32, #tpu.memory_space<hbm>>) target(%arg6 : memref<8x4096xf32, #tpu.memory_space<vmem>>) offsets(%dma_start3A_452 : memref<8xi32, #tpu.memory_space<vmem>>) semaphore(%arg9 : memref<!tpu.dma_semaphore, #tpu.memory_space<semaphore_mem>>)
    %dma_wait3A_456 = arith.constant 176 : i32
    %dma_wait3A_457 = tpu.memref_slice %arg5[%dma_wait3A_456] : memref<256xi32, #tpu.memory_space<vmem>> -> memref<8xi32, #tpu.memory_space<vmem>>
    %dma_wait3A_458 = arith.constant 0 : i32
    %dma_wait3A_459 = arith.constant 0 : i32
    %dma_wait3A_460 = tpu.memref_slice %arg2[%dma_wait3A_458, %dma_wait3A_459] : memref<8192x4096xf32, #tpu.memory_space<hbm>> -> memref<8192x4096xf32, #tpu.memory_space<hbm>>
    tpu.wait_indirect_dma semaphore(%arg10 : memref<!tpu.dma_semaphore, #tpu.memory_space<semaphore_mem>>) src(%dma_wait3A_460 : memref<8192x4096xf32, #tpu.memory_space<hbm>>) dst(%arg7 : memref<8x4096xf32, #tpu.memory_space<vmem>>)
    %add3A_461 = arith.constant 176 : i32
    %add3A_462 = arith.addi %mul3A_2, %add3A_461 : i32
    %dma_start3A_463 = arith.constant 0 : i32
    %dma_start3A_464 = tpu.memref_slice %arg4[%add3A_462, %dma_start3A_463] : memref<8192x4096xf32, #tpu.memory_space<hbm>> -> memref<8x4096xf32, #tpu.memory_space<hbm>>
    %dma_start3A_465 = arith.constant 0 : i32
    %dma_start3A_466 = tpu.memref_slice %arg4[%add3A_462, %dma_start3A_465] : memref<8192x4096xf32, #tpu.memory_space<hbm>> -> memref<8x4096xf32, #tpu.memory_space<hbm>>
    tpu.enqueue_dma source(%arg7 : memref<8x4096xf32, #tpu.memory_space<vmem>>) target(%dma_start3A_466 : memref<8x4096xf32, #tpu.memory_space<hbm>>) target_semaphore(%arg13 : memref<!tpu.dma_semaphore, #tpu.memory_space<semaphore_mem>>)
    %dma_wait3A_467 = arith.constant 0 : i32
    %dma_wait3A_468 = tpu.memref_slice %arg4[%add3A_462, %dma_wait3A_467] : memref<8192x4096xf32, #tpu.memory_space<hbm>> -> memref<8x4096xf32, #tpu.memory_space<hbm>>
    %dma_wait3A_469 = arith.constant 0 : i32
    %dma_wait3A_470 = tpu.memref_slice %arg4[%add3A_462, %dma_wait3A_469] : memref<8192x4096xf32, #tpu.memory_space<hbm>> -> memref<8x4096xf32, #tpu.memory_space<hbm>>
    tpu.wait_dma2 semaphore(%arg13 : memref<!tpu.dma_semaphore, #tpu.memory_space<semaphore_mem>>) src(%arg7 : memref<8x4096xf32, #tpu.memory_space<vmem>>) dst(%dma_wait3A_470 : memref<8x4096xf32, #tpu.memory_space<hbm>>)
    %dma_start3A_471 = arith.constant 200 : i32
    %dma_start3A_472 = tpu.memref_slice %arg5[%dma_start3A_471] : memref<256xi32, #tpu.memory_space<vmem>> -> memref<8xi32, #tpu.memory_space<vmem>>
    %dma_start3A_473 = arith.constant 0 : i32
    %dma_start3A_474 = arith.constant 0 : i32
    %dma_start3A_475 = tpu.memref_slice %arg2[%dma_start3A_473, %dma_start3A_474] : memref<8192x4096xf32, #tpu.memory_space<hbm>> -> memref<8192x4096xf32, #tpu.memory_space<hbm>>
    tpu.enqueue_indirect_dma source(%dma_start3A_475 : memref<8192x4096xf32, #tpu.memory_space<hbm>>) target(%arg7 : memref<8x4096xf32, #tpu.memory_space<vmem>>) offsets(%dma_start3A_472 : memref<8xi32, #tpu.memory_space<vmem>>) semaphore(%arg10 : memref<!tpu.dma_semaphore, #tpu.memory_space<semaphore_mem>>)
    %dma_wait3A_476 = arith.constant 184 : i32
    %dma_wait3A_477 = tpu.memref_slice %arg5[%dma_wait3A_476] : memref<256xi32, #tpu.memory_space<vmem>> -> memref<8xi32, #tpu.memory_space<vmem>>
    %dma_wait3A_478 = arith.constant 0 : i32
    %dma_wait3A_479 = arith.constant 0 : i32
    %dma_wait3A_480 = tpu.memref_slice %arg2[%dma_wait3A_478, %dma_wait3A_479] : memref<8192x4096xf32, #tpu.memory_space<hbm>> -> memref<8192x4096xf32, #tpu.memory_space<hbm>>
    tpu.wait_indirect_dma semaphore(%arg11 : memref<!tpu.dma_semaphore, #tpu.memory_space<semaphore_mem>>) src(%dma_wait3A_480 : memref<8192x4096xf32, #tpu.memory_space<hbm>>) dst(%arg8 : memref<8x4096xf32, #tpu.memory_space<vmem>>)
    %add3A_481 = arith.constant 184 : i32
    %add3A_482 = arith.addi %mul3A_2, %add3A_481 : i32
    %dma_start3A_483 = arith.constant 0 : i32
    %dma_start3A_484 = tpu.memref_slice %arg4[%add3A_482, %dma_start3A_483] : memref<8192x4096xf32, #tpu.memory_space<hbm>> -> memref<8x4096xf32, #tpu.memory_space<hbm>>
    %dma_start3A_485 = arith.constant 0 : i32
    %dma_start3A_486 = tpu.memref_slice %arg4[%add3A_482, %dma_start3A_485] : memref<8192x4096xf32, #tpu.memory_space<hbm>> -> memref<8x4096xf32, #tpu.memory_space<hbm>>
    tpu.enqueue_dma source(%arg8 : memref<8x4096xf32, #tpu.memory_space<vmem>>) target(%dma_start3A_486 : memref<8x4096xf32, #tpu.memory_space<hbm>>) target_semaphore(%arg14 : memref<!tpu.dma_semaphore, #tpu.memory_space<semaphore_mem>>)
    %dma_wait3A_487 = arith.constant 0 : i32
    %dma_wait3A_488 = tpu.memref_slice %arg4[%add3A_482, %dma_wait3A_487] : memref<8192x4096xf32, #tpu.memory_space<hbm>> -> memref<8x4096xf32, #tpu.memory_space<hbm>>
    %dma_wait3A_489 = arith.constant 0 : i32
    %dma_wait3A_490 = tpu.memref_slice %arg4[%add3A_482, %dma_wait3A_489] : memref<8192x4096xf32, #tpu.memory_space<hbm>> -> memref<8x4096xf32, #tpu.memory_space<hbm>>
    tpu.wait_dma2 semaphore(%arg14 : memref<!tpu.dma_semaphore, #tpu.memory_space<semaphore_mem>>) src(%arg8 : memref<8x4096xf32, #tpu.memory_space<vmem>>) dst(%dma_wait3A_490 : memref<8x4096xf32, #tpu.memory_space<hbm>>)
    %dma_start3A_491 = arith.constant 208 : i32
    %dma_start3A_492 = tpu.memref_slice %arg5[%dma_start3A_491] : memref<256xi32, #tpu.memory_space<vmem>> -> memref<8xi32, #tpu.memory_space<vmem>>
    %dma_start3A_493 = arith.constant 0 : i32
    %dma_start3A_494 = arith.constant 0 : i32
    %dma_start3A_495 = tpu.memref_slice %arg2[%dma_start3A_493, %dma_start3A_494] : memref<8192x4096xf32, #tpu.memory_space<hbm>> -> memref<8192x4096xf32, #tpu.memory_space<hbm>>
    tpu.enqueue_indirect_dma source(%dma_start3A_495 : memref<8192x4096xf32, #tpu.memory_space<hbm>>) target(%arg8 : memref<8x4096xf32, #tpu.memory_space<vmem>>) offsets(%dma_start3A_492 : memref<8xi32, #tpu.memory_space<vmem>>) semaphore(%arg11 : memref<!tpu.dma_semaphore, #tpu.memory_space<semaphore_mem>>)
    %dma_wait3A_496 = arith.constant 192 : i32
    %dma_wait3A_497 = tpu.memref_slice %arg5[%dma_wait3A_496] : memref<256xi32, #tpu.memory_space<vmem>> -> memref<8xi32, #tpu.memory_space<vmem>>
    %dma_wait3A_498 = arith.constant 0 : i32
    %dma_wait3A_499 = arith.constant 0 : i32
    %dma_wait3A_500 = tpu.memref_slice %arg2[%dma_wait3A_498, %dma_wait3A_499] : memref<8192x4096xf32, #tpu.memory_space<hbm>> -> memref<8192x4096xf32, #tpu.memory_space<hbm>>
    tpu.wait_indirect_dma semaphore(%arg9 : memref<!tpu.dma_semaphore, #tpu.memory_space<semaphore_mem>>) src(%dma_wait3A_500 : memref<8192x4096xf32, #tpu.memory_space<hbm>>) dst(%arg6 : memref<8x4096xf32, #tpu.memory_space<vmem>>)
    %add3A_501 = arith.constant 192 : i32
    %add3A_502 = arith.addi %mul3A_2, %add3A_501 : i32
    %dma_start3A_503 = arith.constant 0 : i32
    %dma_start3A_504 = tpu.memref_slice %arg4[%add3A_502, %dma_start3A_503] : memref<8192x4096xf32, #tpu.memory_space<hbm>> -> memref<8x4096xf32, #tpu.memory_space<hbm>>
    %dma_start3A_505 = arith.constant 0 : i32
    %dma_start3A_506 = tpu.memref_slice %arg4[%add3A_502, %dma_start3A_505] : memref<8192x4096xf32, #tpu.memory_space<hbm>> -> memref<8x4096xf32, #tpu.memory_space<hbm>>
    tpu.enqueue_dma source(%arg6 : memref<8x4096xf32, #tpu.memory_space<vmem>>) target(%dma_start3A_506 : memref<8x4096xf32, #tpu.memory_space<hbm>>) target_semaphore(%arg12 : memref<!tpu.dma_semaphore, #tpu.memory_space<semaphore_mem>>)
    %dma_wait3A_507 = arith.constant 0 : i32
    %dma_wait3A_508 = tpu.memref_slice %arg4[%add3A_502, %dma_wait3A_507] : memref<8192x4096xf32, #tpu.memory_space<hbm>> -> memref<8x4096xf32, #tpu.memory_space<hbm>>
    %dma_wait3A_509 = arith.constant 0 : i32
    %dma_wait3A_510 = tpu.memref_slice %arg4[%add3A_502, %dma_wait3A_509] : memref<8192x4096xf32, #tpu.memory_space<hbm>> -> memref<8x4096xf32, #tpu.memory_space<hbm>>
    tpu.wait_dma2 semaphore(%arg12 : memref<!tpu.dma_semaphore, #tpu.memory_space<semaphore_mem>>) src(%arg6 : memref<8x4096xf32, #tpu.memory_space<vmem>>) dst(%dma_wait3A_510 : memref<8x4096xf32, #tpu.memory_space<hbm>>)
    %dma_start3A_511 = arith.constant 216 : i32
    %dma_start3A_512 = tpu.memref_slice %arg5[%dma_start3A_511] : memref<256xi32, #tpu.memory_space<vmem>> -> memref<8xi32, #tpu.memory_space<vmem>>
    %dma_start3A_513 = arith.constant 0 : i32
    %dma_start3A_514 = arith.constant 0 : i32
    %dma_start3A_515 = tpu.memref_slice %arg2[%dma_start3A_513, %dma_start3A_514] : memref<8192x4096xf32, #tpu.memory_space<hbm>> -> memref<8192x4096xf32, #tpu.memory_space<hbm>>
    tpu.enqueue_indirect_dma source(%dma_start3A_515 : memref<8192x4096xf32, #tpu.memory_space<hbm>>) target(%arg6 : memref<8x4096xf32, #tpu.memory_space<vmem>>) offsets(%dma_start3A_512 : memref<8xi32, #tpu.memory_space<vmem>>) semaphore(%arg9 : memref<!tpu.dma_semaphore, #tpu.memory_space<semaphore_mem>>)
    %dma_wait3A_516 = arith.constant 200 : i32
    %dma_wait3A_517 = tpu.memref_slice %arg5[%dma_wait3A_516] : memref<256xi32, #tpu.memory_space<vmem>> -> memref<8xi32, #tpu.memory_space<vmem>>
    %dma_wait3A_518 = arith.constant 0 : i32
    %dma_wait3A_519 = arith.constant 0 : i32
    %dma_wait3A_520 = tpu.memref_slice %arg2[%dma_wait3A_518, %dma_wait3A_519] : memref<8192x4096xf32, #tpu.memory_space<hbm>> -> memref<8192x4096xf32, #tpu.memory_space<hbm>>
    tpu.wait_indirect_dma semaphore(%arg10 : memref<!tpu.dma_semaphore, #tpu.memory_space<semaphore_mem>>) src(%dma_wait3A_520 : memref<8192x4096xf32, #tpu.memory_space<hbm>>) dst(%arg7 : memref<8x4096xf32, #tpu.memory_space<vmem>>)
    %add3A_521 = arith.constant 200 : i32
    %add3A_522 = arith.addi %mul3A_2, %add3A_521 : i32
    %dma_start3A_523 = arith.constant 0 : i32
    %dma_start3A_524 = tpu.memref_slice %arg4[%add3A_522, %dma_start3A_523] : memref<8192x4096xf32, #tpu.memory_space<hbm>> -> memref<8x4096xf32, #tpu.memory_space<hbm>>
    %dma_start3A_525 = arith.constant 0 : i32
    %dma_start3A_526 = tpu.memref_slice %arg4[%add3A_522, %dma_start3A_525] : memref<8192x4096xf32, #tpu.memory_space<hbm>> -> memref<8x4096xf32, #tpu.memory_space<hbm>>
    tpu.enqueue_dma source(%arg7 : memref<8x4096xf32, #tpu.memory_space<vmem>>) target(%dma_start3A_526 : memref<8x4096xf32, #tpu.memory_space<hbm>>) target_semaphore(%arg13 : memref<!tpu.dma_semaphore, #tpu.memory_space<semaphore_mem>>)
    %dma_wait3A_527 = arith.constant 0 : i32
    %dma_wait3A_528 = tpu.memref_slice %arg4[%add3A_522, %dma_wait3A_527] : memref<8192x4096xf32, #tpu.memory_space<hbm>> -> memref<8x4096xf32, #tpu.memory_space<hbm>>
    %dma_wait3A_529 = arith.constant 0 : i32
    %dma_wait3A_530 = tpu.memref_slice %arg4[%add3A_522, %dma_wait3A_529] : memref<8192x4096xf32, #tpu.memory_space<hbm>> -> memref<8x4096xf32, #tpu.memory_space<hbm>>
    tpu.wait_dma2 semaphore(%arg13 : memref<!tpu.dma_semaphore, #tpu.memory_space<semaphore_mem>>) src(%arg7 : memref<8x4096xf32, #tpu.memory_space<vmem>>) dst(%dma_wait3A_530 : memref<8x4096xf32, #tpu.memory_space<hbm>>)
    %dma_start3A_531 = arith.constant 224 : i32
    %dma_start3A_532 = tpu.memref_slice %arg5[%dma_start3A_531] : memref<256xi32, #tpu.memory_space<vmem>> -> memref<8xi32, #tpu.memory_space<vmem>>
    %dma_start3A_533 = arith.constant 0 : i32
    %dma_start3A_534 = arith.constant 0 : i32
    %dma_start3A_535 = tpu.memref_slice %arg2[%dma_start3A_533, %dma_start3A_534] : memref<8192x4096xf32, #tpu.memory_space<hbm>> -> memref<8192x4096xf32, #tpu.memory_space<hbm>>
    tpu.enqueue_indirect_dma source(%dma_start3A_535 : memref<8192x4096xf32, #tpu.memory_space<hbm>>) target(%arg7 : memref<8x4096xf32, #tpu.memory_space<vmem>>) offsets(%dma_start3A_532 : memref<8xi32, #tpu.memory_space<vmem>>) semaphore(%arg10 : memref<!tpu.dma_semaphore, #tpu.memory_space<semaphore_mem>>)
    %dma_wait3A_536 = arith.constant 208 : i32
    %dma_wait3A_537 = tpu.memref_slice %arg5[%dma_wait3A_536] : memref<256xi32, #tpu.memory_space<vmem>> -> memref<8xi32, #tpu.memory_space<vmem>>
    %dma_wait3A_538 = arith.constant 0 : i32
    %dma_wait3A_539 = arith.constant 0 : i32
    %dma_wait3A_540 = tpu.memref_slice %arg2[%dma_wait3A_538, %dma_wait3A_539] : memref<8192x4096xf32, #tpu.memory_space<hbm>> -> memref<8192x4096xf32, #tpu.memory_space<hbm>>
    tpu.wait_indirect_dma semaphore(%arg11 : memref<!tpu.dma_semaphore, #tpu.memory_space<semaphore_mem>>) src(%dma_wait3A_540 : memref<8192x4096xf32, #tpu.memory_space<hbm>>) dst(%arg8 : memref<8x4096xf32, #tpu.memory_space<vmem>>)
    %add3A_541 = arith.constant 208 : i32
    %add3A_542 = arith.addi %mul3A_2, %add3A_541 : i32
    %dma_start3A_543 = arith.constant 0 : i32
    %dma_start3A_544 = tpu.memref_slice %arg4[%add3A_542, %dma_start3A_543] : memref<8192x4096xf32, #tpu.memory_space<hbm>> -> memref<8x4096xf32, #tpu.memory_space<hbm>>
    %dma_start3A_545 = arith.constant 0 : i32
    %dma_start3A_546 = tpu.memref_slice %arg4[%add3A_542, %dma_start3A_545] : memref<8192x4096xf32, #tpu.memory_space<hbm>> -> memref<8x4096xf32, #tpu.memory_space<hbm>>
    tpu.enqueue_dma source(%arg8 : memref<8x4096xf32, #tpu.memory_space<vmem>>) target(%dma_start3A_546 : memref<8x4096xf32, #tpu.memory_space<hbm>>) target_semaphore(%arg14 : memref<!tpu.dma_semaphore, #tpu.memory_space<semaphore_mem>>)
    %dma_wait3A_547 = arith.constant 0 : i32
    %dma_wait3A_548 = tpu.memref_slice %arg4[%add3A_542, %dma_wait3A_547] : memref<8192x4096xf32, #tpu.memory_space<hbm>> -> memref<8x4096xf32, #tpu.memory_space<hbm>>
    %dma_wait3A_549 = arith.constant 0 : i32
    %dma_wait3A_550 = tpu.memref_slice %arg4[%add3A_542, %dma_wait3A_549] : memref<8192x4096xf32, #tpu.memory_space<hbm>> -> memref<8x4096xf32, #tpu.memory_space<hbm>>
    tpu.wait_dma2 semaphore(%arg14 : memref<!tpu.dma_semaphore, #tpu.memory_space<semaphore_mem>>) src(%arg8 : memref<8x4096xf32, #tpu.memory_space<vmem>>) dst(%dma_wait3A_550 : memref<8x4096xf32, #tpu.memory_space<hbm>>)
    %dma_start3A_551 = arith.constant 232 : i32
    %dma_start3A_552 = tpu.memref_slice %arg5[%dma_start3A_551] : memref<256xi32, #tpu.memory_space<vmem>> -> memref<8xi32, #tpu.memory_space<vmem>>
    %dma_start3A_553 = arith.constant 0 : i32
    %dma_start3A_554 = arith.constant 0 : i32
    %dma_start3A_555 = tpu.memref_slice %arg2[%dma_start3A_553, %dma_start3A_554] : memref<8192x4096xf32, #tpu.memory_space<hbm>> -> memref<8192x4096xf32, #tpu.memory_space<hbm>>
    tpu.enqueue_indirect_dma source(%dma_start3A_555 : memref<8192x4096xf32, #tpu.memory_space<hbm>>) target(%arg8 : memref<8x4096xf32, #tpu.memory_space<vmem>>) offsets(%dma_start3A_552 : memref<8xi32, #tpu.memory_space<vmem>>) semaphore(%arg11 : memref<!tpu.dma_semaphore, #tpu.memory_space<semaphore_mem>>)
    %dma_wait3A_556 = arith.constant 216 : i32
    %dma_wait3A_557 = tpu.memref_slice %arg5[%dma_wait3A_556] : memref<256xi32, #tpu.memory_space<vmem>> -> memref<8xi32, #tpu.memory_space<vmem>>
    %dma_wait3A_558 = arith.constant 0 : i32
    %dma_wait3A_559 = arith.constant 0 : i32
    %dma_wait3A_560 = tpu.memref_slice %arg2[%dma_wait3A_558, %dma_wait3A_559] : memref<8192x4096xf32, #tpu.memory_space<hbm>> -> memref<8192x4096xf32, #tpu.memory_space<hbm>>
    tpu.wait_indirect_dma semaphore(%arg9 : memref<!tpu.dma_semaphore, #tpu.memory_space<semaphore_mem>>) src(%dma_wait3A_560 : memref<8192x4096xf32, #tpu.memory_space<hbm>>) dst(%arg6 : memref<8x4096xf32, #tpu.memory_space<vmem>>)
    %add3A_561 = arith.constant 216 : i32
    %add3A_562 = arith.addi %mul3A_2, %add3A_561 : i32
    %dma_start3A_563 = arith.constant 0 : i32
    %dma_start3A_564 = tpu.memref_slice %arg4[%add3A_562, %dma_start3A_563] : memref<8192x4096xf32, #tpu.memory_space<hbm>> -> memref<8x4096xf32, #tpu.memory_space<hbm>>
    %dma_start3A_565 = arith.constant 0 : i32
    %dma_start3A_566 = tpu.memref_slice %arg4[%add3A_562, %dma_start3A_565] : memref<8192x4096xf32, #tpu.memory_space<hbm>> -> memref<8x4096xf32, #tpu.memory_space<hbm>>
    tpu.enqueue_dma source(%arg6 : memref<8x4096xf32, #tpu.memory_space<vmem>>) target(%dma_start3A_566 : memref<8x4096xf32, #tpu.memory_space<hbm>>) target_semaphore(%arg12 : memref<!tpu.dma_semaphore, #tpu.memory_space<semaphore_mem>>)
    %dma_wait3A_567 = arith.constant 0 : i32
    %dma_wait3A_568 = tpu.memref_slice %arg4[%add3A_562, %dma_wait3A_567] : memref<8192x4096xf32, #tpu.memory_space<hbm>> -> memref<8x4096xf32, #tpu.memory_space<hbm>>
    %dma_wait3A_569 = arith.constant 0 : i32
    %dma_wait3A_570 = tpu.memref_slice %arg4[%add3A_562, %dma_wait3A_569] : memref<8192x4096xf32, #tpu.memory_space<hbm>> -> memref<8x4096xf32, #tpu.memory_space<hbm>>
    tpu.wait_dma2 semaphore(%arg12 : memref<!tpu.dma_semaphore, #tpu.memory_space<semaphore_mem>>) src(%arg6 : memref<8x4096xf32, #tpu.memory_space<vmem>>) dst(%dma_wait3A_570 : memref<8x4096xf32, #tpu.memory_space<hbm>>)
    %dma_start3A_571 = arith.constant 240 : i32
    %dma_start3A_572 = tpu.memref_slice %arg5[%dma_start3A_571] : memref<256xi32, #tpu.memory_space<vmem>> -> memref<8xi32, #tpu.memory_space<vmem>>
    %dma_start3A_573 = arith.constant 0 : i32
    %dma_start3A_574 = arith.constant 0 : i32
    %dma_start3A_575 = tpu.memref_slice %arg2[%dma_start3A_573, %dma_start3A_574] : memref<8192x4096xf32, #tpu.memory_space<hbm>> -> memref<8192x4096xf32, #tpu.memory_space<hbm>>
    tpu.enqueue_indirect_dma source(%dma_start3A_575 : memref<8192x4096xf32, #tpu.memory_space<hbm>>) target(%arg6 : memref<8x4096xf32, #tpu.memory_space<vmem>>) offsets(%dma_start3A_572 : memref<8xi32, #tpu.memory_space<vmem>>) semaphore(%arg9 : memref<!tpu.dma_semaphore, #tpu.memory_space<semaphore_mem>>)
    %dma_wait3A_576 = arith.constant 224 : i32
    %dma_wait3A_577 = tpu.memref_slice %arg5[%dma_wait3A_576] : memref<256xi32, #tpu.memory_space<vmem>> -> memref<8xi32, #tpu.memory_space<vmem>>
    %dma_wait3A_578 = arith.constant 0 : i32
    %dma_wait3A_579 = arith.constant 0 : i32
    %dma_wait3A_580 = tpu.memref_slice %arg2[%dma_wait3A_578, %dma_wait3A_579] : memref<8192x4096xf32, #tpu.memory_space<hbm>> -> memref<8192x4096xf32, #tpu.memory_space<hbm>>
    tpu.wait_indirect_dma semaphore(%arg10 : memref<!tpu.dma_semaphore, #tpu.memory_space<semaphore_mem>>) src(%dma_wait3A_580 : memref<8192x4096xf32, #tpu.memory_space<hbm>>) dst(%arg7 : memref<8x4096xf32, #tpu.memory_space<vmem>>)
    %add3A_581 = arith.constant 224 : i32
    %add3A_582 = arith.addi %mul3A_2, %add3A_581 : i32
    %dma_start3A_583 = arith.constant 0 : i32
    %dma_start3A_584 = tpu.memref_slice %arg4[%add3A_582, %dma_start3A_583] : memref<8192x4096xf32, #tpu.memory_space<hbm>> -> memref<8x4096xf32, #tpu.memory_space<hbm>>
    %dma_start3A_585 = arith.constant 0 : i32
    %dma_start3A_586 = tpu.memref_slice %arg4[%add3A_582, %dma_start3A_585] : memref<8192x4096xf32, #tpu.memory_space<hbm>> -> memref<8x4096xf32, #tpu.memory_space<hbm>>
    tpu.enqueue_dma source(%arg7 : memref<8x4096xf32, #tpu.memory_space<vmem>>) target(%dma_start3A_586 : memref<8x4096xf32, #tpu.memory_space<hbm>>) target_semaphore(%arg13 : memref<!tpu.dma_semaphore, #tpu.memory_space<semaphore_mem>>)
    %dma_wait3A_587 = arith.constant 0 : i32
    %dma_wait3A_588 = tpu.memref_slice %arg4[%add3A_582, %dma_wait3A_587] : memref<8192x4096xf32, #tpu.memory_space<hbm>> -> memref<8x4096xf32, #tpu.memory_space<hbm>>
    %dma_wait3A_589 = arith.constant 0 : i32
    %dma_wait3A_590 = tpu.memref_slice %arg4[%add3A_582, %dma_wait3A_589] : memref<8192x4096xf32, #tpu.memory_space<hbm>> -> memref<8x4096xf32, #tpu.memory_space<hbm>>
    tpu.wait_dma2 semaphore(%arg13 : memref<!tpu.dma_semaphore, #tpu.memory_space<semaphore_mem>>) src(%arg7 : memref<8x4096xf32, #tpu.memory_space<vmem>>) dst(%dma_wait3A_590 : memref<8x4096xf32, #tpu.memory_space<hbm>>)
    %dma_start3A_591 = arith.constant 248 : i32
    %dma_start3A_592 = tpu.memref_slice %arg5[%dma_start3A_591] : memref<256xi32, #tpu.memory_space<vmem>> -> memref<8xi32, #tpu.memory_space<vmem>>
    %dma_start3A_593 = arith.constant 0 : i32
    %dma_start3A_594 = arith.constant 0 : i32
    %dma_start3A_595 = tpu.memref_slice %arg2[%dma_start3A_593, %dma_start3A_594] : memref<8192x4096xf32, #tpu.memory_space<hbm>> -> memref<8192x4096xf32, #tpu.memory_space<hbm>>
    tpu.enqueue_indirect_dma source(%dma_start3A_595 : memref<8192x4096xf32, #tpu.memory_space<hbm>>) target(%arg7 : memref<8x4096xf32, #tpu.memory_space<vmem>>) offsets(%dma_start3A_592 : memref<8xi32, #tpu.memory_space<vmem>>) semaphore(%arg10 : memref<!tpu.dma_semaphore, #tpu.memory_space<semaphore_mem>>)
    %dma_wait3A_596 = arith.constant 232 : i32
    %dma_wait3A_597 = tpu.memref_slice %arg5[%dma_wait3A_596] : memref<256xi32, #tpu.memory_space<vmem>> -> memref<8xi32, #tpu.memory_space<vmem>>
    %dma_wait3A_598 = arith.constant 0 : i32
    %dma_wait3A_599 = arith.constant 0 : i32
    %dma_wait3A_600 = tpu.memref_slice %arg2[%dma_wait3A_598, %dma_wait3A_599] : memref<8192x4096xf32, #tpu.memory_space<hbm>> -> memref<8192x4096xf32, #tpu.memory_space<hbm>>
    tpu.wait_indirect_dma semaphore(%arg11 : memref<!tpu.dma_semaphore, #tpu.memory_space<semaphore_mem>>) src(%dma_wait3A_600 : memref<8192x4096xf32, #tpu.memory_space<hbm>>) dst(%arg8 : memref<8x4096xf32, #tpu.memory_space<vmem>>)
    %add3A_601 = arith.constant 232 : i32
    %add3A_602 = arith.addi %mul3A_2, %add3A_601 : i32
    %dma_start3A_603 = arith.constant 0 : i32
    %dma_start3A_604 = tpu.memref_slice %arg4[%add3A_602, %dma_start3A_603] : memref<8192x4096xf32, #tpu.memory_space<hbm>> -> memref<8x4096xf32, #tpu.memory_space<hbm>>
    %dma_start3A_605 = arith.constant 0 : i32
    %dma_start3A_606 = tpu.memref_slice %arg4[%add3A_602, %dma_start3A_605] : memref<8192x4096xf32, #tpu.memory_space<hbm>> -> memref<8x4096xf32, #tpu.memory_space<hbm>>
    tpu.enqueue_dma source(%arg8 : memref<8x4096xf32, #tpu.memory_space<vmem>>) target(%dma_start3A_606 : memref<8x4096xf32, #tpu.memory_space<hbm>>) target_semaphore(%arg14 : memref<!tpu.dma_semaphore, #tpu.memory_space<semaphore_mem>>)
    %dma_wait3A_607 = arith.constant 240 : i32
    %dma_wait3A_608 = tpu.memref_slice %arg5[%dma_wait3A_607] : memref<256xi32, #tpu.memory_space<vmem>> -> memref<8xi32, #tpu.memory_space<vmem>>
    %dma_wait3A_609 = arith.constant 0 : i32
    %dma_wait3A_610 = arith.constant 0 : i32
    %dma_wait3A_611 = tpu.memref_slice %arg2[%dma_wait3A_609, %dma_wait3A_610] : memref<8192x4096xf32, #tpu.memory_space<hbm>> -> memref<8192x4096xf32, #tpu.memory_space<hbm>>
    tpu.wait_indirect_dma semaphore(%arg9 : memref<!tpu.dma_semaphore, #tpu.memory_space<semaphore_mem>>) src(%dma_wait3A_611 : memref<8192x4096xf32, #tpu.memory_space<hbm>>) dst(%arg6 : memref<8x4096xf32, #tpu.memory_space<vmem>>)
    %add3A_612 = arith.constant 240 : i32
    %add3A_613 = arith.addi %mul3A_2, %add3A_612 : i32
    %dma_start3A_614 = arith.constant 0 : i32
    %dma_start3A_615 = tpu.memref_slice %arg4[%add3A_613, %dma_start3A_614] : memref<8192x4096xf32, #tpu.memory_space<hbm>> -> memref<8x4096xf32, #tpu.memory_space<hbm>>
    %dma_start3A_616 = arith.constant 0 : i32
    %dma_start3A_617 = tpu.memref_slice %arg4[%add3A_613, %dma_start3A_616] : memref<8192x4096xf32, #tpu.memory_space<hbm>> -> memref<8x4096xf32, #tpu.memory_space<hbm>>
    tpu.enqueue_dma source(%arg6 : memref<8x4096xf32, #tpu.memory_space<vmem>>) target(%dma_start3A_617 : memref<8x4096xf32, #tpu.memory_space<hbm>>) target_semaphore(%arg12 : memref<!tpu.dma_semaphore, #tpu.memory_space<semaphore_mem>>)
    %dma_wait3A_618 = arith.constant 248 : i32
    %dma_wait3A_619 = tpu.memref_slice %arg5[%dma_wait3A_618] : memref<256xi32, #tpu.memory_space<vmem>> -> memref<8xi32, #tpu.memory_space<vmem>>
    %dma_wait3A_620 = arith.constant 0 : i32
    %dma_wait3A_621 = arith.constant 0 : i32
    %dma_wait3A_622 = tpu.memref_slice %arg2[%dma_wait3A_620, %dma_wait3A_621] : memref<8192x4096xf32, #tpu.memory_space<hbm>> -> memref<8192x4096xf32, #tpu.memory_space<hbm>>
    tpu.wait_indirect_dma semaphore(%arg10 : memref<!tpu.dma_semaphore, #tpu.memory_space<semaphore_mem>>) src(%dma_wait3A_622 : memref<8192x4096xf32, #tpu.memory_space<hbm>>) dst(%arg7 : memref<8x4096xf32, #tpu.memory_space<vmem>>)
    %add3A_623 = arith.constant 248 : i32
    %add3A_624 = arith.addi %mul3A_2, %add3A_623 : i32
    %dma_start3A_625 = arith.constant 0 : i32
    %dma_start3A_626 = tpu.memref_slice %arg4[%add3A_624, %dma_start3A_625] : memref<8192x4096xf32, #tpu.memory_space<hbm>> -> memref<8x4096xf32, #tpu.memory_space<hbm>>
    %dma_start3A_627 = arith.constant 0 : i32
    %dma_start3A_628 = tpu.memref_slice %arg4[%add3A_624, %dma_start3A_627] : memref<8192x4096xf32, #tpu.memory_space<hbm>> -> memref<8x4096xf32, #tpu.memory_space<hbm>>
    tpu.enqueue_dma source(%arg7 : memref<8x4096xf32, #tpu.memory_space<vmem>>) target(%dma_start3A_628 : memref<8x4096xf32, #tpu.memory_space<hbm>>) target_semaphore(%arg13 : memref<!tpu.dma_semaphore, #tpu.memory_space<semaphore_mem>>)
    %dma_wait3A_629 = arith.constant 0 : i32
    %dma_wait3A_630 = tpu.memref_slice %arg4[%add3A_613, %dma_wait3A_629] : memref<8192x4096xf32, #tpu.memory_space<hbm>> -> memref<8x4096xf32, #tpu.memory_space<hbm>>
    %dma_wait3A_631 = arith.constant 0 : i32
    %dma_wait3A_632 = tpu.memref_slice %arg4[%add3A_613, %dma_wait3A_631] : memref<8192x4096xf32, #tpu.memory_space<hbm>> -> memref<8x4096xf32, #tpu.memory_space<hbm>>
    tpu.wait_dma2 semaphore(%arg12 : memref<!tpu.dma_semaphore, #tpu.memory_space<semaphore_mem>>) src(%arg6 : memref<8x4096xf32, #tpu.memory_space<vmem>>) dst(%dma_wait3A_632 : memref<8x4096xf32, #tpu.memory_space<hbm>>)
    %dma_wait3A_633 = arith.constant 0 : i32
    %dma_wait3A_634 = tpu.memref_slice %arg4[%add3A_624, %dma_wait3A_633] : memref<8192x4096xf32, #tpu.memory_space<hbm>> -> memref<8x4096xf32, #tpu.memory_space<hbm>>
    %dma_wait3A_635 = arith.constant 0 : i32
    %dma_wait3A_636 = tpu.memref_slice %arg4[%add3A_624, %dma_wait3A_635] : memref<8192x4096xf32, #tpu.memory_space<hbm>> -> memref<8x4096xf32, #tpu.memory_space<hbm>>
    tpu.wait_dma2 semaphore(%arg13 : memref<!tpu.dma_semaphore, #tpu.memory_space<semaphore_mem>>) src(%arg7 : memref<8x4096xf32, #tpu.memory_space<vmem>>) dst(%dma_wait3A_636 : memref<8x4096xf32, #tpu.memory_space<hbm>>)
    %dma_wait3A_637 = arith.constant 0 : i32
    %dma_wait3A_638 = tpu.memref_slice %arg4[%add3A_602, %dma_wait3A_637] : memref<8192x4096xf32, #tpu.memory_space<hbm>> -> memref<8x4096xf32, #tpu.memory_space<hbm>>
    %dma_wait3A_639 = arith.constant 0 : i32
    %dma_wait3A_640 = tpu.memref_slice %arg4[%add3A_602, %dma_wait3A_639] : memref<8192x4096xf32, #tpu.memory_space<hbm>> -> memref<8x4096xf32, #tpu.memory_space<hbm>>
    tpu.wait_dma2 semaphore(%arg14 : memref<!tpu.dma_semaphore, #tpu.memory_space<semaphore_mem>>) src(%arg8 : memref<8x4096xf32, #tpu.memory_space<vmem>>) dst(%dma_wait3A_640 : memref<8x4096xf32, #tpu.memory_space<hbm>>)
    return
  }
}

</mosaic_0001>

<sc_bundles>
// kernel: _dispatch.3.cloned.1.call-start
scs
__scs_entry_jumppad:
0x0: {  	(pc) =	sbr.rel $0x88, $3  }
0x1: {  	(tag) =	ssettag $0x0;
	lr =	simm.s32 $0x1  }
0x2: {  	[smem:$0x3F9F] =	sst lr;
	_ =	strace $0xD0000000  }
0x3: {  	_ = 	snop  }
0x4: {  	_ = 	snop  }
0x5: {  	_ = 	snop  }
0x6: {  	_ = 	snop  }
0x7: {  	_ = 	snop  }
__scs_overlays_trampoline_lowered:
0x8: {  	[smem:$0x3FAE] =	sst s0  }
0x9: {  	[smem:$0x3FAF] =	sst s1  }
0xa: {  	[smem:$0x3FB0] =	sst s2  }
0xb: {  	[smem:$0x3FB1] =	sst s3  }
0xc: {  	[smem:$0x3FB2] =	sst s4  }
0xd: {  	[smem:$0x3FB3] =	sst s5  }
0xe: {  	[smem:$0x3FB4] =	sst s6  }
0xf: {  	[smem:$0x3FB5] =	sst s7  }
0x10: {  	[smem:$0x3FB6] =	sst s8  }
0x11: {  	[smem:$0x3FB7] =	sst s9;
	s0 =	simm.s32 @!p0 $0x0  }
0x12: {  	s1 =	sld [smem:$0x3F9D];
	s0 =	simm.s32 @p0 $0x1  }
0x13: {  	[smem:$0x3FB8] =	sst s0;
	s0 =	simm.s32 @!p1 $0x0  }
0x14: {  	s2 =	sld [smem:$0x3F9C];
	s0 =	simm.s32 @p1 $0x1  }
0x15: {  	[smem:$0x3FB9] =	sst s0;
	s0 =	simm.s32 @!p2 $0x0  }
0x16: {  	s3 =	sld [smem:$0x3FDB];
	s0 =	simm.s32 @p2 $0x1  }
0x17: {  	s4 =	simm.s32 $0x1BF5;
	[smem:$0x3FBB] =	sst s0  }
0x18: {  	s0 =	sld [smem:$0x3F9E];
	_ =	swait.ge [sflag:s4], $0x0  }
0x19: {  	s7 =	sld [smem:$0x3F9F]  }
0x1a: {  	s8 =	sadd.s32 $0xFFFFE003, lr  }
0x1b: {  	s9 =	sadd.s32 $0xFFFFFEF7, lr;
	s5 =	simm.s32 $0xFFFFFFFF;
	p2 =	slt.u32 s8, $0xFFFFF086  }
0x1c: {  	p1 =	slt.u32 s9, $0xF7A;
	s5 =	simm.s32 @!p2 $0x0  }
0x1d: {  	s5 =	simm.s32 @p1 $0x1;
	p0 =	seq.s32 s7, s2  }
0x1e: {  	s7 =	smul.u32 @!p0 $0xF7A, s2;
	p2 =	seq.s32 @!p0 s5, $0x0  }
0x1f: {  	s9 =	smul.u32 $0xF7A, s1;
	s8 =	simm.s32 @!p0 $0x1BF5;
	p2 =	por !p2, p0  }
0x20: {  	[sflag:s8] =	ssyncset.s32 @!p0 $0xFFFFF086;
	s6 =	sadd.s32 @!p0 s3, s7;
	s7 =	simm.s32 @!p0 $0x108  }
0x21: {  	s3 =	sadd.s32 s3, s9;
	s6 =	sadd.s32 @!p0 $0x88, s6;
	s7 =	simm.s32 @p2 $0x1082  }
0x22: {  	[simem:s7], [sflag:s8] =	dma.local @!p0 [hbm:s6], $0xF7A  }
0x23: {  	s9 =	sor.u32 $0xD0000000, s2;
	s6 =	simm.s32 $0x108;
	_ =	swait.ge @!p0 [sflag:s8], $0x0  }
0x24: {  	s3 =	sadd.s32 $0x88, s3;
	s6 =	simm.s32 @!p1 $0x1082;
	[sflag:s4] =	ssyncset.s32 $0xFFFFF086  }
0x25: {  	[simem:s6], [sflag:s4] =	dma.local [hbm:s3], $0xF7A  }
0x26: {  	[smem:$0x3F9F] =	sst s1;
	(tag) =	ssettag s2;
	_ =	strace s9  }
0x27: {  	s1 =	sld [smem:$0x3FAF]  }
0x28: {  	s2 =	sld [smem:$0x3FB0]  }
0x29: {  	s4 =	sld [smem:$0x3FB2]  }
0x2a: {  	p0 =	seq.s32 s5, $0x0;
	s5 =	sld [smem:$0x3FB3]  }
0x2b: {  	s6 =	sld [smem:$0x3FB4]  }
0x2c: {  	s7 =	sld [smem:$0x3FB5]  }
0x2d: {  	s3 =	simm.s32 $0x108;
	s8 =	sld [smem:$0x3FB6]  }
0x2e: {  	s3 =	simm.s32 @!p0 $0x1082;
	s9 =	sld [smem:$0x3FB7]  }
0x2f: {  	lr =	sadd.s32 s0, s3;
	s0 =	sld [smem:$0x3FAE]  }
0x30: {  	s3 =	sld [smem:$0x3FB1]  }
0x31: {  	[smem:$0x3FBA] =	sst s10  }
0x32: {  	s10 =	sld [smem:$0x3FB8];
	_ =	sdelay $0x3  }
0x33: {  	p0 =	seq.s32 s10, $0x1;
	s10 =	sld [smem:$0x3FBA];
	_ =	sdelay $0x3  }
0x34: {  	[smem:$0x3FBA] =	sst s10  }
0x35: {  	s10 =	sld [smem:$0x3FB9];
	_ =	sdelay $0x3  }
0x36: {  	p1 =	seq.s32 s10, $0x1;
	s10 =	sld [smem:$0x3FBA];
	_ =	sdelay $0x3  }
0x37: {  	[smem:$0x3FBA] =	sst s10  }
0x38: {  	s10 =	sld [smem:$0x3FBB]  }
0x39: {  	_ = 	snop;
	(pc) =	sbr.ind lr, $3  }
0x3a: {  	_ = 	snop  }
0x3b: {  	_ = 	snop  }
0x3c: {  	p2 =	seq.s32 s10, $0x1;
	s10 =	sld [smem:$0x3FBA]  }
0x3d: {  	_ =	shalt  }
0x3e: {  	_ =	shalt  }
0x3f: {  	_ =	shalt  }
0x40: {  	_ =	shalt  }
0x41: {  	_ =	shalt  }
0x42: {  	_ =	shalt  }
0x43: {  	_ =	shalt  }
0x44: {  	_ =	shalt  }
0x45: {  	_ =	shalt  }
0x46: {  	_ =	shalt  }
0x47: {  	_ =	shalt  }
0x48: {  	_ =	shalt  }
0x49: {  	_ =	shalt  }
0x4a: {  	_ =	shalt  }
0x4b: {  	_ =	shalt  }
0x4c: {  	_ =	shalt  }
0x4d: {  	_ =	shalt  }
0x4e: {  	_ =	shalt  }
0x4f: {  	_ =	shalt  }
0x50: {  	_ =	shalt  }
0x51: {  	_ =	shalt  }
0x52: {  	_ =	shalt  }
0x53: {  	_ =	shalt  }
0x54: {  	_ =	shalt  }
0x55: {  	_ =	shalt  }
0x56: {  	_ =	shalt  }
0x57: {  	_ =	shalt  }
0x58: {  	_ =	shalt  }
0x59: {  	_ =	shalt  }
0x5a: {  	_ =	shalt  }
0x5b: {  	_ =	shalt  }
0x5c: {  	_ =	shalt  }
0x5d: {  	_ =	shalt  }
0x5e: {  	_ =	shalt  }
0x5f: {  	_ =	shalt  }
0x60: {  	_ =	shalt  }
0x61: {  	_ =	shalt  }
0x62: {  	_ =	shalt  }
0x63: {  	_ =	shalt  }
0x64: {  	_ =	shalt  }
0x65: {  	_ =	shalt  }
0x66: {  	_ =	shalt  }
0x67: {  	_ =	shalt  }
0x68: {  	_ =	shalt  }
0x69: {  	_ =	shalt  }
0x6a: {  	_ =	shalt  }
0x6b: {  	_ =	shalt  }
0x6c: {  	_ =	shalt  }
0x6d: {  	_ =	shalt  }
0x6e: {  	_ =	shalt  }
0x6f: {  	_ =	shalt  }
0x70: {  	_ =	shalt  }
0x71: {  	_ =	shalt  }
0x72: {  	_ =	shalt  }
0x73: {  	_ =	shalt  }
0x74: {  	_ =	shalt  }
0x75: {  	_ =	shalt  }
0x76: {  	_ =	shalt  }
0x77: {  	_ =	shalt  }
0x78: {  	_ =	shalt  }
0x79: {  	_ =	shalt  }
0x7a: {  	_ =	shalt  }
0x7b: {  	_ =	shalt  }
0x7c: {  	_ =	shalt  }
0x7d: {  	_ =	shalt  }
0x7e: {  	_ =	shalt  }
0x7f: {  	_ =	shalt  }
0x80: {  	_ =	shalt  }
0x81: {  	_ =	shalt  }
0x82: {  	_ =	shalt  }
0x83: {  	_ =	shalt  }
0x84: {  	_ =	shalt  }
0x85: {  	_ =	shalt  }
0x86: {  	_ =	shalt  }
0x87: {  	_ =	shalt  }
.Lfunc_end0:
.L_simem_size_0:
called_computation_lowered:
.L_overlay_start_0:
0x88: {  	s2 =	sld [smem:$0x3FD9]  }
0x89: {  	s3 =	sld [smem:$0x3FFE];
	_ =	sdelay $0x1  }
0x8a: {  	s1 =	srdreg.scid  }
0x8b: {  	s0 =	sand.u32 $0x1, s1  }
0x8c: {  	s18 =	sshll.u32 s0, $0xA;
	s2 =	sadd.s32 s3, s2  }
0x8d: {  	s2 =	sadd.s32 s2, s18  }
0x8e: {  	[smem:$0x3FC6] =	sst s2  }
0x8f: {  	_ = 	snop  }
0x90: {  	s2 =	sld [smem:$0x3FC9]  }
0x91: {  	s19 =	sld [smem:$0x3FC8]  }
0x92: {  	s4 =	sld [smem:$0x3FD0];
	(tm) =	ssettm $0x1  }
0x93: {  	s5 =	sld [smem:$0x3FFB];
	_ =	sdelay $0x3  }
0x94: {  	_ =	strace s5  }
0x95: {  	s5 =	sld [smem:$0x3FFC];
	_ =	sdelay $0x3  }
0x96: {  	_ =	strace s5  }
0x97: {  	s5 =	sld [smem:$0x3FFD];
	_ =	sdelay $0x3  }
0x98: {  	_ =	strace s5  }
0x99: {  	_ =	strace $0x8FFFFFFF  }
0x9a: {  	s20 =	sld [smem:$0x3FDB];
	_ =	sdelay $0x1  }
0x9b: {  	s6 =	simm.s32 $_scs_section_size  }
0x9c: {  	s7 =	simm.s32 $_size__tile_overlayer_lowered;
	s8 =	simm.s32 $_tile_overlayer_lowered  }
0x9d: {  	s23 =	simm.s32 $0x1BFF;
	s22 =	sshll.u32 s8, $0x1;
	s5 =	sadd.s32 s6, s20  }
0x9e: {  	s9 =	simm.s32 $0x0;
	s21 =	sshll.u32 s7, $0x1;
	s7 =	sadd.s32 s22, s5  }
0x9f: {  	[timem:s9], [sflag:s23] =	dma.local [hbm:s7], s21  }
0xa0: {  	_ =	swait.ge [sflag:s23], s21  }
0xa1: {  	s6 =	ssub.s32 $0x0, s21;
	[sflag:s23] =	ssyncset.done $0x0  }
0xa2: {  	[sflag:s23] =	ssyncadd.s32 s6;
	_ =	sdelay $0x1  }
0xa3: {  	s24 =	simm.s32 $0x1B8B  }
0xa4: {  	_ =	swait.ge [sflag:s24], $0x1  }
0xa5: {  	[sflag:s24] =	ssyncset.done $0x0  }
0xa6: {  	s25 =	simm.s32 $0x1B8E;
	[sflag:s24] =	ssyncadd.s32 $0xFFFFFFFF  }
0xa7: {  	s26 =	simm.s32 $execute0_lowered;
	[smem:$0x3FD2] =	sst s25  }
0xa8: {  	s6 =	sshll.u32 s26, $0x1;
	_ =	strace $0x80000046;
	[dreg:$0x1] =	wrdreg $0xFFFFFFFF  }
0xa9: {  	s28 =	simm.s32 $_size_execute0_lowered;
	s5 =	sadd.s32 s5, s6;
	[dreg:$0x0] =	wrdreg $0x0  }
0xaa: {  	s6 =	sshll.u32 s28, $0x1;
	[dreg:$0x2] =	wrdreg s5  }
0xab: {  	[dreg:$0x3] =	wrdreg s6  }
0xac: {  	[dreg:$0x4] =	wrdreg $0xC0  }
0xad: {  	_ =	task [dreg:s9], $0x5FFFF  }
0xae: {  	[dreg:$0x1] =	wrdreg $0xFFFFFFFF  }
0xaf: {  	[dreg:$0x0] =	wrdreg $0x60  }
0xb0: {  	[dreg:$0x2] =	wrdreg s2  }
0xb1: {  	[dreg:$0x3] =	wrdreg s19  }
0xb2: {  	[dreg:$0x4] =	wrdreg s4  }
0xb3: {  	[dreg:$0x5] =	wrdreg $0x9  }
0xb4: {  	_ =	task.clear_ibuf [dreg:s9], $0x6FFFF;
	_ =	strace $0x90000046  }
0xb5: {  	s29 =	simm.s32 $0x9;
	_ =	strace $0x80000048  }
0xb6: {  	_ =	swait.ge [sflag:s29], $0x1  }
0xb7: {  	[sflag:s29] =	ssyncadd.s32 $0xFFFFFFFF  }
0xb8: {  	_ =	strace $0x90000048  }
0xb9: {  	_ =	sfence  }
0xba: {  	s30 =	sld [smem:$0x0];
	_ =	sdelay $0x2  }
0xbb: {  	s31 =	sshll.u32 s1, $0xD;
	s1 =	sshrl.u32 s1, $0x2  }
0xbc: {  	s3 =	sand.u32 $0x4000, s31;
	s1 =	sadd.s32 s1, s30  }
0xbd: {  	s0 =	sor.u32 s3, s0;
	s1 =	sshll.u32 s1, $0x11  }
0xbe: {  	s0 =	sor.u32 s1, s0  }
0xbf: {  	s0 =	sadd.s32 $0x8F2B, s0  }
0xc0: {  	[sflag:s0] =	ssyncadd.remote.s32 $0x1  }
0xc1: {  	_ =	sfence.sel $0xFFFF  }
0xc2: {  	[dreg:$0x0] =	wrdreg $0xFFFFFFFF;
	(pc) =	sbr.abs _section_cstart, $3  }
0xc3: {  	[dreg:$0x1] =	wrdreg $0xFFFFFFFF  }
0xc4: {  	_ =	task.clear_ibuf [dreg:s9], $0x2FFFF;
	_ =	strace $0x9FFFFFFF  }
0xc5: {  	(tm) =	ssettm $0x7FFFFFFF  }
tec
execute0_lowered:
.L_overlay_start_1:
0x0: {  	(tag) =	ssettag $0x1  }
0x1: {  	s0 =	srdreg.scid  }
0x2: {  	s3 =	stileid.u32;
	s0 =	sand.u32 $0x1, s0  }
0x3: {  	s1 =	rddreg [dreg:$0x0];
	s5 =	sshll.u32 s3, $0x9;
	s6 =	sshll.u32 s0, $0x8  }
0x4: {  	s2 =	rddreg [dreg:$0x1];
	s5 =	sor.u32 s6, s5  }
0x5: {  	s4 =	rddreg [dreg:$0x2];
	s3 =	simm.s32 $0x0;
	s6 =	sshrl.u32 s5, $0x3  }
0x6: {  	[smem:$0x7FF] =	sst s3;
	s5 =	sshll.u32 s5, $0x9;
	s2 =	sadd.s32 s2, s6  }
0x7: {  	_ =	strace $0x80000047;
	s20 =	sadd.s32 s4, s5;
	[dreg:$0x4] =	wrdreg s2  }
0x8: {  	s25 =	sadd.s32 $0x1000, s20;
	[smem:$0x7FC] =	sst s20  }
0x9: {  	s26 =	sadd.s32 $0x2000, s20;
	[dreg:$0x5] =	wrdreg s25  }
0xa: {  	s28 =	sadd.s32 $0x3000, s20;
	[dreg:$0x6] =	wrdreg s26  }
0xb: {  	s29 =	sadd.s32 $0x4000, s20;
	[dreg:$0x7] =	wrdreg s28  }
0xc: {  	s30 =	sadd.s32 $0x5000, s20;
	[dreg:$0x8] =	wrdreg s29  }
0xd: {  	s31 =	sadd.s32 $0x6000, s20;
	[dreg:$0x9] =	wrdreg s30  }
0xe: {  	s4 =	sadd.s32 $0x7000, s20;
	[dreg:$0xa] =	wrdreg s31  }
0xf: {  	s5 =	sadd.s32 $0x8000, s20;
	[dreg:$0xb] =	wrdreg s4  }
0x10: {  	s6 =	sadd.s32 $0x9000, s20;
	[dreg:$0xc] =	wrdreg s5  }
0x11: {  	s7 =	sadd.s32 $0xA000, s20;
	[dreg:$0xd] =	wrdreg s6  }
0x12: {  	s8 =	sadd.s32 $0xB000, s20;
	[dreg:$0xe] =	wrdreg s7  }
0x13: {  	s9 =	sadd.s32 $0xC000, s20;
	[dreg:$0xf] =	wrdreg s8  }
0x14: {  	s10 =	sadd.s32 $0xD000, s20;
	[dreg:$0x10] =	wrdreg s9  }
0x15: {  	s0 =	ssub.s32 $0x2, s0;
	s11 =	sadd.s32 $0xE000, s20;
	[dreg:$0x11] =	wrdreg s10  }
0x16: {  	s12 =	sshrl.u32 s0, $0x1;
	s13 =	sadd.s32 $0xF000, s20;
	[dreg:$0x12] =	wrdreg s11  }
0x17: {  	s0 =	ssub.s32 s0, s12;
	s14 =	sadd.s32 $0x10000, s20;
	[dreg:$0x13] =	wrdreg s13  }
0x18: {  	s12 =	sadd.s32 $0x800, s1;
	s15 =	sadd.s32 $0x11000, s20;
	[dreg:$0x14] =	wrdreg s14  }
0x19: {  	s16 =	sadd.s32 $0x12000, s20;
	s17 =	sadd.s32 $0x13000, s20;
	[dreg:$0x15] =	wrdreg s15  }
0x1a: {  	s18 =	sadd.s32 $0x14000, s20;
	s19 =	sadd.s32 $0x15000, s20;
	[dreg:$0x16] =	wrdreg s16  }
0x1b: {  	s21 =	sadd.s32 $0x16000, s20;
	s22 =	sadd.s32 $0x17000, s20;
	[dreg:$0x17] =	wrdreg s17  }
0x1c: {  	s23 =	sadd.s32 $0x18000, s20;
	s24 =	sadd.s32 $0x19000, s20;
	[dreg:$0x18] =	wrdreg s18  }
0x1d: {  	s5 =	sadd.s32 $0x100, s1;
	s6 =	sadd.s32 $0x200, s1;
	[dreg:$0x19] =	wrdreg s19  }
0x1e: {  	s7 =	sadd.s32 $0x300, s1;
	s8 =	sadd.s32 $0x400, s1;
	[dreg:$0x1a] =	wrdreg s21  }
0x1f: {  	s9 =	sadd.s32 $0x500, s1;
	s10 =	sadd.s32 $0x600, s1;
	[dreg:$0x1b] =	wrdreg s22  }
0x20: {  	s11 =	sadd.s32 $0x700, s1;
	s13 =	sadd.s32 $0x900, s1;
	[dreg:$0x1c] =	wrdreg s23  }
0x21: {  	s14 =	sadd.s32 $0xA00, s1;
	[dreg:$0x1d] =	wrdreg s24;
	s25 =	sadd.s32 $0x1A000, s20  }
0x22: {  	s15 =	sadd.s32 $0xB00, s1;
	s26 =	sadd.s32 $0x1B000, s20;
	s16 =	sadd.s32 $0xC00, s1  }
0x23: {  	s28 =	sadd.s32 $0x1C000, s20;
	s17 =	sadd.s32 $0xD00, s1;
	[dreg:$0x1e] =	wrdreg s25  }
0x24: {  	s29 =	sadd.s32 $0x1D000, s20;
	s18 =	sadd.s32 $0xE00, s1;
	[dreg:$0x1f] =	wrdreg s26  }
0x25: {  	s30 =	sadd.s32 $0x1E000, s20;
	s19 =	sadd.s32 $0xF00, s1;
	[smem:$0x7F9] =	sst s28  }
0x26: {  	v0 =	vlaneseq.u32;
	s31 =	sadd.s32 $0x1F000, s20;
	s20 =	smax.u32 s0, $0x1;
	[smem:$0x7FA] =	sst s29  }
0x27: {  	v1 =	vshrl.u32 v0, $0x3;
	s21 =	simm.s32 $0x1;
	s4 =	simm.s32 $0x4;
	[smem:$0x7FB] =	sst s30  }
0x28: {  	vm0 =	vmmov $0xffff;
	v0 =	vand.u32 $0x7, v0;
	v1 =	vmul.u32 $0x8, v1;
	s23 =	simm.s32 $0x2;
	s24 =	simm.s32 $0x6;
	[smem:$0x7FD] =	sst s31  }
.LBB2_1:
0x29: {  	[smem:$0x7F8] =	sst s20  }
0x2a: {  	s28 =	rddreg [dreg:$0x4];
	s0 =	simm.s32 $0x7  }
0x2b: {  	[tilespmem:s3], [sflag:$0x7] =	stream.linear.gather [hbm4b:s28+s3], $0x100, $0x38;
	[tilespmem:$0x18100] =	vst v63  }
0x2c: {  	_ =	swait.ge [sflag:s0], $0x100  }
0x2d: {  	[sflag:s0] =	ssyncset.done $0x0  }
0x2e: {  	[sflag:s0] =	ssyncadd.s32 $0xFFFFFF00  }
0x2f: {  	v2 =	vld.msk [tilespmem:$0x0], $0xff;
	_ =	sdelay $0x4  }
0x30: {  	v3 =	vshll.u32 v2, $0x5  }
0x31: {  	v2 =	vand.u32 $0x7, v2;
	v3 =	vand.u32 $0xFFFFFF00, v3  }
0x32: {  	v2 =	vor.u32 v2, v3  }
0x33: {  	v2 =	vperm.xlane v2, v0;
	_ =	sdelay $0x1  }
0x34: {  	v2 =	vadd.s32 v1, v2;
	_ =	sdelay $0x3  }
0x35: {  	s2 =	simm.s32 $0x100;
	s29 =	rddreg [dreg:$0x0]  }
0x36: {  	[tilespmem:s2], [sflag:$0x1] =	stream.indirect_vreg.gather [hbm4b:s29+s3], $0x80, v2, vm0, $0xb8;
	[tilespmem:$0x18100] =	vst v63  }
0x37: {  	s1 =	simm.s32 $0x900  }
0x38: {  	[tilespmem:s1], [sflag:$0x1] =	stream.indirect_vreg.gather [hbm4b:s5+s3], $0x80, v2, vm0, $0xb8;
	[tilespmem:$0x18100] =	vst v63  }
0x39: {  	s20 =	simm.s32 $0x1100  }
0x3a: {  	[tilespmem:s20], [sflag:$0x1] =	stream.indirect_vreg.gather [hbm4b:s6+s3], $0x80, v2, vm0, $0xb8;
	[tilespmem:$0x18100] =	vst v63  }
0x3b: {  	s22 =	simm.s32 $0x1900  }
0x3c: {  	[tilespmem:s22], [sflag:$0x1] =	stream.indirect_vreg.gather [hbm4b:s7+s3], $0x80, v2, vm0, $0xb8;
	[tilespmem:$0x18100] =	vst v63  }
0x3d: {  	s25 =	simm.s32 $0x2100  }
0x3e: {  	[tilespmem:s25], [sflag:$0x1] =	stream.indirect_vreg.gather [hbm4b:s8+s3], $0x80, v2, vm0, $0xb8;
	[tilespmem:$0x18100] =	vst v63  }
0x3f: {  	s26 =	simm.s32 $0x2900  }
0x40: {  	[tilespmem:s26], [sflag:$0x1] =	stream.indirect_vreg.gather [hbm4b:s9+s3], $0x80, v2, vm0, $0xb8;
	[tilespmem:$0x18100] =	vst v63  }
0x41: {  	s28 =	simm.s32 $0x3100  }
0x42: {  	[tilespmem:s28], [sflag:$0x1] =	stream.indirect_vreg.gather [hbm4b:s10+s3], $0x80, v2, vm0, $0xb8;
	[tilespmem:$0x18100] =	vst v63  }
0x43: {  	s30 =	simm.s32 $0x3900  }
0x44: {  	[tilespmem:s30], [sflag:$0x1] =	stream.indirect_vreg.gather [hbm4b:s11+s3], $0x80, v2, vm0, $0xb8;
	[tilespmem:$0x18100] =	vst v63  }
0x45: {  	s31 =	simm.s32 $0x4100  }
0x46: {  	[tilespmem:s31], [sflag:$0x1] =	stream.indirect_vreg.gather [hbm4b:s12+s3], $0x80, v2, vm0, $0xb8;
	[tilespmem:$0x18100] =	vst v63  }
0x47: {  	s1 =	simm.s32 $0x4900  }
0x48: {  	[tilespmem:s1], [sflag:$0x1] =	stream.indirect_vreg.gather [hbm4b:s13+s3], $0x80, v2, vm0, $0xb8;
	[tilespmem:$0x18100] =	vst v63  }
0x49: {  	s22 =	simm.s32 $0x5100  }
0x4a: {  	[tilespmem:s22], [sflag:$0x1] =	stream.indirect_vreg.gather [hbm4b:s14+s3], $0x80, v2, vm0, $0xb8;
	[tilespmem:$0x18100] =	vst v63  }
0x4b: {  	s25 =	simm.s32 $0x5900  }
0x4c: {  	[tilespmem:s25], [sflag:$0x1] =	stream.indirect_vreg.gather [hbm4b:s15+s3], $0x80, v2, vm0, $0xb8;
	[tilespmem:$0x18100] =	vst v63  }
0x4d: {  	s26 =	simm.s32 $0x6100  }
0x4e: {  	[tilespmem:s26], [sflag:$0x1] =	stream.indirect_vreg.gather [hbm4b:s16+s3], $0x80, v2, vm0, $0xb8;
	[tilespmem:$0x18100] =	vst v63  }
0x4f: {  	s28 =	simm.s32 $0x6900  }
0x50: {  	[tilespmem:s28], [sflag:$0x1] =	stream.indirect_vreg.gather [hbm4b:s17+s3], $0x80, v2, vm0, $0xb8;
	[tilespmem:$0x18100] =	vst v63  }
0x51: {  	s30 =	simm.s32 $0x7100  }
0x52: {  	[tilespmem:s30], [sflag:$0x1] =	stream.indirect_vreg.gather [hbm4b:s18+s3], $0x80, v2, vm0, $0xb8;
	[tilespmem:$0x18100] =	vst v63  }
0x53: {  	s31 =	simm.s32 $0x7900  }
0x54: {  	[tilespmem:s31], [sflag:$0x1] =	stream.indirect_vreg.gather [hbm4b:s19+s3], $0x80, v2, vm0, $0xb8;
	[tilespmem:$0x18100] =	vst v63  }
0x55: {  	v2 =	vld.msk [tilespmem:$0x8], $0xff;
	_ =	sdelay $0x4  }
0x56: {  	v3 =	vshll.u32 v2, $0x5  }
0x57: {  	v2 =	vand.u32 $0x7, v2;
	v3 =	vand.u32 $0xFFFFFF00, v3  }
0x58: {  	v2 =	vor.u32 v2, v3  }
0x59: {  	v2 =	vperm.xlane v2, v0;
	_ =	sdelay $0x1  }
0x5a: {  	v2 =	vadd.s32 v1, v2;
	_ =	sdelay $0x3  }
0x5b: {  	s1 =	simm.s32 $0x8100  }
0x5c: {  	[tilespmem:s1], [sflag:$0x2] =	stream.indirect_vreg.gather [hbm4b:s29+s3], $0x80, v2, vm0, $0xb8;
	[tilespmem:$0x18100] =	vst v63  }
0x5d: {  	s2 =	simm.s32 $0x8900  }
0x5e: {  	[tilespmem:s2], [sflag:$0x2] =	stream.indirect_vreg.gather [hbm4b:s5+s3], $0x80, v2, vm0, $0xb8;
	[tilespmem:$0x18100] =	vst v63  }
0x5f: {  	s22 =	simm.s32 $0x9100  }
0x60: {  	[tilespmem:s22], [sflag:$0x2] =	stream.indirect_vreg.gather [hbm4b:s6+s3], $0x80, v2, vm0, $0xb8;
	[tilespmem:$0x18100] =	vst v63  }
0x61: {  	s26 =	simm.s32 $0x9900  }
0x62: {  	[tilespmem:s26], [sflag:$0x2] =	stream.indirect_vreg.gather [hbm4b:s7+s3], $0x80, v2, vm0, $0xb8;
	[tilespmem:$0x18100] =	vst v63  }
0x63: {  	s30 =	simm.s32 $0xA100  }
0x64: {  	[tilespmem:s30], [sflag:$0x2] =	stream.indirect_vreg.gather [hbm4b:s8+s3], $0x80, v2, vm0, $0xb8;
	[tilespmem:$0x18100] =	vst v63  }
0x65: {  	s31 =	simm.s32 $0xA900  }
0x66: {  	[tilespmem:s31], [sflag:$0x2] =	stream.indirect_vreg.gather [hbm4b:s9+s3], $0x80, v2, vm0, $0xb8;
	[tilespmem:$0x18100] =	vst v63  }
0x67: {  	s1 =	simm.s32 $0xB100  }
0x68: {  	[tilespmem:s1], [sflag:$0x2] =	stream.indirect_vreg.gather [hbm4b:s10+s3], $0x80, v2, vm0, $0xb8;
	[tilespmem:$0x18100] =	vst v63  }
0x69: {  	s2 =	simm.s32 $0xB900  }
0x6a: {  	[tilespmem:s2], [sflag:$0x2] =	stream.indirect_vreg.gather [hbm4b:s11+s3], $0x80, v2, vm0, $0xb8;
	[tilespmem:$0x18100] =	vst v63  }
0x6b: {  	s22 =	simm.s32 $0xC100  }
0x6c: {  	[tilespmem:s22], [sflag:$0x2] =	stream.indirect_vreg.gather [hbm4b:s12+s3], $0x80, v2, vm0, $0xb8;
	[tilespmem:$0x18100] =	vst v63  }
0x6d: {  	s26 =	simm.s32 $0xC900  }
0x6e: {  	[tilespmem:s26], [sflag:$0x2] =	stream.indirect_vreg.gather [hbm4b:s13+s3], $0x80, v2, vm0, $0xb8;
	[tilespmem:$0x18100] =	vst v63  }
0x6f: {  	s30 =	simm.s32 $0xD100  }
0x70: {  	[tilespmem:s30], [sflag:$0x2] =	stream.indirect_vreg.gather [hbm4b:s14+s3], $0x80, v2, vm0, $0xb8;
	[tilespmem:$0x18100] =	vst v63  }
0x71: {  	s31 =	simm.s32 $0xD900  }
0x72: {  	[tilespmem:s31], [sflag:$0x2] =	stream.indirect_vreg.gather [hbm4b:s15+s3], $0x80, v2, vm0, $0xb8;
	[tilespmem:$0x18100] =	vst v63  }
0x73: {  	s1 =	simm.s32 $0xE100  }
0x74: {  	[tilespmem:s1], [sflag:$0x2] =	stream.indirect_vreg.gather [hbm4b:s16+s3], $0x80, v2, vm0, $0xb8;
	[tilespmem:$0x18100] =	vst v63  }
0x75: {  	s2 =	simm.s32 $0xE900  }
0x76: {  	[tilespmem:s2], [sflag:$0x2] =	stream.indirect_vreg.gather [hbm4b:s17+s3], $0x80, v2, vm0, $0xb8;
	[tilespmem:$0x18100] =	vst v63  }
0x77: {  	s22 =	simm.s32 $0xF100  }
0x78: {  	[tilespmem:s22], [sflag:$0x2] =	stream.indirect_vreg.gather [hbm4b:s18+s3], $0x80, v2, vm0, $0xb8;
	[tilespmem:$0x18100] =	vst v63  }
0x79: {  	s26 =	simm.s32 $0xF900  }
0x7a: {  	[tilespmem:s26], [sflag:$0x2] =	stream.indirect_vreg.gather [hbm4b:s19+s3], $0x80, v2, vm0, $0xb8;
	[tilespmem:$0x18100] =	vst v63  }
0x7b: {  	v2 =	vld.msk [tilespmem:$0x10], $0xff;
	_ =	sdelay $0x4  }
0x7c: {  	v3 =	vshll.u32 v2, $0x5  }
0x7d: {  	v2 =	vand.u32 $0x7, v2;
	v3 =	vand.u32 $0xFFFFFF00, v3  }
0x7e: {  	v2 =	vor.u32 v2, v3  }
0x7f: {  	v2 =	vperm.xlane v2, v0;
	_ =	sdelay $0x1  }
0x80: {  	v2 =	vadd.s32 v1, v2;
	_ =	sdelay $0x3  }
0x81: {  	s22 =	simm.s32 $0x10100  }
0x82: {  	[tilespmem:s22], [sflag:$0x3] =	stream.indirect_vreg.gather [hbm4b:s29+s3], $0x80, v2, vm0, $0xb8;
	[tilespmem:$0x18100] =	vst v63  }
0x83: {  	s30 =	simm.s32 $0x10900  }
0x84: {  	[tilespmem:s30], [sflag:$0x3] =	stream.indirect_vreg.gather [hbm4b:s5+s3], $0x80, v2, vm0, $0xb8;
	[tilespmem:$0x18100] =	vst v63  }
0x85: {  	s31 =	simm.s32 $0x11100  }
0x86: {  	[tilespmem:s31], [sflag:$0x3] =	stream.indirect_vreg.gather [hbm4b:s6+s3], $0x80, v2, vm0, $0xb8;
	[tilespmem:$0x18100] =	vst v63  }
0x87: {  	s1 =	simm.s32 $0x11900  }
0x88: {  	[tilespmem:s1], [sflag:$0x3] =	stream.indirect_vreg.gather [hbm4b:s7+s3], $0x80, v2, vm0, $0xb8;
	[tilespmem:$0x18100] =	vst v63  }
0x89: {  	s22 =	simm.s32 $0x12100  }
0x8a: {  	[tilespmem:s22], [sflag:$0x3] =	stream.indirect_vreg.gather [hbm4b:s8+s3], $0x80, v2, vm0, $0xb8;
	[tilespmem:$0x18100] =	vst v63  }
0x8b: {  	s26 =	simm.s32 $0x12900  }
0x8c: {  	[tilespmem:s26], [sflag:$0x3] =	stream.indirect_vreg.gather [hbm4b:s9+s3], $0x80, v2, vm0, $0xb8;
	[tilespmem:$0x18100] =	vst v63  }
0x8d: {  	s28 =	simm.s32 $0x13100  }
0x8e: {  	[tilespmem:s28], [sflag:$0x3] =	stream.indirect_vreg.gather [hbm4b:s10+s3], $0x80, v2, vm0, $0xb8;
	[tilespmem:$0x18100] =	vst v63  }
0x8f: {  	s30 =	simm.s32 $0x13900  }
0x90: {  	[tilespmem:s30], [sflag:$0x3] =	stream.indirect_vreg.gather [hbm4b:s11+s3], $0x80, v2, vm0, $0xb8;
	[tilespmem:$0x18100] =	vst v63  }
0x91: {  	s31 =	simm.s32 $0x14100  }
0x92: {  	[tilespmem:s31], [sflag:$0x3] =	stream.indirect_vreg.gather [hbm4b:s12+s3], $0x80, v2, vm0, $0xb8;
	[tilespmem:$0x18100] =	vst v63  }
0x93: {  	s1 =	simm.s32 $0x14900  }
0x94: {  	[tilespmem:s1], [sflag:$0x3] =	stream.indirect_vreg.gather [hbm4b:s13+s3], $0x80, v2, vm0, $0xb8;
	[tilespmem:$0x18100] =	vst v63  }
0x95: {  	s22 =	simm.s32 $0x15100  }
0x96: {  	[tilespmem:s22], [sflag:$0x3] =	stream.indirect_vreg.gather [hbm4b:s14+s3], $0x80, v2, vm0, $0xb8;
	[tilespmem:$0x18100] =	vst v63  }
0x97: {  	s26 =	simm.s32 $0x15900  }
0x98: {  	[tilespmem:s26], [sflag:$0x3] =	stream.indirect_vreg.gather [hbm4b:s15+s3], $0x80, v2, vm0, $0xb8;
	[tilespmem:$0x18100] =	vst v63  }
0x99: {  	s28 =	simm.s32 $0x16100  }
0x9a: {  	[tilespmem:s28], [sflag:$0x3] =	stream.indirect_vreg.gather [hbm4b:s16+s3], $0x80, v2, vm0, $0xb8;
	[tilespmem:$0x18100] =	vst v63  }
0x9b: {  	s30 =	simm.s32 $0x16900  }
0x9c: {  	[tilespmem:s30], [sflag:$0x3] =	stream.indirect_vreg.gather [hbm4b:s17+s3], $0x80, v2, vm0, $0xb8;
	[tilespmem:$0x18100] =	vst v63  }
0x9d: {  	s31 =	simm.s32 $0x17100  }
0x9e: {  	[tilespmem:s31], [sflag:$0x3] =	stream.indirect_vreg.gather [hbm4b:s18+s3], $0x80, v2, vm0, $0xb8;
	[tilespmem:$0x18100] =	vst v63  }
0x9f: {  	s1 =	simm.s32 $0x17900  }
0xa0: {  	[tilespmem:s1], [sflag:$0x3] =	stream.indirect_vreg.gather [hbm4b:s19+s3], $0x80, v2, vm0, $0xb8;
	[tilespmem:$0x18100] =	vst v63  }
0xa1: {  	_ =	swait.ge [sflag:s21], $0x8000  }
0xa2: {  	s22 =	sld [smem:$0x7FC]  }
0xa3: {  	[sflag:s21] =	ssyncset.done $0x0  }
0xa4: {  	s26 =	simm.s32 $0x100;
	[sflag:s21] =	ssyncadd.s32 $0xFFFF8000  }
0xa5: {  	[hbm4b:s22+s3] =	stream.linear.scatter [tilespmem:s26], [sflag:$0x4], $0x8000, $0x38;
	[tilespmem:$0x18100] =	vst v63  }
0xa6: {  	_ =	swait.ge [sflag:s4], $0x8000  }
0xa7: {  	[sflag:s4] =	ssyncset.done $0x0  }
0xa8: {  	[sflag:s4] =	ssyncadd.s32 $0xFFFF8000  }
0xa9: {  	v2 =	vld.msk [tilespmem:$0x18], $0xff;
	_ =	sdelay $0x4  }
0xaa: {  	v3 =	vshll.u32 v2, $0x5  }
0xab: {  	v2 =	vand.u32 $0x7, v2;
	v3 =	vand.u32 $0xFFFFFF00, v3  }
0xac: {  	v2 =	vor.u32 v2, v3  }
0xad: {  	v2 =	vperm.xlane v2, v0;
	_ =	sdelay $0x1  }
0xae: {  	v2 =	vadd.s32 v1, v2;
	_ =	sdelay $0x4  }
0xaf: {  	[tilespmem:s26], [sflag:$0x1] =	stream.indirect_vreg.gather [hbm4b:s29+s3], $0x80, v2, vm0, $0xb8;
	[tilespmem:$0x18100] =	vst v63  }
0xb0: {  	s22 =	simm.s32 $0x900  }
0xb1: {  	[tilespmem:s22], [sflag:$0x1] =	stream.indirect_vreg.gather [hbm4b:s5+s3], $0x80, v2, vm0, $0xb8;
	[tilespmem:$0x18100] =	vst v63  }
0xb2: {  	s30 =	simm.s32 $0x1100  }
0xb3: {  	[tilespmem:s30], [sflag:$0x1] =	stream.indirect_vreg.gather [hbm4b:s6+s3], $0x80, v2, vm0, $0xb8;
	[tilespmem:$0x18100] =	vst v63  }
0xb4: {  	s26 =	simm.s32 $0x1900  }
0xb5: {  	[tilespmem:s26], [sflag:$0x1] =	stream.indirect_vreg.gather [hbm4b:s7+s3], $0x80, v2, vm0, $0xb8;
	[tilespmem:$0x18100] =	vst v63  }
0xb6: {  	s31 =	simm.s32 $0x2100  }
0xb7: {  	[tilespmem:s31], [sflag:$0x1] =	stream.indirect_vreg.gather [hbm4b:s8+s3], $0x80, v2, vm0, $0xb8;
	[tilespmem:$0x18100] =	vst v63  }
0xb8: {  	s20 =	simm.s32 $0x2900  }
0xb9: {  	[tilespmem:s20], [sflag:$0x1] =	stream.indirect_vreg.gather [hbm4b:s9+s3], $0x80, v2, vm0, $0xb8;
	[tilespmem:$0x18100] =	vst v63  }
0xba: {  	s0 =	simm.s32 $0x3100  }
0xbb: {  	[tilespmem:s0], [sflag:$0x1] =	stream.indirect_vreg.gather [hbm4b:s10+s3], $0x80, v2, vm0, $0xb8;
	[tilespmem:$0x18100] =	vst v63  }
0xbc: {  	s2 =	simm.s32 $0x3900  }
0xbd: {  	[tilespmem:s2], [sflag:$0x1] =	stream.indirect_vreg.gather [hbm4b:s11+s3], $0x80, v2, vm0, $0xb8;
	[tilespmem:$0x18100] =	vst v63  }
0xbe: {  	s1 =	simm.s32 $0x4100  }
0xbf: {  	[tilespmem:s1], [sflag:$0x1] =	stream.indirect_vreg.gather [hbm4b:s12+s3], $0x80, v2, vm0, $0xb8;
	[tilespmem:$0x18100] =	vst v63  }
0xc0: {  	s28 =	simm.s32 $0x4900  }
0xc1: {  	[tilespmem:s28], [sflag:$0x1] =	stream.indirect_vreg.gather [hbm4b:s13+s3], $0x80, v2, vm0, $0xb8;
	[tilespmem:$0x18100] =	vst v63  }
0xc2: {  	s20 =	simm.s32 $0x5100  }
0xc3: {  	[tilespmem:s20], [sflag:$0x1] =	stream.indirect_vreg.gather [hbm4b:s14+s3], $0x80, v2, vm0, $0xb8;
	[tilespmem:$0x18100] =	vst v63  }
0xc4: {  	s28 =	simm.s32 $0x5900  }
0xc5: {  	[tilespmem:s28], [sflag:$0x1] =	stream.indirect_vreg.gather [hbm4b:s15+s3], $0x80, v2, vm0, $0xb8;
	[tilespmem:$0x18100] =	vst v63  }
0xc6: {  	s20 =	simm.s32 $0x6100  }
0xc7: {  	[tilespmem:s20], [sflag:$0x1] =	stream.indirect_vreg.gather [hbm4b:s16+s3], $0x80, v2, vm0, $0xb8;
	[tilespmem:$0x18100] =	vst v63  }
0xc8: {  	s28 =	simm.s32 $0x6900  }
0xc9: {  	[tilespmem:s28], [sflag:$0x1] =	stream.indirect_vreg.gather [hbm4b:s17+s3], $0x80, v2, vm0, $0xb8;
	[tilespmem:$0x18100] =	vst v63  }
0xca: {  	s20 =	simm.s32 $0x7100  }
0xcb: {  	[tilespmem:s20], [sflag:$0x1] =	stream.indirect_vreg.gather [hbm4b:s18+s3], $0x80, v2, vm0, $0xb8;
	[tilespmem:$0x18100] =	vst v63  }
0xcc: {  	s28 =	simm.s32 $0x7900  }
0xcd: {  	[tilespmem:s28], [sflag:$0x1] =	stream.indirect_vreg.gather [hbm4b:s19+s3], $0x80, v2, vm0, $0xb8;
	[tilespmem:$0x18100] =	vst v63  }
0xce: {  	_ =	swait.ge [sflag:s23], $0x8000  }
0xcf: {  	[sflag:s23] =	ssyncset.done $0x0  }
0xd0: {  	s20 =	simm.s32 $0x8100;
	s0 =	rddreg [dreg:$0x5];
	[sflag:s23] =	ssyncadd.s32 $0xFFFF8000  }
0xd1: {  	[hbm4b:s0+s3] =	stream.linear.scatter [tilespmem:s20], [sflag:$0x5], $0x8000, $0x38;
	[tilespmem:$0x18100] =	vst v63  }
0xd2: {  	s0 =	simm.s32 $0x5  }
0xd3: {  	_ =	swait.ge [sflag:s0], $0x8000  }
0xd4: {  	[sflag:s0] =	ssyncset.done $0x0  }
0xd5: {  	[sflag:s0] =	ssyncadd.s32 $0xFFFF8000  }
0xd6: {  	v2 =	vld.msk [tilespmem:$0x20], $0xff;
	_ =	sdelay $0x4  }
0xd7: {  	v3 =	vshll.u32 v2, $0x5  }
0xd8: {  	v2 =	vand.u32 $0x7, v2;
	v3 =	vand.u32 $0xFFFFFF00, v3  }
0xd9: {  	v2 =	vor.u32 v2, v3  }
0xda: {  	v2 =	vperm.xlane v2, v0;
	_ =	sdelay $0x1  }
0xdb: {  	v2 =	vadd.s32 v1, v2;
	_ =	sdelay $0x4  }
0xdc: {  	[tilespmem:s20], [sflag:$0x2] =	stream.indirect_vreg.gather [hbm4b:s29+s3], $0x80, v2, vm0, $0xb8;
	[tilespmem:$0x18100] =	vst v63  }
0xdd: {  	s25 =	simm.s32 $0x8900  }
0xde: {  	[tilespmem:s25], [sflag:$0x2] =	stream.indirect_vreg.gather [hbm4b:s5+s3], $0x80, v2, vm0, $0xb8;
	[tilespmem:$0x18100] =	vst v63  }
0xdf: {  	s28 =	simm.s32 $0x9100  }
0xe0: {  	[tilespmem:s28], [sflag:$0x2] =	stream.indirect_vreg.gather [hbm4b:s6+s3], $0x80, v2, vm0, $0xb8;
	[tilespmem:$0x18100] =	vst v63  }
0xe1: {  	s25 =	simm.s32 $0x9900  }
0xe2: {  	[tilespmem:s25], [sflag:$0x2] =	stream.indirect_vreg.gather [hbm4b:s7+s3], $0x80, v2, vm0, $0xb8;
	[tilespmem:$0x18100] =	vst v63  }
0xe3: {  	s28 =	simm.s32 $0xA100  }
0xe4: {  	[tilespmem:s28], [sflag:$0x2] =	stream.indirect_vreg.gather [hbm4b:s8+s3], $0x80, v2, vm0, $0xb8;
	[tilespmem:$0x18100] =	vst v63  }
0xe5: {  	s25 =	simm.s32 $0xA900  }
0xe6: {  	[tilespmem:s25], [sflag:$0x2] =	stream.indirect_vreg.gather [hbm4b:s9+s3], $0x80, v2, vm0, $0xb8;
	[tilespmem:$0x18100] =	vst v63  }
0xe7: {  	s28 =	simm.s32 $0xB100  }
0xe8: {  	[tilespmem:s28], [sflag:$0x2] =	stream.indirect_vreg.gather [hbm4b:s10+s3], $0x80, v2, vm0, $0xb8;
	[tilespmem:$0x18100] =	vst v63  }
0xe9: {  	s25 =	simm.s32 $0xB900  }
0xea: {  	[tilespmem:s25], [sflag:$0x2] =	stream.indirect_vreg.gather [hbm4b:s11+s3], $0x80, v2, vm0, $0xb8;
	[tilespmem:$0x18100] =	vst v63  }
0xeb: {  	s28 =	simm.s32 $0xC100  }
0xec: {  	[tilespmem:s28], [sflag:$0x2] =	stream.indirect_vreg.gather [hbm4b:s12+s3], $0x80, v2, vm0, $0xb8;
	[tilespmem:$0x18100] =	vst v63  }
0xed: {  	s25 =	simm.s32 $0xC900  }
0xee: {  	[tilespmem:s25], [sflag:$0x2] =	stream.indirect_vreg.gather [hbm4b:s13+s3], $0x80, v2, vm0, $0xb8;
	[tilespmem:$0x18100] =	vst v63  }
0xef: {  	s28 =	simm.s32 $0xD100  }
0xf0: {  	[tilespmem:s28], [sflag:$0x2] =	stream.indirect_vreg.gather [hbm4b:s14+s3], $0x80, v2, vm0, $0xb8;
	[tilespmem:$0x18100] =	vst v63  }
0xf1: {  	s25 =	simm.s32 $0xD900  }
0xf2: {  	[tilespmem:s25], [sflag:$0x2] =	stream.indirect_vreg.gather [hbm4b:s15+s3], $0x80, v2, vm0, $0xb8;
	[tilespmem:$0x18100] =	vst v63  }
0xf3: {  	s28 =	simm.s32 $0xE100  }
0xf4: {  	[tilespmem:s28], [sflag:$0x2] =	stream.indirect_vreg.gather [hbm4b:s16+s3], $0x80, v2, vm0, $0xb8;
	[tilespmem:$0x18100] =	vst v63  }
0xf5: {  	s25 =	simm.s32 $0xE900  }
0xf6: {  	[tilespmem:s25], [sflag:$0x2] =	stream.indirect_vreg.gather [hbm4b:s17+s3], $0x80, v2, vm0, $0xb8;
	[tilespmem:$0x18100] =	vst v63  }
0xf7: {  	s28 =	simm.s32 $0xF100  }
0xf8: {  	[tilespmem:s28], [sflag:$0x2] =	stream.indirect_vreg.gather [hbm4b:s18+s3], $0x80, v2, vm0, $0xb8;
	[tilespmem:$0x18100] =	vst v63  }
0xf9: {  	s25 =	simm.s32 $0xF900  }
0xfa: {  	[tilespmem:s25], [sflag:$0x2] =	stream.indirect_vreg.gather [hbm4b:s19+s3], $0x80, v2, vm0, $0xb8;
	[tilespmem:$0x18100] =	vst v63  }
0xfb: {  	s25 =	simm.s32 $0x3  }
0xfc: {  	_ =	swait.ge [sflag:s25], $0x8000  }
0xfd: {  	[sflag:s25] =	ssyncset.done $0x0  }
0xfe: {  	s20 =	simm.s32 $0x10100;
	s28 =	rddreg [dreg:$0x6];
	[sflag:s25] =	ssyncadd.s32 $0xFFFF8000  }
0xff: {  	[hbm4b:s28+s3] =	stream.linear.scatter [tilespmem:s20], [sflag:$0x6], $0x8000, $0x38;
	[tilespmem:$0x18100] =	vst v63  }
0x100: {  	_ =	swait.ge [sflag:s24], $0x8000  }
0x101: {  	[sflag:s24] =	ssyncset.done $0x0  }
0x102: {  	[sflag:s24] =	ssyncadd.s32 $0xFFFF8000  }
0x103: {  	v2 =	vld.msk [tilespmem:$0x28], $0xff;
	_ =	sdelay $0x4  }
0x104: {  	v3 =	vshll.u32 v2, $0x5  }
0x105: {  	v2 =	vand.u32 $0x7, v2;
	v3 =	vand.u32 $0xFFFFFF00, v3  }
0x106: {  	v2 =	vor.u32 v2, v3  }
0x107: {  	v2 =	vperm.xlane v2, v0;
	_ =	sdelay $0x1  }
0x108: {  	v2 =	vadd.s32 v1, v2;
	_ =	sdelay $0x4  }
0x109: {  	[tilespmem:s20], [sflag:$0x3] =	stream.indirect_vreg.gather [hbm4b:s29+s3], $0x80, v2, vm0, $0xb8;
	[tilespmem:$0x18100] =	vst v63  }
0x10a: {  	s28 =	simm.s32 $0x10900  }
0x10b: {  	[tilespmem:s28], [sflag:$0x3] =	stream.indirect_vreg.gather [hbm4b:s5+s3], $0x80, v2, vm0, $0xb8;
	[tilespmem:$0x18100] =	vst v63  }
0x10c: {  	s28 =	simm.s32 $0x11100  }
0x10d: {  	[tilespmem:s28], [sflag:$0x3] =	stream.indirect_vreg.gather [hbm4b:s6+s3], $0x80, v2, vm0, $0xb8;
	[tilespmem:$0x18100] =	vst v63  }
0x10e: {  	s28 =	simm.s32 $0x11900  }
0x10f: {  	[tilespmem:s28], [sflag:$0x3] =	stream.indirect_vreg.gather [hbm4b:s7+s3], $0x80, v2, vm0, $0xb8;
	[tilespmem:$0x18100] =	vst v63  }
0x110: {  	s28 =	simm.s32 $0x12100  }
0x111: {  	[tilespmem:s28], [sflag:$0x3] =	stream.indirect_vreg.gather [hbm4b:s8+s3], $0x80, v2, vm0, $0xb8;
	[tilespmem:$0x18100] =	vst v63  }
0x112: {  	s28 =	simm.s32 $0x12900  }
0x113: {  	[tilespmem:s28], [sflag:$0x3] =	stream.indirect_vreg.gather [hbm4b:s9+s3], $0x80, v2, vm0, $0xb8;
	[tilespmem:$0x18100] =	vst v63  }
0x114: {  	s28 =	simm.s32 $0x13100  }
0x115: {  	[tilespmem:s28], [sflag:$0x3] =	stream.indirect_vreg.gather [hbm4b:s10+s3], $0x80, v2, vm0, $0xb8;
	[tilespmem:$0x18100] =	vst v63  }
0x116: {  	s28 =	simm.s32 $0x13900  }
0x117: {  	[tilespmem:s28], [sflag:$0x3] =	stream.indirect_vreg.gather [hbm4b:s11+s3], $0x80, v2, vm0, $0xb8;
	[tilespmem:$0x18100] =	vst v63  }
0x118: {  	s28 =	simm.s32 $0x14100  }
0x119: {  	[tilespmem:s28], [sflag:$0x3] =	stream.indirect_vreg.gather [hbm4b:s12+s3], $0x80, v2, vm0, $0xb8;
	[tilespmem:$0x18100] =	vst v63  }
0x11a: {  	s28 =	simm.s32 $0x14900  }
0x11b: {  	[tilespmem:s28], [sflag:$0x3] =	stream.indirect_vreg.gather [hbm4b:s13+s3], $0x80, v2, vm0, $0xb8;
	[tilespmem:$0x18100] =	vst v63  }
0x11c: {  	s28 =	simm.s32 $0x15100  }
0x11d: {  	[tilespmem:s28], [sflag:$0x3] =	stream.indirect_vreg.gather [hbm4b:s14+s3], $0x80, v2, vm0, $0xb8;
	[tilespmem:$0x18100] =	vst v63  }
0x11e: {  	s28 =	simm.s32 $0x15900  }
0x11f: {  	[tilespmem:s28], [sflag:$0x3] =	stream.indirect_vreg.gather [hbm4b:s15+s3], $0x80, v2, vm0, $0xb8;
	[tilespmem:$0x18100] =	vst v63  }
0x120: {  	s28 =	simm.s32 $0x16100  }
0x121: {  	[tilespmem:s28], [sflag:$0x3] =	stream.indirect_vreg.gather [hbm4b:s16+s3], $0x80, v2, vm0, $0xb8;
	[tilespmem:$0x18100] =	vst v63  }
0x122: {  	s28 =	simm.s32 $0x16900  }
0x123: {  	[tilespmem:s28], [sflag:$0x3] =	stream.indirect_vreg.gather [hbm4b:s17+s3], $0x80, v2, vm0, $0xb8;
	[tilespmem:$0x18100] =	vst v63  }
0x124: {  	s28 =	simm.s32 $0x17100  }
0x125: {  	[tilespmem:s28], [sflag:$0x3] =	stream.indirect_vreg.gather [hbm4b:s18+s3], $0x80, v2, vm0, $0xb8;
	[tilespmem:$0x18100] =	vst v63  }
0x126: {  	s28 =	simm.s32 $0x17900  }
0x127: {  	[tilespmem:s28], [sflag:$0x3] =	stream.indirect_vreg.gather [hbm4b:s19+s3], $0x80, v2, vm0, $0xb8;
	[tilespmem:$0x18100] =	vst v63  }
0x128: {  	_ =	swait.ge [sflag:s21], $0x8000  }
0x129: {  	[sflag:s21] =	ssyncset.done $0x0  }
0x12a: {  	s20 =	simm.s32 $0x100;
	s28 =	rddreg [dreg:$0x7];
	[sflag:s21] =	ssyncadd.s32 $0xFFFF8000  }
0x12b: {  	[hbm4b:s28+s3] =	stream.linear.scatter [tilespmem:s20], [sflag:$0x4], $0x8000, $0x38;
	[tilespmem:$0x18100] =	vst v63  }
0x12c: {  	_ =	swait.ge [sflag:s4], $0x8000  }
0x12d: {  	[sflag:s4] =	ssyncset.done $0x0  }
0x12e: {  	[sflag:s4] =	ssyncadd.s32 $0xFFFF8000  }
0x12f: {  	v2 =	vld.msk [tilespmem:$0x30], $0xff;
	_ =	sdelay $0x4  }
0x130: {  	v3 =	vshll.u32 v2, $0x5  }
0x131: {  	v2 =	vand.u32 $0x7, v2;
	v3 =	vand.u32 $0xFFFFFF00, v3  }
0x132: {  	v2 =	vor.u32 v2, v3  }
0x133: {  	v2 =	vperm.xlane v2, v0;
	_ =	sdelay $0x1  }
0x134: {  	v2 =	vadd.s32 v1, v2;
	_ =	sdelay $0x4  }
0x135: {  	[tilespmem:s20], [sflag:$0x1] =	stream.indirect_vreg.gather [hbm4b:s29+s3], $0x80, v2, vm0, $0xb8;
	[tilespmem:$0x18100] =	vst v63  }
0x136: {  	_ = 	snop  }
0x137: {  	[tilespmem:s22], [sflag:$0x1] =	stream.indirect_vreg.gather [hbm4b:s5+s3], $0x80, v2, vm0, $0xb8;
	[tilespmem:$0x18100] =	vst v63  }
0x138: {  	_ = 	snop  }
0x139: {  	[tilespmem:s30], [sflag:$0x1] =	stream.indirect_vreg.gather [hbm4b:s6+s3], $0x80, v2, vm0, $0xb8;
	[tilespmem:$0x18100] =	vst v63  }
0x13a: {  	_ = 	snop  }
0x13b: {  	[tilespmem:s26], [sflag:$0x1] =	stream.indirect_vreg.gather [hbm4b:s7+s3], $0x80, v2, vm0, $0xb8;
	[tilespmem:$0x18100] =	vst v63  }
0x13c: {  	_ = 	snop  }
0x13d: {  	[tilespmem:s31], [sflag:$0x1] =	stream.indirect_vreg.gather [hbm4b:s8+s3], $0x80, v2, vm0, $0xb8;
	[tilespmem:$0x18100] =	vst v63  }
0x13e: {  	s31 =	simm.s32 $0x2900  }
0x13f: {  	[tilespmem:s31], [sflag:$0x1] =	stream.indirect_vreg.gather [hbm4b:s9+s3], $0x80, v2, vm0, $0xb8;
	[tilespmem:$0x18100] =	vst v63  }
0x140: {  	s20 =	simm.s32 $0x3100  }
0x141: {  	[tilespmem:s20], [sflag:$0x1] =	stream.indirect_vreg.gather [hbm4b:s10+s3], $0x80, v2, vm0, $0xb8;
	[tilespmem:$0x18100] =	vst v63  }
0x142: {  	_ = 	snop  }
0x143: {  	[tilespmem:s2], [sflag:$0x1] =	stream.indirect_vreg.gather [hbm4b:s11+s3], $0x80, v2, vm0, $0xb8;
	[tilespmem:$0x18100] =	vst v63  }
0x144: {  	_ = 	snop  }
0x145: {  	[tilespmem:s1], [sflag:$0x1] =	stream.indirect_vreg.gather [hbm4b:s12+s3], $0x80, v2, vm0, $0xb8;
	[tilespmem:$0x18100] =	vst v63  }
0x146: {  	s28 =	simm.s32 $0x4900  }
0x147: {  	[tilespmem:s28], [sflag:$0x1] =	stream.indirect_vreg.gather [hbm4b:s13+s3], $0x80, v2, vm0, $0xb8;
	[tilespmem:$0x18100] =	vst v63  }
0x148: {  	s30 =	simm.s32 $0x5100  }
0x149: {  	[tilespmem:s30], [sflag:$0x1] =	stream.indirect_vreg.gather [hbm4b:s14+s3], $0x80, v2, vm0, $0xb8;
	[tilespmem:$0x18100] =	vst v63  }
0x14a: {  	s2 =	simm.s32 $0x5900  }
0x14b: {  	[tilespmem:s2], [sflag:$0x1] =	stream.indirect_vreg.gather [hbm4b:s15+s3], $0x80, v2, vm0, $0xb8;
	[tilespmem:$0x18100] =	vst v63  }
0x14c: {  	s22 =	simm.s32 $0x6100  }
0x14d: {  	[tilespmem:s22], [sflag:$0x1] =	stream.indirect_vreg.gather [hbm4b:s16+s3], $0x80, v2, vm0, $0xb8;
	[tilespmem:$0x18100] =	vst v63  }
0x14e: {  	s26 =	simm.s32 $0x6900  }
0x14f: {  	[tilespmem:s26], [sflag:$0x1] =	stream.indirect_vreg.gather [hbm4b:s17+s3], $0x80, v2, vm0, $0xb8;
	[tilespmem:$0x18100] =	vst v63  }
0x150: {  	s28 =	simm.s32 $0x7100  }
0x151: {  	[tilespmem:s28], [sflag:$0x1] =	stream.indirect_vreg.gather [hbm4b:s18+s3], $0x80, v2, vm0, $0xb8;
	[tilespmem:$0x18100] =	vst v63  }
0x152: {  	s30 =	simm.s32 $0x7900  }
0x153: {  	[tilespmem:s30], [sflag:$0x1] =	stream.indirect_vreg.gather [hbm4b:s19+s3], $0x80, v2, vm0, $0xb8;
	[tilespmem:$0x18100] =	vst v63  }
0x154: {  	_ =	swait.ge [sflag:s23], $0x8000  }
0x155: {  	[sflag:s23] =	ssyncset.done $0x0  }
0x156: {  	s22 =	simm.s32 $0x8100;
	s2 =	rddreg [dreg:$0x8];
	[sflag:s23] =	ssyncadd.s32 $0xFFFF8000  }
0x157: {  	[hbm4b:s2+s3] =	stream.linear.scatter [tilespmem:s22], [sflag:$0x5], $0x8000, $0x38;
	[tilespmem:$0x18100] =	vst v63  }
0x158: {  	_ =	swait.ge [sflag:s0], $0x8000  }
0x159: {  	[sflag:s0] =	ssyncset.done $0x0  }
0x15a: {  	[sflag:s0] =	ssyncadd.s32 $0xFFFF8000  }
0x15b: {  	v2 =	vld.msk [tilespmem:$0x38], $0xff;
	_ =	sdelay $0x4  }
0x15c: {  	v3 =	vshll.u32 v2, $0x5  }
0x15d: {  	v2 =	vand.u32 $0x7, v2;
	v3 =	vand.u32 $0xFFFFFF00, v3  }
0x15e: {  	v2 =	vor.u32 v2, v3  }
0x15f: {  	v2 =	vperm.xlane v2, v0;
	_ =	sdelay $0x1  }
0x160: {  	v2 =	vadd.s32 v1, v2;
	_ =	sdelay $0x4  }
0x161: {  	[tilespmem:s22], [sflag:$0x2] =	stream.indirect_vreg.gather [hbm4b:s29+s3], $0x80, v2, vm0, $0xb8;
	[tilespmem:$0x18100] =	vst v63  }
0x162: {  	s22 =	simm.s32 $0x8900  }
0x163: {  	[tilespmem:s22], [sflag:$0x2] =	stream.indirect_vreg.gather [hbm4b:s5+s3], $0x80, v2, vm0, $0xb8;
	[tilespmem:$0x18100] =	vst v63  }
0x164: {  	s26 =	simm.s32 $0x9100  }
0x165: {  	[tilespmem:s26], [sflag:$0x2] =	stream.indirect_vreg.gather [hbm4b:s6+s3], $0x80, v2, vm0, $0xb8;
	[tilespmem:$0x18100] =	vst v63  }
0x166: {  	s26 =	simm.s32 $0x9900  }
0x167: {  	[tilespmem:s26], [sflag:$0x2] =	stream.indirect_vreg.gather [hbm4b:s7+s3], $0x80, v2, vm0, $0xb8;
	[tilespmem:$0x18100] =	vst v63  }
0x168: {  	s30 =	simm.s32 $0xA100  }
0x169: {  	[tilespmem:s30], [sflag:$0x2] =	stream.indirect_vreg.gather [hbm4b:s8+s3], $0x80, v2, vm0, $0xb8;
	[tilespmem:$0x18100] =	vst v63  }
0x16a: {  	s2 =	simm.s32 $0xA900  }
0x16b: {  	[tilespmem:s2], [sflag:$0x2] =	stream.indirect_vreg.gather [hbm4b:s9+s3], $0x80, v2, vm0, $0xb8;
	[tilespmem:$0x18100] =	vst v63  }
0x16c: {  	s28 =	simm.s32 $0xB100  }
0x16d: {  	[tilespmem:s28], [sflag:$0x2] =	stream.indirect_vreg.gather [hbm4b:s10+s3], $0x80, v2, vm0, $0xb8;
	[tilespmem:$0x18100] =	vst v63  }
0x16e: {  	s28 =	simm.s32 $0xB900  }
0x16f: {  	[tilespmem:s28], [sflag:$0x2] =	stream.indirect_vreg.gather [hbm4b:s11+s3], $0x80, v2, vm0, $0xb8;
	[tilespmem:$0x18100] =	vst v63  }
0x170: {  	s28 =	simm.s32 $0xC100  }
0x171: {  	[tilespmem:s28], [sflag:$0x2] =	stream.indirect_vreg.gather [hbm4b:s12+s3], $0x80, v2, vm0, $0xb8;
	[tilespmem:$0x18100] =	vst v63  }
0x172: {  	s28 =	simm.s32 $0xC900  }
0x173: {  	[tilespmem:s28], [sflag:$0x2] =	stream.indirect_vreg.gather [hbm4b:s13+s3], $0x80, v2, vm0, $0xb8;
	[tilespmem:$0x18100] =	vst v63  }
0x174: {  	s28 =	simm.s32 $0xD100  }
0x175: {  	[tilespmem:s28], [sflag:$0x2] =	stream.indirect_vreg.gather [hbm4b:s14+s3], $0x80, v2, vm0, $0xb8;
	[tilespmem:$0x18100] =	vst v63  }
0x176: {  	s28 =	simm.s32 $0xD900  }
0x177: {  	[tilespmem:s28], [sflag:$0x2] =	stream.indirect_vreg.gather [hbm4b:s15+s3], $0x80, v2, vm0, $0xb8;
	[tilespmem:$0x18100] =	vst v63  }
0x178: {  	s28 =	simm.s32 $0xE100  }
0x179: {  	[tilespmem:s28], [sflag:$0x2] =	stream.indirect_vreg.gather [hbm4b:s16+s3], $0x80, v2, vm0, $0xb8;
	[tilespmem:$0x18100] =	vst v63  }
0x17a: {  	s28 =	simm.s32 $0xE900  }
0x17b: {  	[tilespmem:s28], [sflag:$0x2] =	stream.indirect_vreg.gather [hbm4b:s17+s3], $0x80, v2, vm0, $0xb8;
	[tilespmem:$0x18100] =	vst v63  }
0x17c: {  	s28 =	simm.s32 $0xF100  }
0x17d: {  	[tilespmem:s28], [sflag:$0x2] =	stream.indirect_vreg.gather [hbm4b:s18+s3], $0x80, v2, vm0, $0xb8;
	[tilespmem:$0x18100] =	vst v63  }
0x17e: {  	s28 =	simm.s32 $0xF900  }
0x17f: {  	[tilespmem:s28], [sflag:$0x2] =	stream.indirect_vreg.gather [hbm4b:s19+s3], $0x80, v2, vm0, $0xb8;
	[tilespmem:$0x18100] =	vst v63  }
0x180: {  	_ =	swait.ge [sflag:s25], $0x8000  }
0x181: {  	[sflag:s25] =	ssyncset.done $0x0  }
0x182: {  	s1 =	simm.s32 $0x10100;
	s28 =	rddreg [dreg:$0x9];
	[sflag:s25] =	ssyncadd.s32 $0xFFFF8000  }
0x183: {  	[hbm4b:s28+s3] =	stream.linear.scatter [tilespmem:s1], [sflag:$0x6], $0x8000, $0x38;
	[tilespmem:$0x18100] =	vst v63  }
0x184: {  	_ =	swait.ge [sflag:s24], $0x8000  }
0x185: {  	[sflag:s24] =	ssyncset.done $0x0  }
0x186: {  	[sflag:s24] =	ssyncadd.s32 $0xFFFF8000  }
0x187: {  	v2 =	vld.msk [tilespmem:$0x40], $0xff;
	_ =	sdelay $0x4  }
0x188: {  	v3 =	vshll.u32 v2, $0x5  }
0x189: {  	v2 =	vand.u32 $0x7, v2;
	v3 =	vand.u32 $0xFFFFFF00, v3  }
0x18a: {  	v2 =	vor.u32 v2, v3  }
0x18b: {  	v2 =	vperm.xlane v2, v0;
	_ =	sdelay $0x1  }
0x18c: {  	v2 =	vadd.s32 v1, v2;
	_ =	sdelay $0x4  }
0x18d: {  	[tilespmem:s1], [sflag:$0x3] =	stream.indirect_vreg.gather [hbm4b:s29+s3], $0x80, v2, vm0, $0xb8;
	[tilespmem:$0x18100] =	vst v63  }
0x18e: {  	s28 =	simm.s32 $0x10900  }
0x18f: {  	[tilespmem:s28], [sflag:$0x3] =	stream.indirect_vreg.gather [hbm4b:s5+s3], $0x80, v2, vm0, $0xb8;
	[tilespmem:$0x18100] =	vst v63  }
0x190: {  	s28 =	simm.s32 $0x11100  }
0x191: {  	[tilespmem:s28], [sflag:$0x3] =	stream.indirect_vreg.gather [hbm4b:s6+s3], $0x80, v2, vm0, $0xb8;
	[tilespmem:$0x18100] =	vst v63  }
0x192: {  	s28 =	simm.s32 $0x11900  }
0x193: {  	[tilespmem:s28], [sflag:$0x3] =	stream.indirect_vreg.gather [hbm4b:s7+s3], $0x80, v2, vm0, $0xb8;
	[tilespmem:$0x18100] =	vst v63  }
0x194: {  	s28 =	simm.s32 $0x12100  }
0x195: {  	[tilespmem:s28], [sflag:$0x3] =	stream.indirect_vreg.gather [hbm4b:s8+s3], $0x80, v2, vm0, $0xb8;
	[tilespmem:$0x18100] =	vst v63  }
0x196: {  	s28 =	simm.s32 $0x12900  }
0x197: {  	[tilespmem:s28], [sflag:$0x3] =	stream.indirect_vreg.gather [hbm4b:s9+s3], $0x80, v2, vm0, $0xb8;
	[tilespmem:$0x18100] =	vst v63  }
0x198: {  	s28 =	simm.s32 $0x13100  }
0x199: {  	[tilespmem:s28], [sflag:$0x3] =	stream.indirect_vreg.gather [hbm4b:s10+s3], $0x80, v2, vm0, $0xb8;
	[tilespmem:$0x18100] =	vst v63  }
0x19a: {  	s28 =	simm.s32 $0x13900  }
0x19b: {  	[tilespmem:s28], [sflag:$0x3] =	stream.indirect_vreg.gather [hbm4b:s11+s3], $0x80, v2, vm0, $0xb8;
	[tilespmem:$0x18100] =	vst v63  }
0x19c: {  	s28 =	simm.s32 $0x14100  }
0x19d: {  	[tilespmem:s28], [sflag:$0x3] =	stream.indirect_vreg.gather [hbm4b:s12+s3], $0x80, v2, vm0, $0xb8;
	[tilespmem:$0x18100] =	vst v63  }
0x19e: {  	s28 =	simm.s32 $0x14900  }
0x19f: {  	[tilespmem:s28], [sflag:$0x3] =	stream.indirect_vreg.gather [hbm4b:s13+s3], $0x80, v2, vm0, $0xb8;
	[tilespmem:$0x18100] =	vst v63  }
0x1a0: {  	s28 =	simm.s32 $0x15100  }
0x1a1: {  	[tilespmem:s28], [sflag:$0x3] =	stream.indirect_vreg.gather [hbm4b:s14+s3], $0x80, v2, vm0, $0xb8;
	[tilespmem:$0x18100] =	vst v63  }
0x1a2: {  	s28 =	simm.s32 $0x15900  }
0x1a3: {  	[tilespmem:s28], [sflag:$0x3] =	stream.indirect_vreg.gather [hbm4b:s15+s3], $0x80, v2, vm0, $0xb8;
	[tilespmem:$0x18100] =	vst v63  }
0x1a4: {  	s28 =	simm.s32 $0x16100  }
0x1a5: {  	[tilespmem:s28], [sflag:$0x3] =	stream.indirect_vreg.gather [hbm4b:s16+s3], $0x80, v2, vm0, $0xb8;
	[tilespmem:$0x18100] =	vst v63  }
0x1a6: {  	s28 =	simm.s32 $0x16900  }
0x1a7: {  	[tilespmem:s28], [sflag:$0x3] =	stream.indirect_vreg.gather [hbm4b:s17+s3], $0x80, v2, vm0, $0xb8;
	[tilespmem:$0x18100] =	vst v63  }
0x1a8: {  	s28 =	simm.s32 $0x17100  }
0x1a9: {  	[tilespmem:s28], [sflag:$0x3] =	stream.indirect_vreg.gather [hbm4b:s18+s3], $0x80, v2, vm0, $0xb8;
	[tilespmem:$0x18100] =	vst v63  }
0x1aa: {  	s28 =	simm.s32 $0x17900  }
0x1ab: {  	[tilespmem:s28], [sflag:$0x3] =	stream.indirect_vreg.gather [hbm4b:s19+s3], $0x80, v2, vm0, $0xb8;
	[tilespmem:$0x18100] =	vst v63  }
0x1ac: {  	_ =	swait.ge [sflag:s21], $0x8000  }
0x1ad: {  	[sflag:s21] =	ssyncset.done $0x0  }
0x1ae: {  	s1 =	simm.s32 $0x100;
	s28 =	rddreg [dreg:$0xa];
	[sflag:s21] =	ssyncadd.s32 $0xFFFF8000  }
0x1af: {  	[hbm4b:s28+s3] =	stream.linear.scatter [tilespmem:s1], [sflag:$0x4], $0x8000, $0x38;
	[tilespmem:$0x18100] =	vst v63  }
0x1b0: {  	_ =	swait.ge [sflag:s4], $0x8000  }
0x1b1: {  	[sflag:s4] =	ssyncset.done $0x0  }
0x1b2: {  	[sflag:s4] =	ssyncadd.s32 $0xFFFF8000  }
0x1b3: {  	v2 =	vld.msk [tilespmem:$0x48], $0xff;
	_ =	sdelay $0x4  }
0x1b4: {  	v3 =	vshll.u32 v2, $0x5  }
0x1b5: {  	v2 =	vand.u32 $0x7, v2;
	v3 =	vand.u32 $0xFFFFFF00, v3  }
0x1b6: {  	v2 =	vor.u32 v2, v3  }
0x1b7: {  	v2 =	vperm.xlane v2, v0;
	_ =	sdelay $0x1  }
0x1b8: {  	v2 =	vadd.s32 v1, v2;
	_ =	sdelay $0x4  }
0x1b9: {  	[tilespmem:s1], [sflag:$0x1] =	stream.indirect_vreg.gather [hbm4b:s29+s3], $0x80, v2, vm0, $0xb8;
	[tilespmem:$0x18100] =	vst v63  }
0x1ba: {  	s28 =	simm.s32 $0x900  }
0x1bb: {  	[tilespmem:s28], [sflag:$0x1] =	stream.indirect_vreg.gather [hbm4b:s5+s3], $0x80, v2, vm0, $0xb8;
	[tilespmem:$0x18100] =	vst v63  }
0x1bc: {  	s28 =	simm.s32 $0x1100  }
0x1bd: {  	[tilespmem:s28], [sflag:$0x1] =	stream.indirect_vreg.gather [hbm4b:s6+s3], $0x80, v2, vm0, $0xb8;
	[tilespmem:$0x18100] =	vst v63  }
0x1be: {  	s28 =	simm.s32 $0x1900  }
0x1bf: {  	[tilespmem:s28], [sflag:$0x1] =	stream.indirect_vreg.gather [hbm4b:s7+s3], $0x80, v2, vm0, $0xb8;
	[tilespmem:$0x18100] =	vst v63  }
0x1c0: {  	s28 =	simm.s32 $0x2100  }
0x1c1: {  	[tilespmem:s28], [sflag:$0x1] =	stream.indirect_vreg.gather [hbm4b:s8+s3], $0x80, v2, vm0, $0xb8;
	[tilespmem:$0x18100] =	vst v63  }
0x1c2: {  	_ = 	snop  }
0x1c3: {  	[tilespmem:s31], [sflag:$0x1] =	stream.indirect_vreg.gather [hbm4b:s9+s3], $0x80, v2, vm0, $0xb8;
	[tilespmem:$0x18100] =	vst v63  }
0x1c4: {  	_ = 	snop  }
0x1c5: {  	[tilespmem:s20], [sflag:$0x1] =	stream.indirect_vreg.gather [hbm4b:s10+s3], $0x80, v2, vm0, $0xb8;
	[tilespmem:$0x18100] =	vst v63  }
0x1c6: {  	s20 =	simm.s32 $0x3900  }
0x1c7: {  	[tilespmem:s20], [sflag:$0x1] =	stream.indirect_vreg.gather [hbm4b:s11+s3], $0x80, v2, vm0, $0xb8;
	[tilespmem:$0x18100] =	vst v63  }
0x1c8: {  	s28 =	simm.s32 $0x4100  }
0x1c9: {  	[tilespmem:s28], [sflag:$0x1] =	stream.indirect_vreg.gather [hbm4b:s12+s3], $0x80, v2, vm0, $0xb8;
	[tilespmem:$0x18100] =	vst v63  }
0x1ca: {  	s31 =	simm.s32 $0x4900  }
0x1cb: {  	[tilespmem:s31], [sflag:$0x1] =	stream.indirect_vreg.gather [hbm4b:s13+s3], $0x80, v2, vm0, $0xb8;
	[tilespmem:$0x18100] =	vst v63  }
0x1cc: {  	s20 =	simm.s32 $0x5100  }
0x1cd: {  	[tilespmem:s20], [sflag:$0x1] =	stream.indirect_vreg.gather [hbm4b:s14+s3], $0x80, v2, vm0, $0xb8;
	[tilespmem:$0x18100] =	vst v63  }
0x1ce: {  	s28 =	simm.s32 $0x5900  }
0x1cf: {  	[tilespmem:s28], [sflag:$0x1] =	stream.indirect_vreg.gather [hbm4b:s15+s3], $0x80, v2, vm0, $0xb8;
	[tilespmem:$0x18100] =	vst v63  }
0x1d0: {  	s31 =	simm.s32 $0x6100  }
0x1d1: {  	[tilespmem:s31], [sflag:$0x1] =	stream.indirect_vreg.gather [hbm4b:s16+s3], $0x80, v2, vm0, $0xb8;
	[tilespmem:$0x18100] =	vst v63  }
0x1d2: {  	s20 =	simm.s32 $0x6900  }
0x1d3: {  	[tilespmem:s20], [sflag:$0x1] =	stream.indirect_vreg.gather [hbm4b:s17+s3], $0x80, v2, vm0, $0xb8;
	[tilespmem:$0x18100] =	vst v63  }
0x1d4: {  	s28 =	simm.s32 $0x7100  }
0x1d5: {  	[tilespmem:s28], [sflag:$0x1] =	stream.indirect_vreg.gather [hbm4b:s18+s3], $0x80, v2, vm0, $0xb8;
	[tilespmem:$0x18100] =	vst v63  }
0x1d6: {  	s31 =	simm.s32 $0x7900  }
0x1d7: {  	[tilespmem:s31], [sflag:$0x1] =	stream.indirect_vreg.gather [hbm4b:s19+s3], $0x80, v2, vm0, $0xb8;
	[tilespmem:$0x18100] =	vst v63  }
0x1d8: {  	_ =	swait.ge [sflag:s23], $0x8000  }
0x1d9: {  	[sflag:s23] =	ssyncset.done $0x0  }
0x1da: {  	s31 =	simm.s32 $0x8100;
	s20 =	rddreg [dreg:$0xb];
	[sflag:s23] =	ssyncadd.s32 $0xFFFF8000  }
0x1db: {  	[hbm4b:s20+s3] =	stream.linear.scatter [tilespmem:s31], [sflag:$0x5], $0x8000, $0x38;
	[tilespmem:$0x18100] =	vst v63  }
0x1dc: {  	_ =	swait.ge [sflag:s0], $0x8000  }
0x1dd: {  	[sflag:s0] =	ssyncset.done $0x0  }
0x1de: {  	[sflag:s0] =	ssyncadd.s32 $0xFFFF8000  }
0x1df: {  	v2 =	vld.msk [tilespmem:$0x50], $0xff;
	_ =	sdelay $0x4  }
0x1e0: {  	v3 =	vshll.u32 v2, $0x5  }
0x1e1: {  	v2 =	vand.u32 $0x7, v2;
	v3 =	vand.u32 $0xFFFFFF00, v3  }
0x1e2: {  	v2 =	vor.u32 v2, v3  }
0x1e3: {  	v2 =	vperm.xlane v2, v0;
	_ =	sdelay $0x1  }
0x1e4: {  	v2 =	vadd.s32 v1, v2;
	_ =	sdelay $0x4  }
0x1e5: {  	[tilespmem:s31], [sflag:$0x2] =	stream.indirect_vreg.gather [hbm4b:s29+s3], $0x80, v2, vm0, $0xb8;
	[tilespmem:$0x18100] =	vst v63  }
0x1e6: {  	_ = 	snop  }
0x1e7: {  	[tilespmem:s22], [sflag:$0x2] =	stream.indirect_vreg.gather [hbm4b:s5+s3], $0x80, v2, vm0, $0xb8;
	[tilespmem:$0x18100] =	vst v63  }
0x1e8: {  	s20 =	simm.s32 $0x9100  }
0x1e9: {  	[tilespmem:s20], [sflag:$0x2] =	stream.indirect_vreg.gather [hbm4b:s6+s3], $0x80, v2, vm0, $0xb8;
	[tilespmem:$0x18100] =	vst v63  }
0x1ea: {  	_ = 	snop  }
0x1eb: {  	[tilespmem:s26], [sflag:$0x2] =	stream.indirect_vreg.gather [hbm4b:s7+s3], $0x80, v2, vm0, $0xb8;
	[tilespmem:$0x18100] =	vst v63  }
0x1ec: {  	_ = 	snop  }
0x1ed: {  	[tilespmem:s30], [sflag:$0x2] =	stream.indirect_vreg.gather [hbm4b:s8+s3], $0x80, v2, vm0, $0xb8;
	[tilespmem:$0x18100] =	vst v63  }
0x1ee: {  	_ = 	snop  }
0x1ef: {  	[tilespmem:s2], [sflag:$0x2] =	stream.indirect_vreg.gather [hbm4b:s9+s3], $0x80, v2, vm0, $0xb8;
	[tilespmem:$0x18100] =	vst v63  }
0x1f0: {  	s22 =	simm.s32 $0xB100  }
0x1f1: {  	[tilespmem:s22], [sflag:$0x2] =	stream.indirect_vreg.gather [hbm4b:s10+s3], $0x80, v2, vm0, $0xb8;
	[tilespmem:$0x18100] =	vst v63  }
0x1f2: {  	s26 =	simm.s32 $0xB900  }
0x1f3: {  	[tilespmem:s26], [sflag:$0x2] =	stream.indirect_vreg.gather [hbm4b:s11+s3], $0x80, v2, vm0, $0xb8;
	[tilespmem:$0x18100] =	vst v63  }
0x1f4: {  	s28 =	simm.s32 $0xC100  }
0x1f5: {  	[tilespmem:s28], [sflag:$0x2] =	stream.indirect_vreg.gather [hbm4b:s12+s3], $0x80, v2, vm0, $0xb8;
	[tilespmem:$0x18100] =	vst v63  }
0x1f6: {  	s30 =	simm.s32 $0xC900  }
0x1f7: {  	[tilespmem:s30], [sflag:$0x2] =	stream.indirect_vreg.gather [hbm4b:s13+s3], $0x80, v2, vm0, $0xb8;
	[tilespmem:$0x18100] =	vst v63  }
0x1f8: {  	s31 =	simm.s32 $0xD100  }
0x1f9: {  	[tilespmem:s31], [sflag:$0x2] =	stream.indirect_vreg.gather [hbm4b:s14+s3], $0x80, v2, vm0, $0xb8;
	[tilespmem:$0x18100] =	vst v63  }
0x1fa: {  	s2 =	simm.s32 $0xD900  }
0x1fb: {  	[tilespmem:s2], [sflag:$0x2] =	stream.indirect_vreg.gather [hbm4b:s15+s3], $0x80, v2, vm0, $0xb8;
	[tilespmem:$0x18100] =	vst v63  }
0x1fc: {  	s20 =	simm.s32 $0xE100  }
0x1fd: {  	[tilespmem:s20], [sflag:$0x2] =	stream.indirect_vreg.gather [hbm4b:s16+s3], $0x80, v2, vm0, $0xb8;
	[tilespmem:$0x18100] =	vst v63  }
0x1fe: {  	s22 =	simm.s32 $0xE900  }
0x1ff: {  	[tilespmem:s22], [sflag:$0x2] =	stream.indirect_vreg.gather [hbm4b:s17+s3], $0x80, v2, vm0, $0xb8;
	[tilespmem:$0x18100] =	vst v63  }
0x200: {  	s26 =	simm.s32 $0xF100  }
0x201: {  	[tilespmem:s26], [sflag:$0x2] =	stream.indirect_vreg.gather [hbm4b:s18+s3], $0x80, v2, vm0, $0xb8;
	[tilespmem:$0x18100] =	vst v63  }
0x202: {  	s28 =	simm.s32 $0xF900  }
0x203: {  	[tilespmem:s28], [sflag:$0x2] =	stream.indirect_vreg.gather [hbm4b:s19+s3], $0x80, v2, vm0, $0xb8;
	[tilespmem:$0x18100] =	vst v63  }
0x204: {  	_ =	swait.ge [sflag:s25], $0x8000  }
0x205: {  	[sflag:s25] =	ssyncset.done $0x0  }
0x206: {  	[sflag:s25] =	ssyncadd.s32 $0xFFFF8000  }
0x207: {  	s31 =	simm.s32 $0x10100;
	s30 =	rddreg [dreg:$0xc]  }
0x208: {  	[hbm4b:s30+s3] =	stream.linear.scatter [tilespmem:s31], [sflag:$0x6], $0x8000, $0x38;
	[tilespmem:$0x18100] =	vst v63  }
0x209: {  	_ =	swait.ge [sflag:s24], $0x8000  }
0x20a: {  	[sflag:s24] =	ssyncset.done $0x0  }
0x20b: {  	[sflag:s24] =	ssyncadd.s32 $0xFFFF8000  }
0x20c: {  	v2 =	vld.msk [tilespmem:$0x58], $0xff;
	_ =	sdelay $0x4  }
0x20d: {  	v3 =	vshll.u32 v2, $0x5  }
0x20e: {  	v2 =	vand.u32 $0x7, v2;
	v3 =	vand.u32 $0xFFFFFF00, v3  }
0x20f: {  	v2 =	vor.u32 v2, v3  }
0x210: {  	v2 =	vperm.xlane v2, v0;
	_ =	sdelay $0x1  }
0x211: {  	v2 =	vadd.s32 v1, v2;
	_ =	sdelay $0x4  }
0x212: {  	[tilespmem:s31], [sflag:$0x3] =	stream.indirect_vreg.gather [hbm4b:s29+s3], $0x80, v2, vm0, $0xb8;
	[tilespmem:$0x18100] =	vst v63  }
0x213: {  	s2 =	simm.s32 $0x10900  }
0x214: {  	[tilespmem:s2], [sflag:$0x3] =	stream.indirect_vreg.gather [hbm4b:s5+s3], $0x80, v2, vm0, $0xb8;
	[tilespmem:$0x18100] =	vst v63  }
0x215: {  	s20 =	simm.s32 $0x11100  }
0x216: {  	[tilespmem:s20], [sflag:$0x3] =	stream.indirect_vreg.gather [hbm4b:s6+s3], $0x80, v2, vm0, $0xb8;
	[tilespmem:$0x18100] =	vst v63  }
0x217: {  	s22 =	simm.s32 $0x11900  }
0x218: {  	[tilespmem:s22], [sflag:$0x3] =	stream.indirect_vreg.gather [hbm4b:s7+s3], $0x80, v2, vm0, $0xb8;
	[tilespmem:$0x18100] =	vst v63  }
0x219: {  	s26 =	simm.s32 $0x12100  }
0x21a: {  	[tilespmem:s26], [sflag:$0x3] =	stream.indirect_vreg.gather [hbm4b:s8+s3], $0x80, v2, vm0, $0xb8;
	[tilespmem:$0x18100] =	vst v63  }
0x21b: {  	s28 =	simm.s32 $0x12900  }
0x21c: {  	[tilespmem:s28], [sflag:$0x3] =	stream.indirect_vreg.gather [hbm4b:s9+s3], $0x80, v2, vm0, $0xb8;
	[tilespmem:$0x18100] =	vst v63  }
0x21d: {  	s30 =	simm.s32 $0x13100  }
0x21e: {  	[tilespmem:s30], [sflag:$0x3] =	stream.indirect_vreg.gather [hbm4b:s10+s3], $0x80, v2, vm0, $0xb8;
	[tilespmem:$0x18100] =	vst v63  }
0x21f: {  	s31 =	simm.s32 $0x13900  }
0x220: {  	[tilespmem:s31], [sflag:$0x3] =	stream.indirect_vreg.gather [hbm4b:s11+s3], $0x80, v2, vm0, $0xb8;
	[tilespmem:$0x18100] =	vst v63  }
0x221: {  	s2 =	simm.s32 $0x14100  }
0x222: {  	[tilespmem:s2], [sflag:$0x3] =	stream.indirect_vreg.gather [hbm4b:s12+s3], $0x80, v2, vm0, $0xb8;
	[tilespmem:$0x18100] =	vst v63  }
0x223: {  	s20 =	simm.s32 $0x14900  }
0x224: {  	[tilespmem:s20], [sflag:$0x3] =	stream.indirect_vreg.gather [hbm4b:s13+s3], $0x80, v2, vm0, $0xb8;
	[tilespmem:$0x18100] =	vst v63  }
0x225: {  	s22 =	simm.s32 $0x15100  }
0x226: {  	[tilespmem:s22], [sflag:$0x3] =	stream.indirect_vreg.gather [hbm4b:s14+s3], $0x80, v2, vm0, $0xb8;
	[tilespmem:$0x18100] =	vst v63  }
0x227: {  	s26 =	simm.s32 $0x15900  }
0x228: {  	[tilespmem:s26], [sflag:$0x3] =	stream.indirect_vreg.gather [hbm4b:s15+s3], $0x80, v2, vm0, $0xb8;
	[tilespmem:$0x18100] =	vst v63  }
0x229: {  	s28 =	simm.s32 $0x16100  }
0x22a: {  	[tilespmem:s28], [sflag:$0x3] =	stream.indirect_vreg.gather [hbm4b:s16+s3], $0x80, v2, vm0, $0xb8;
	[tilespmem:$0x18100] =	vst v63  }
0x22b: {  	s30 =	simm.s32 $0x16900  }
0x22c: {  	[tilespmem:s30], [sflag:$0x3] =	stream.indirect_vreg.gather [hbm4b:s17+s3], $0x80, v2, vm0, $0xb8;
	[tilespmem:$0x18100] =	vst v63  }
0x22d: {  	s31 =	simm.s32 $0x17100  }
0x22e: {  	[tilespmem:s31], [sflag:$0x3] =	stream.indirect_vreg.gather [hbm4b:s18+s3], $0x80, v2, vm0, $0xb8;
	[tilespmem:$0x18100] =	vst v63  }
0x22f: {  	s2 =	simm.s32 $0x17900  }
0x230: {  	[tilespmem:s2], [sflag:$0x3] =	stream.indirect_vreg.gather [hbm4b:s19+s3], $0x80, v2, vm0, $0xb8;
	[tilespmem:$0x18100] =	vst v63  }
0x231: {  	_ =	swait.ge [sflag:s21], $0x8000  }
0x232: {  	[sflag:s21] =	ssyncset.done $0x0  }
0x233: {  	s22 =	simm.s32 $0x100;
	s20 =	rddreg [dreg:$0xd];
	[sflag:s21] =	ssyncadd.s32 $0xFFFF8000  }
0x234: {  	[hbm4b:s20+s3] =	stream.linear.scatter [tilespmem:s22], [sflag:$0x4], $0x8000, $0x38;
	[tilespmem:$0x18100] =	vst v63  }
0x235: {  	_ =	swait.ge [sflag:s4], $0x8000  }
0x236: {  	[sflag:s4] =	ssyncset.done $0x0  }
0x237: {  	[sflag:s4] =	ssyncadd.s32 $0xFFFF8000  }
0x238: {  	v2 =	vld.msk [tilespmem:$0x60], $0xff;
	_ =	sdelay $0x4  }
0x239: {  	v3 =	vshll.u32 v2, $0x5  }
0x23a: {  	v2 =	vand.u32 $0x7, v2;
	v3 =	vand.u32 $0xFFFFFF00, v3  }
0x23b: {  	v2 =	vor.u32 v2, v3  }
0x23c: {  	v2 =	vperm.xlane v2, v0;
	_ =	sdelay $0x1  }
0x23d: {  	v2 =	vadd.s32 v1, v2;
	_ =	sdelay $0x4  }
0x23e: {  	[tilespmem:s22], [sflag:$0x1] =	stream.indirect_vreg.gather [hbm4b:s29+s3], $0x80, v2, vm0, $0xb8;
	[tilespmem:$0x18100] =	vst v63  }
0x23f: {  	s1 =	simm.s32 $0x900  }
0x240: {  	[tilespmem:s1], [sflag:$0x1] =	stream.indirect_vreg.gather [hbm4b:s5+s3], $0x80, v2, vm0, $0xb8;
	[tilespmem:$0x18100] =	vst v63  }
0x241: {  	s20 =	simm.s32 $0x1100  }
0x242: {  	[tilespmem:s20], [sflag:$0x1] =	stream.indirect_vreg.gather [hbm4b:s6+s3], $0x80, v2, vm0, $0xb8;
	[tilespmem:$0x18100] =	vst v63  }
0x243: {  	s22 =	simm.s32 $0x1900  }
0x244: {  	[tilespmem:s22], [sflag:$0x1] =	stream.indirect_vreg.gather [hbm4b:s7+s3], $0x80, v2, vm0, $0xb8;
	[tilespmem:$0x18100] =	vst v63  }
0x245: {  	s31 =	simm.s32 $0x2100  }
0x246: {  	[tilespmem:s31], [sflag:$0x1] =	stream.indirect_vreg.gather [hbm4b:s8+s3], $0x80, v2, vm0, $0xb8;
	[tilespmem:$0x18100] =	vst v63  }
0x247: {  	s26 =	simm.s32 $0x2900  }
0x248: {  	[tilespmem:s26], [sflag:$0x1] =	stream.indirect_vreg.gather [hbm4b:s9+s3], $0x80, v2, vm0, $0xb8;
	[tilespmem:$0x18100] =	vst v63  }
0x249: {  	s28 =	simm.s32 $0x3100  }
0x24a: {  	[tilespmem:s28], [sflag:$0x1] =	stream.indirect_vreg.gather [hbm4b:s10+s3], $0x80, v2, vm0, $0xb8;
	[tilespmem:$0x18100] =	vst v63  }
0x24b: {  	s30 =	simm.s32 $0x3900  }
0x24c: {  	[tilespmem:s30], [sflag:$0x1] =	stream.indirect_vreg.gather [hbm4b:s11+s3], $0x80, v2, vm0, $0xb8;
	[tilespmem:$0x18100] =	vst v63  }
0x24d: {  	s26 =	simm.s32 $0x4100  }
0x24e: {  	[tilespmem:s26], [sflag:$0x1] =	stream.indirect_vreg.gather [hbm4b:s12+s3], $0x80, v2, vm0, $0xb8;
	[tilespmem:$0x18100] =	vst v63  }
0x24f: {  	s28 =	simm.s32 $0x4900  }
0x250: {  	[tilespmem:s28], [sflag:$0x1] =	stream.indirect_vreg.gather [hbm4b:s13+s3], $0x80, v2, vm0, $0xb8;
	[tilespmem:$0x18100] =	vst v63  }
0x251: {  	s30 =	simm.s32 $0x5100  }
0x252: {  	[tilespmem:s30], [sflag:$0x1] =	stream.indirect_vreg.gather [hbm4b:s14+s3], $0x80, v2, vm0, $0xb8;
	[tilespmem:$0x18100] =	vst v63  }
0x253: {  	s26 =	simm.s32 $0x5900  }
0x254: {  	[tilespmem:s26], [sflag:$0x1] =	stream.indirect_vreg.gather [hbm4b:s15+s3], $0x80, v2, vm0, $0xb8;
	[tilespmem:$0x18100] =	vst v63  }
0x255: {  	s28 =	simm.s32 $0x6100  }
0x256: {  	[tilespmem:s28], [sflag:$0x1] =	stream.indirect_vreg.gather [hbm4b:s16+s3], $0x80, v2, vm0, $0xb8;
	[tilespmem:$0x18100] =	vst v63  }
0x257: {  	s30 =	simm.s32 $0x6900  }
0x258: {  	[tilespmem:s30], [sflag:$0x1] =	stream.indirect_vreg.gather [hbm4b:s17+s3], $0x80, v2, vm0, $0xb8;
	[tilespmem:$0x18100] =	vst v63  }
0x259: {  	s26 =	simm.s32 $0x7100  }
0x25a: {  	[tilespmem:s26], [sflag:$0x1] =	stream.indirect_vreg.gather [hbm4b:s18+s3], $0x80, v2, vm0, $0xb8;
	[tilespmem:$0x18100] =	vst v63  }
0x25b: {  	s28 =	simm.s32 $0x7900  }
0x25c: {  	[tilespmem:s28], [sflag:$0x1] =	stream.indirect_vreg.gather [hbm4b:s19+s3], $0x80, v2, vm0, $0xb8;
	[tilespmem:$0x18100] =	vst v63  }
0x25d: {  	_ =	swait.ge [sflag:s23], $0x8000  }
0x25e: {  	[sflag:s23] =	ssyncset.done $0x0  }
0x25f: {  	s2 =	simm.s32 $0x8100;
	s30 =	rddreg [dreg:$0xe];
	[sflag:s23] =	ssyncadd.s32 $0xFFFF8000  }
0x260: {  	[hbm4b:s30+s3] =	stream.linear.scatter [tilespmem:s2], [sflag:$0x5], $0x8000, $0x38;
	[tilespmem:$0x18100] =	vst v63  }
0x261: {  	_ =	swait.ge [sflag:s0], $0x8000  }
0x262: {  	[sflag:s0] =	ssyncset.done $0x0  }
0x263: {  	[sflag:s0] =	ssyncadd.s32 $0xFFFF8000  }
0x264: {  	v2 =	vld.msk [tilespmem:$0x68], $0xff;
	_ =	sdelay $0x4  }
0x265: {  	v3 =	vshll.u32 v2, $0x5  }
0x266: {  	v2 =	vand.u32 $0x7, v2;
	v3 =	vand.u32 $0xFFFFFF00, v3  }
0x267: {  	v2 =	vor.u32 v2, v3  }
0x268: {  	v2 =	vperm.xlane v2, v0;
	_ =	sdelay $0x1  }
0x269: {  	v2 =	vadd.s32 v1, v2;
	_ =	sdelay $0x4  }
0x26a: {  	[tilespmem:s2], [sflag:$0x2] =	stream.indirect_vreg.gather [hbm4b:s29+s3], $0x80, v2, vm0, $0xb8;
	[tilespmem:$0x18100] =	vst v63  }
0x26b: {  	s2 =	simm.s32 $0x8900  }
0x26c: {  	[tilespmem:s2], [sflag:$0x2] =	stream.indirect_vreg.gather [hbm4b:s5+s3], $0x80, v2, vm0, $0xb8;
	[tilespmem:$0x18100] =	vst v63  }
0x26d: {  	s26 =	smov.u32 s29;
	s29 =	simm.s32 $0x9100  }
0x26e: {  	[tilespmem:s29], [sflag:$0x2] =	stream.indirect_vreg.gather [hbm4b:s6+s3], $0x80, v2, vm0, $0xb8;
	[tilespmem:$0x18100] =	vst v63  }
0x26f: {  	s30 =	simm.s32 $0x9900  }
0x270: {  	[tilespmem:s30], [sflag:$0x2] =	stream.indirect_vreg.gather [hbm4b:s7+s3], $0x80, v2, vm0, $0xb8;
	[tilespmem:$0x18100] =	vst v63  }
0x271: {  	s30 =	simm.s32 $0xA100  }
0x272: {  	[tilespmem:s30], [sflag:$0x2] =	stream.indirect_vreg.gather [hbm4b:s8+s3], $0x80, v2, vm0, $0xb8;
	[tilespmem:$0x18100] =	vst v63  }
0x273: {  	s30 =	simm.s32 $0xA900  }
0x274: {  	[tilespmem:s30], [sflag:$0x2] =	stream.indirect_vreg.gather [hbm4b:s9+s3], $0x80, v2, vm0, $0xb8;
	[tilespmem:$0x18100] =	vst v63  }
0x275: {  	s30 =	simm.s32 $0xB100  }
0x276: {  	[tilespmem:s30], [sflag:$0x2] =	stream.indirect_vreg.gather [hbm4b:s10+s3], $0x80, v2, vm0, $0xb8;
	[tilespmem:$0x18100] =	vst v63  }
0x277: {  	s30 =	simm.s32 $0xB900  }
0x278: {  	[tilespmem:s30], [sflag:$0x2] =	stream.indirect_vreg.gather [hbm4b:s11+s3], $0x80, v2, vm0, $0xb8;
	[tilespmem:$0x18100] =	vst v63  }
0x279: {  	s30 =	simm.s32 $0xC100  }
0x27a: {  	[tilespmem:s30], [sflag:$0x2] =	stream.indirect_vreg.gather [hbm4b:s12+s3], $0x80, v2, vm0, $0xb8;
	[tilespmem:$0x18100] =	vst v63  }
0x27b: {  	s30 =	simm.s32 $0xC900  }
0x27c: {  	[tilespmem:s30], [sflag:$0x2] =	stream.indirect_vreg.gather [hbm4b:s13+s3], $0x80, v2, vm0, $0xb8;
	[tilespmem:$0x18100] =	vst v63  }
0x27d: {  	s30 =	simm.s32 $0xD100  }
0x27e: {  	[tilespmem:s30], [sflag:$0x2] =	stream.indirect_vreg.gather [hbm4b:s14+s3], $0x80, v2, vm0, $0xb8;
	[tilespmem:$0x18100] =	vst v63  }
0x27f: {  	s30 =	simm.s32 $0xD900  }
0x280: {  	[tilespmem:s30], [sflag:$0x2] =	stream.indirect_vreg.gather [hbm4b:s15+s3], $0x80, v2, vm0, $0xb8;
	[tilespmem:$0x18100] =	vst v63  }
0x281: {  	s30 =	simm.s32 $0xE100  }
0x282: {  	[tilespmem:s30], [sflag:$0x2] =	stream.indirect_vreg.gather [hbm4b:s16+s3], $0x80, v2, vm0, $0xb8;
	[tilespmem:$0x18100] =	vst v63  }
0x283: {  	s30 =	simm.s32 $0xE900  }
0x284: {  	[tilespmem:s30], [sflag:$0x2] =	stream.indirect_vreg.gather [hbm4b:s17+s3], $0x80, v2, vm0, $0xb8;
	[tilespmem:$0x18100] =	vst v63  }
0x285: {  	s30 =	simm.s32 $0xF100  }
0x286: {  	[tilespmem:s30], [sflag:$0x2] =	stream.indirect_vreg.gather [hbm4b:s18+s3], $0x80, v2, vm0, $0xb8;
	[tilespmem:$0x18100] =	vst v63  }
0x287: {  	s30 =	simm.s32 $0xF900  }
0x288: {  	[tilespmem:s30], [sflag:$0x2] =	stream.indirect_vreg.gather [hbm4b:s19+s3], $0x80, v2, vm0, $0xb8;
	[tilespmem:$0x18100] =	vst v63  }
0x289: {  	_ =	swait.ge [sflag:s25], $0x8000  }
0x28a: {  	[sflag:s25] =	ssyncset.done $0x0  }
0x28b: {  	s30 =	simm.s32 $0x10100;
	s28 =	rddreg [dreg:$0xf];
	[sflag:s25] =	ssyncadd.s32 $0xFFFF8000  }
0x28c: {  	[hbm4b:s28+s3] =	stream.linear.scatter [tilespmem:s30], [sflag:$0x6], $0x8000, $0x38;
	[tilespmem:$0x18100] =	vst v63  }
0x28d: {  	_ =	swait.ge [sflag:s24], $0x8000  }
0x28e: {  	[sflag:s24] =	ssyncset.done $0x0  }
0x28f: {  	[sflag:s24] =	ssyncadd.s32 $0xFFFF8000  }
0x290: {  	v2 =	vld.msk [tilespmem:$0x70], $0xff;
	_ =	sdelay $0x4  }
0x291: {  	v3 =	vshll.u32 v2, $0x5  }
0x292: {  	v2 =	vand.u32 $0x7, v2;
	v3 =	vand.u32 $0xFFFFFF00, v3  }
0x293: {  	v2 =	vor.u32 v2, v3  }
0x294: {  	v2 =	vperm.xlane v2, v0;
	_ =	sdelay $0x1  }
0x295: {  	v2 =	vadd.s32 v1, v2;
	_ =	sdelay $0x4  }
0x296: {  	[tilespmem:s30], [sflag:$0x3] =	stream.indirect_vreg.gather [hbm4b:s26+s3], $0x80, v2, vm0, $0xb8;
	[tilespmem:$0x18100] =	vst v63  }
0x297: {  	s30 =	simm.s32 $0x10900  }
0x298: {  	[tilespmem:s30], [sflag:$0x3] =	stream.indirect_vreg.gather [hbm4b:s5+s3], $0x80, v2, vm0, $0xb8;
	[tilespmem:$0x18100] =	vst v63  }
0x299: {  	s30 =	simm.s32 $0x11100  }
0x29a: {  	[tilespmem:s30], [sflag:$0x3] =	stream.indirect_vreg.gather [hbm4b:s6+s3], $0x80, v2, vm0, $0xb8;
	[tilespmem:$0x18100] =	vst v63  }
0x29b: {  	s30 =	simm.s32 $0x11900  }
0x29c: {  	[tilespmem:s30], [sflag:$0x3] =	stream.indirect_vreg.gather [hbm4b:s7+s3], $0x80, v2, vm0, $0xb8;
	[tilespmem:$0x18100] =	vst v63  }
0x29d: {  	s30 =	simm.s32 $0x12100  }
0x29e: {  	[tilespmem:s30], [sflag:$0x3] =	stream.indirect_vreg.gather [hbm4b:s8+s3], $0x80, v2, vm0, $0xb8;
	[tilespmem:$0x18100] =	vst v63  }
0x29f: {  	s30 =	simm.s32 $0x12900  }
0x2a0: {  	[tilespmem:s30], [sflag:$0x3] =	stream.indirect_vreg.gather [hbm4b:s9+s3], $0x80, v2, vm0, $0xb8;
	[tilespmem:$0x18100] =	vst v63  }
0x2a1: {  	s30 =	simm.s32 $0x13100  }
0x2a2: {  	[tilespmem:s30], [sflag:$0x3] =	stream.indirect_vreg.gather [hbm4b:s10+s3], $0x80, v2, vm0, $0xb8;
	[tilespmem:$0x18100] =	vst v63  }
0x2a3: {  	s30 =	simm.s32 $0x13900  }
0x2a4: {  	[tilespmem:s30], [sflag:$0x3] =	stream.indirect_vreg.gather [hbm4b:s11+s3], $0x80, v2, vm0, $0xb8;
	[tilespmem:$0x18100] =	vst v63  }
0x2a5: {  	s30 =	simm.s32 $0x14100  }
0x2a6: {  	[tilespmem:s30], [sflag:$0x3] =	stream.indirect_vreg.gather [hbm4b:s12+s3], $0x80, v2, vm0, $0xb8;
	[tilespmem:$0x18100] =	vst v63  }
0x2a7: {  	s30 =	simm.s32 $0x14900  }
0x2a8: {  	[tilespmem:s30], [sflag:$0x3] =	stream.indirect_vreg.gather [hbm4b:s13+s3], $0x80, v2, vm0, $0xb8;
	[tilespmem:$0x18100] =	vst v63  }
0x2a9: {  	s30 =	simm.s32 $0x15100  }
0x2aa: {  	[tilespmem:s30], [sflag:$0x3] =	stream.indirect_vreg.gather [hbm4b:s14+s3], $0x80, v2, vm0, $0xb8;
	[tilespmem:$0x18100] =	vst v63  }
0x2ab: {  	s30 =	simm.s32 $0x15900  }
0x2ac: {  	[tilespmem:s30], [sflag:$0x3] =	stream.indirect_vreg.gather [hbm4b:s15+s3], $0x80, v2, vm0, $0xb8;
	[tilespmem:$0x18100] =	vst v63  }
0x2ad: {  	s30 =	simm.s32 $0x16100  }
0x2ae: {  	[tilespmem:s30], [sflag:$0x3] =	stream.indirect_vreg.gather [hbm4b:s16+s3], $0x80, v2, vm0, $0xb8;
	[tilespmem:$0x18100] =	vst v63  }
0x2af: {  	s30 =	simm.s32 $0x16900  }
0x2b0: {  	[tilespmem:s30], [sflag:$0x3] =	stream.indirect_vreg.gather [hbm4b:s17+s3], $0x80, v2, vm0, $0xb8;
	[tilespmem:$0x18100] =	vst v63  }
0x2b1: {  	s30 =	simm.s32 $0x17100  }
0x2b2: {  	[tilespmem:s30], [sflag:$0x3] =	stream.indirect_vreg.gather [hbm4b:s18+s3], $0x80, v2, vm0, $0xb8;
	[tilespmem:$0x18100] =	vst v63  }
0x2b3: {  	s30 =	simm.s32 $0x17900  }
0x2b4: {  	[tilespmem:s30], [sflag:$0x3] =	stream.indirect_vreg.gather [hbm4b:s19+s3], $0x80, v2, vm0, $0xb8;
	[tilespmem:$0x18100] =	vst v63  }
0x2b5: {  	_ =	swait.ge [sflag:s21], $0x8000  }
0x2b6: {  	[sflag:s21] =	ssyncset.done $0x0  }
0x2b7: {  	s30 =	simm.s32 $0x100;
	s28 =	rddreg [dreg:$0x10];
	[sflag:s21] =	ssyncadd.s32 $0xFFFF8000  }
0x2b8: {  	[hbm4b:s28+s3] =	stream.linear.scatter [tilespmem:s30], [sflag:$0x4], $0x8000, $0x38;
	[tilespmem:$0x18100] =	vst v63  }
0x2b9: {  	_ =	swait.ge [sflag:s4], $0x8000  }
0x2ba: {  	[sflag:s4] =	ssyncset.done $0x0  }
0x2bb: {  	[sflag:s4] =	ssyncadd.s32 $0xFFFF8000  }
0x2bc: {  	v2 =	vld.msk [tilespmem:$0x78], $0xff;
	_ =	sdelay $0x4  }
0x2bd: {  	v3 =	vshll.u32 v2, $0x5  }
0x2be: {  	v2 =	vand.u32 $0x7, v2;
	v3 =	vand.u32 $0xFFFFFF00, v3  }
0x2bf: {  	v2 =	vor.u32 v2, v3  }
0x2c0: {  	v2 =	vperm.xlane v2, v0;
	_ =	sdelay $0x1  }
0x2c1: {  	v2 =	vadd.s32 v1, v2;
	_ =	sdelay $0x4  }
0x2c2: {  	[tilespmem:s30], [sflag:$0x1] =	stream.indirect_vreg.gather [hbm4b:s26+s3], $0x80, v2, vm0, $0xb8;
	[tilespmem:$0x18100] =	vst v63  }
0x2c3: {  	_ = 	snop  }
0x2c4: {  	[tilespmem:s1], [sflag:$0x1] =	stream.indirect_vreg.gather [hbm4b:s5+s3], $0x80, v2, vm0, $0xb8;
	[tilespmem:$0x18100] =	vst v63  }
0x2c5: {  	_ = 	snop  }
0x2c6: {  	[tilespmem:s20], [sflag:$0x1] =	stream.indirect_vreg.gather [hbm4b:s6+s3], $0x80, v2, vm0, $0xb8;
	[tilespmem:$0x18100] =	vst v63  }
0x2c7: {  	_ = 	snop  }
0x2c8: {  	[tilespmem:s22], [sflag:$0x1] =	stream.indirect_vreg.gather [hbm4b:s7+s3], $0x80, v2, vm0, $0xb8;
	[tilespmem:$0x18100] =	vst v63  }
0x2c9: {  	_ = 	snop  }
0x2ca: {  	[tilespmem:s31], [sflag:$0x1] =	stream.indirect_vreg.gather [hbm4b:s8+s3], $0x80, v2, vm0, $0xb8;
	[tilespmem:$0x18100] =	vst v63  }
0x2cb: {  	s1 =	simm.s32 $0x2900  }
0x2cc: {  	[tilespmem:s1], [sflag:$0x1] =	stream.indirect_vreg.gather [hbm4b:s9+s3], $0x80, v2, vm0, $0xb8;
	[tilespmem:$0x18100] =	vst v63  }
0x2cd: {  	s31 =	simm.s32 $0x3100  }
0x2ce: {  	[tilespmem:s31], [sflag:$0x1] =	stream.indirect_vreg.gather [hbm4b:s10+s3], $0x80, v2, vm0, $0xb8;
	[tilespmem:$0x18100] =	vst v63  }
0x2cf: {  	s22 =	simm.s32 $0x3900  }
0x2d0: {  	[tilespmem:s22], [sflag:$0x1] =	stream.indirect_vreg.gather [hbm4b:s11+s3], $0x80, v2, vm0, $0xb8;
	[tilespmem:$0x18100] =	vst v63  }
0x2d1: {  	s28 =	simm.s32 $0x4100  }
0x2d2: {  	[tilespmem:s28], [sflag:$0x1] =	stream.indirect_vreg.gather [hbm4b:s12+s3], $0x80, v2, vm0, $0xb8;
	[tilespmem:$0x18100] =	vst v63  }
0x2d3: {  	s30 =	simm.s32 $0x4900  }
0x2d4: {  	[tilespmem:s30], [sflag:$0x1] =	stream.indirect_vreg.gather [hbm4b:s13+s3], $0x80, v2, vm0, $0xb8;
	[tilespmem:$0x18100] =	vst v63  }
0x2d5: {  	s20 =	simm.s32 $0x5100  }
0x2d6: {  	[tilespmem:s20], [sflag:$0x1] =	stream.indirect_vreg.gather [hbm4b:s14+s3], $0x80, v2, vm0, $0xb8;
	[tilespmem:$0x18100] =	vst v63  }
0x2d7: {  	s31 =	simm.s32 $0x5900  }
0x2d8: {  	[tilespmem:s31], [sflag:$0x1] =	stream.indirect_vreg.gather [hbm4b:s15+s3], $0x80, v2, vm0, $0xb8;
	[tilespmem:$0x18100] =	vst v63  }
0x2d9: {  	s28 =	simm.s32 $0x6100  }
0x2da: {  	[tilespmem:s28], [sflag:$0x1] =	stream.indirect_vreg.gather [hbm4b:s16+s3], $0x80, v2, vm0, $0xb8;
	[tilespmem:$0x18100] =	vst v63  }
0x2db: {  	s30 =	simm.s32 $0x6900  }
0x2dc: {  	[tilespmem:s30], [sflag:$0x1] =	stream.indirect_vreg.gather [hbm4b:s17+s3], $0x80, v2, vm0, $0xb8;
	[tilespmem:$0x18100] =	vst v63  }
0x2dd: {  	s31 =	simm.s32 $0x7100  }
0x2de: {  	[tilespmem:s31], [sflag:$0x1] =	stream.indirect_vreg.gather [hbm4b:s18+s3], $0x80, v2, vm0, $0xb8;
	[tilespmem:$0x18100] =	vst v63  }
0x2df: {  	s28 =	simm.s32 $0x7900  }
0x2e0: {  	[tilespmem:s28], [sflag:$0x1] =	stream.indirect_vreg.gather [hbm4b:s19+s3], $0x80, v2, vm0, $0xb8;
	[tilespmem:$0x18100] =	vst v63  }
0x2e1: {  	_ =	swait.ge [sflag:s23], $0x8000  }
0x2e2: {  	[sflag:s23] =	ssyncset.done $0x0  }
0x2e3: {  	s31 =	simm.s32 $0x8100;
	s30 =	rddreg [dreg:$0x11];
	[sflag:s23] =	ssyncadd.s32 $0xFFFF8000  }
0x2e4: {  	[hbm4b:s30+s3] =	stream.linear.scatter [tilespmem:s31], [sflag:$0x5], $0x8000, $0x38;
	[tilespmem:$0x18100] =	vst v63  }
0x2e5: {  	_ =	swait.ge [sflag:s0], $0x8000  }
0x2e6: {  	[sflag:s0] =	ssyncset.done $0x0  }
0x2e7: {  	[sflag:s0] =	ssyncadd.s32 $0xFFFF8000  }
0x2e8: {  	v2 =	vld.msk [tilespmem:$0x80], $0xff;
	_ =	sdelay $0x4  }
0x2e9: {  	v3 =	vshll.u32 v2, $0x5  }
0x2ea: {  	v2 =	vand.u32 $0x7, v2;
	v3 =	vand.u32 $0xFFFFFF00, v3  }
0x2eb: {  	v2 =	vor.u32 v2, v3  }
0x2ec: {  	v2 =	vperm.xlane v2, v0;
	_ =	sdelay $0x1  }
0x2ed: {  	v2 =	vadd.s32 v1, v2;
	_ =	sdelay $0x4  }
0x2ee: {  	[tilespmem:s31], [sflag:$0x2] =	stream.indirect_vreg.gather [hbm4b:s26+s3], $0x80, v2, vm0, $0xb8;
	[tilespmem:$0x18100] =	vst v63  }
0x2ef: {  	_ = 	snop  }
0x2f0: {  	[tilespmem:s2], [sflag:$0x2] =	stream.indirect_vreg.gather [hbm4b:s5+s3], $0x80, v2, vm0, $0xb8;
	[tilespmem:$0x18100] =	vst v63  }
0x2f1: {  	_ = 	snop  }
0x2f2: {  	[tilespmem:s29], [sflag:$0x2] =	stream.indirect_vreg.gather [hbm4b:s6+s3], $0x80, v2, vm0, $0xb8;
	[tilespmem:$0x18100] =	vst v63  }
0x2f3: {  	s29 =	simm.s32 $0x9900  }
0x2f4: {  	[tilespmem:s29], [sflag:$0x2] =	stream.indirect_vreg.gather [hbm4b:s7+s3], $0x80, v2, vm0, $0xb8;
	[tilespmem:$0x18100] =	vst v63  }
0x2f5: {  	s30 =	simm.s32 $0xA100  }
0x2f6: {  	[tilespmem:s30], [sflag:$0x2] =	stream.indirect_vreg.gather [hbm4b:s8+s3], $0x80, v2, vm0, $0xb8;
	[tilespmem:$0x18100] =	vst v63  }
0x2f7: {  	s31 =	simm.s32 $0xA900  }
0x2f8: {  	[tilespmem:s31], [sflag:$0x2] =	stream.indirect_vreg.gather [hbm4b:s9+s3], $0x80, v2, vm0, $0xb8;
	[tilespmem:$0x18100] =	vst v63  }
0x2f9: {  	s22 =	simm.s32 $0xB100  }
0x2fa: {  	[tilespmem:s22], [sflag:$0x2] =	stream.indirect_vreg.gather [hbm4b:s10+s3], $0x80, v2, vm0, $0xb8;
	[tilespmem:$0x18100] =	vst v63  }
0x2fb: {  	s28 =	simm.s32 $0xB900  }
0x2fc: {  	[tilespmem:s28], [sflag:$0x2] =	stream.indirect_vreg.gather [hbm4b:s11+s3], $0x80, v2, vm0, $0xb8;
	[tilespmem:$0x18100] =	vst v63  }
0x2fd: {  	s29 =	simm.s32 $0xC100  }
0x2fe: {  	[tilespmem:s29], [sflag:$0x2] =	stream.indirect_vreg.gather [hbm4b:s12+s3], $0x80, v2, vm0, $0xb8;
	[tilespmem:$0x18100] =	vst v63  }
0x2ff: {  	s30 =	simm.s32 $0xC900  }
0x300: {  	[tilespmem:s30], [sflag:$0x2] =	stream.indirect_vreg.gather [hbm4b:s13+s3], $0x80, v2, vm0, $0xb8;
	[tilespmem:$0x18100] =	vst v63  }
0x301: {  	s31 =	simm.s32 $0xD100  }
0x302: {  	[tilespmem:s31], [sflag:$0x2] =	stream.indirect_vreg.gather [hbm4b:s14+s3], $0x80, v2, vm0, $0xb8;
	[tilespmem:$0x18100] =	vst v63  }
0x303: {  	s22 =	simm.s32 $0xD900  }
0x304: {  	[tilespmem:s22], [sflag:$0x2] =	stream.indirect_vreg.gather [hbm4b:s15+s3], $0x80, v2, vm0, $0xb8;
	[tilespmem:$0x18100] =	vst v63  }
0x305: {  	s28 =	simm.s32 $0xE100  }
0x306: {  	[tilespmem:s28], [sflag:$0x2] =	stream.indirect_vreg.gather [hbm4b:s16+s3], $0x80, v2, vm0, $0xb8;
	[tilespmem:$0x18100] =	vst v63  }
0x307: {  	s29 =	simm.s32 $0xE900  }
0x308: {  	[tilespmem:s29], [sflag:$0x2] =	stream.indirect_vreg.gather [hbm4b:s17+s3], $0x80, v2, vm0, $0xb8;
	[tilespmem:$0x18100] =	vst v63  }
0x309: {  	s30 =	simm.s32 $0xF100  }
0x30a: {  	[tilespmem:s30], [sflag:$0x2] =	stream.indirect_vreg.gather [hbm4b:s18+s3], $0x80, v2, vm0, $0xb8;
	[tilespmem:$0x18100] =	vst v63  }
0x30b: {  	s31 =	simm.s32 $0xF900  }
0x30c: {  	[tilespmem:s31], [sflag:$0x2] =	stream.indirect_vreg.gather [hbm4b:s19+s3], $0x80, v2, vm0, $0xb8;
	[tilespmem:$0x18100] =	vst v63  }
0x30d: {  	_ =	swait.ge [sflag:s25], $0x8000  }
0x30e: {  	[sflag:s25] =	ssyncset.done $0x0  }
0x30f: {  	s29 =	simm.s32 $0x10100;
	s22 =	rddreg [dreg:$0x12];
	[sflag:s25] =	ssyncadd.s32 $0xFFFF8000  }
0x310: {  	[hbm4b:s22+s3] =	stream.linear.scatter [tilespmem:s29], [sflag:$0x6], $0x8000, $0x38;
	[tilespmem:$0x18100] =	vst v63  }
0x311: {  	_ =	swait.ge [sflag:s24], $0x8000  }
0x312: {  	[sflag:s24] =	ssyncset.done $0x0  }
0x313: {  	[sflag:s24] =	ssyncadd.s32 $0xFFFF8000  }
0x314: {  	v2 =	vld.msk [tilespmem:$0x88], $0xff;
	_ =	sdelay $0x4  }
0x315: {  	v3 =	vshll.u32 v2, $0x5  }
0x316: {  	v2 =	vand.u32 $0x7, v2;
	v3 =	vand.u32 $0xFFFFFF00, v3  }
0x317: {  	v2 =	vor.u32 v2, v3  }
0x318: {  	v2 =	vperm.xlane v2, v0;
	_ =	sdelay $0x1  }
0x319: {  	v2 =	vadd.s32 v1, v2;
	_ =	sdelay $0x4  }
0x31a: {  	[tilespmem:s29], [sflag:$0x3] =	stream.indirect_vreg.gather [hbm4b:s26+s3], $0x80, v2, vm0, $0xb8;
	[tilespmem:$0x18100] =	vst v63  }
0x31b: {  	s30 =	simm.s32 $0x10900  }
0x31c: {  	[tilespmem:s30], [sflag:$0x3] =	stream.indirect_vreg.gather [hbm4b:s5+s3], $0x80, v2, vm0, $0xb8;
	[tilespmem:$0x18100] =	vst v63  }
0x31d: {  	s22 =	simm.s32 $0x11100  }
0x31e: {  	[tilespmem:s22], [sflag:$0x3] =	stream.indirect_vreg.gather [hbm4b:s6+s3], $0x80, v2, vm0, $0xb8;
	[tilespmem:$0x18100] =	vst v63  }
0x31f: {  	s29 =	simm.s32 $0x11900  }
0x320: {  	[tilespmem:s29], [sflag:$0x3] =	stream.indirect_vreg.gather [hbm4b:s7+s3], $0x80, v2, vm0, $0xb8;
	[tilespmem:$0x18100] =	vst v63  }
0x321: {  	s31 =	simm.s32 $0x12100  }
0x322: {  	[tilespmem:s31], [sflag:$0x3] =	stream.indirect_vreg.gather [hbm4b:s8+s3], $0x80, v2, vm0, $0xb8;
	[tilespmem:$0x18100] =	vst v63  }
0x323: {  	s30 =	simm.s32 $0x12900  }
0x324: {  	[tilespmem:s30], [sflag:$0x3] =	stream.indirect_vreg.gather [hbm4b:s9+s3], $0x80, v2, vm0, $0xb8;
	[tilespmem:$0x18100] =	vst v63  }
0x325: {  	s28 =	simm.s32 $0x13100  }
0x326: {  	[tilespmem:s28], [sflag:$0x3] =	stream.indirect_vreg.gather [hbm4b:s10+s3], $0x80, v2, vm0, $0xb8;
	[tilespmem:$0x18100] =	vst v63  }
0x327: {  	s31 =	simm.s32 $0x13900  }
0x328: {  	[tilespmem:s31], [sflag:$0x3] =	stream.indirect_vreg.gather [hbm4b:s11+s3], $0x80, v2, vm0, $0xb8;
	[tilespmem:$0x18100] =	vst v63  }
0x329: {  	s28 =	simm.s32 $0x14100  }
0x32a: {  	[tilespmem:s28], [sflag:$0x3] =	stream.indirect_vreg.gather [hbm4b:s12+s3], $0x80, v2, vm0, $0xb8;
	[tilespmem:$0x18100] =	vst v63  }
0x32b: {  	s31 =	simm.s32 $0x14900  }
0x32c: {  	[tilespmem:s31], [sflag:$0x3] =	stream.indirect_vreg.gather [hbm4b:s13+s3], $0x80, v2, vm0, $0xb8;
	[tilespmem:$0x18100] =	vst v63  }
0x32d: {  	s28 =	simm.s32 $0x15100  }
0x32e: {  	[tilespmem:s28], [sflag:$0x3] =	stream.indirect_vreg.gather [hbm4b:s14+s3], $0x80, v2, vm0, $0xb8;
	[tilespmem:$0x18100] =	vst v63  }
0x32f: {  	s31 =	simm.s32 $0x15900  }
0x330: {  	[tilespmem:s31], [sflag:$0x3] =	stream.indirect_vreg.gather [hbm4b:s15+s3], $0x80, v2, vm0, $0xb8;
	[tilespmem:$0x18100] =	vst v63  }
0x331: {  	s28 =	simm.s32 $0x16100  }
0x332: {  	[tilespmem:s28], [sflag:$0x3] =	stream.indirect_vreg.gather [hbm4b:s16+s3], $0x80, v2, vm0, $0xb8;
	[tilespmem:$0x18100] =	vst v63  }
0x333: {  	s31 =	simm.s32 $0x16900  }
0x334: {  	[tilespmem:s31], [sflag:$0x3] =	stream.indirect_vreg.gather [hbm4b:s17+s3], $0x80, v2, vm0, $0xb8;
	[tilespmem:$0x18100] =	vst v63  }
0x335: {  	s28 =	simm.s32 $0x17100  }
0x336: {  	[tilespmem:s28], [sflag:$0x3] =	stream.indirect_vreg.gather [hbm4b:s18+s3], $0x80, v2, vm0, $0xb8;
	[tilespmem:$0x18100] =	vst v63  }
0x337: {  	s31 =	simm.s32 $0x17900  }
0x338: {  	[tilespmem:s31], [sflag:$0x3] =	stream.indirect_vreg.gather [hbm4b:s19+s3], $0x80, v2, vm0, $0xb8;
	[tilespmem:$0x18100] =	vst v63  }
0x339: {  	_ =	swait.ge [sflag:s21], $0x8000  }
0x33a: {  	[sflag:s21] =	ssyncset.done $0x0  }
0x33b: {  	s2 =	simm.s32 $0x100;
	s28 =	rddreg [dreg:$0x13];
	[sflag:s21] =	ssyncadd.s32 $0xFFFF8000  }
0x33c: {  	[hbm4b:s28+s3] =	stream.linear.scatter [tilespmem:s2], [sflag:$0x4], $0x8000, $0x38;
	[tilespmem:$0x18100] =	vst v63  }
0x33d: {  	_ =	swait.ge [sflag:s4], $0x8000  }
0x33e: {  	[sflag:s4] =	ssyncset.done $0x0  }
0x33f: {  	[sflag:s4] =	ssyncadd.s32 $0xFFFF8000  }
0x340: {  	v2 =	vld.msk [tilespmem:$0x90], $0xff;
	_ =	sdelay $0x4  }
0x341: {  	v3 =	vshll.u32 v2, $0x5  }
0x342: {  	v2 =	vand.u32 $0x7, v2;
	v3 =	vand.u32 $0xFFFFFF00, v3  }
0x343: {  	v2 =	vor.u32 v2, v3  }
0x344: {  	v2 =	vperm.xlane v2, v0;
	_ =	sdelay $0x1  }
0x345: {  	v2 =	vadd.s32 v1, v2;
	_ =	sdelay $0x4  }
0x346: {  	[tilespmem:s2], [sflag:$0x1] =	stream.indirect_vreg.gather [hbm4b:s26+s3], $0x80, v2, vm0, $0xb8;
	[tilespmem:$0x18100] =	vst v63  }
0x347: {  	s2 =	simm.s32 $0x900  }
0x348: {  	[tilespmem:s2], [sflag:$0x1] =	stream.indirect_vreg.gather [hbm4b:s5+s3], $0x80, v2, vm0, $0xb8;
	[tilespmem:$0x18100] =	vst v63  }
0x349: {  	s31 =	simm.s32 $0x1100  }
0x34a: {  	[tilespmem:s31], [sflag:$0x1] =	stream.indirect_vreg.gather [hbm4b:s6+s3], $0x80, v2, vm0, $0xb8;
	[tilespmem:$0x18100] =	vst v63  }
0x34b: {  	s28 =	simm.s32 $0x1900  }
0x34c: {  	[tilespmem:s28], [sflag:$0x1] =	stream.indirect_vreg.gather [hbm4b:s7+s3], $0x80, v2, vm0, $0xb8;
	[tilespmem:$0x18100] =	vst v63  }
0x34d: {  	s28 =	simm.s32 $0x2100  }
0x34e: {  	[tilespmem:s28], [sflag:$0x1] =	stream.indirect_vreg.gather [hbm4b:s8+s3], $0x80, v2, vm0, $0xb8;
	[tilespmem:$0x18100] =	vst v63  }
0x34f: {  	_ = 	snop  }
0x350: {  	[tilespmem:s1], [sflag:$0x1] =	stream.indirect_vreg.gather [hbm4b:s9+s3], $0x80, v2, vm0, $0xb8;
	[tilespmem:$0x18100] =	vst v63  }
0x351: {  	s28 =	simm.s32 $0x3100  }
0x352: {  	[tilespmem:s28], [sflag:$0x1] =	stream.indirect_vreg.gather [hbm4b:s10+s3], $0x80, v2, vm0, $0xb8;
	[tilespmem:$0x18100] =	vst v63  }
0x353: {  	s28 =	simm.s32 $0x3900  }
0x354: {  	[tilespmem:s28], [sflag:$0x1] =	stream.indirect_vreg.gather [hbm4b:s11+s3], $0x80, v2, vm0, $0xb8;
	[tilespmem:$0x18100] =	vst v63  }
0x355: {  	s28 =	simm.s32 $0x4100  }
0x356: {  	[tilespmem:s28], [sflag:$0x1] =	stream.indirect_vreg.gather [hbm4b:s12+s3], $0x80, v2, vm0, $0xb8;
	[tilespmem:$0x18100] =	vst v63  }
0x357: {  	s28 =	simm.s32 $0x4900  }
0x358: {  	[tilespmem:s28], [sflag:$0x1] =	stream.indirect_vreg.gather [hbm4b:s13+s3], $0x80, v2, vm0, $0xb8;
	[tilespmem:$0x18100] =	vst v63  }
0x359: {  	_ = 	snop  }
0x35a: {  	[tilespmem:s20], [sflag:$0x1] =	stream.indirect_vreg.gather [hbm4b:s14+s3], $0x80, v2, vm0, $0xb8;
	[tilespmem:$0x18100] =	vst v63  }
0x35b: {  	s28 =	simm.s32 $0x5900  }
0x35c: {  	[tilespmem:s28], [sflag:$0x1] =	stream.indirect_vreg.gather [hbm4b:s15+s3], $0x80, v2, vm0, $0xb8;
	[tilespmem:$0x18100] =	vst v63  }
0x35d: {  	s20 =	simm.s32 $0x6100  }
0x35e: {  	[tilespmem:s20], [sflag:$0x1] =	stream.indirect_vreg.gather [hbm4b:s16+s3], $0x80, v2, vm0, $0xb8;
	[tilespmem:$0x18100] =	vst v63  }
0x35f: {  	s28 =	simm.s32 $0x6900  }
0x360: {  	[tilespmem:s28], [sflag:$0x1] =	stream.indirect_vreg.gather [hbm4b:s17+s3], $0x80, v2, vm0, $0xb8;
	[tilespmem:$0x18100] =	vst v63  }
0x361: {  	s20 =	simm.s32 $0x7100  }
0x362: {  	[tilespmem:s20], [sflag:$0x1] =	stream.indirect_vreg.gather [hbm4b:s18+s3], $0x80, v2, vm0, $0xb8;
	[tilespmem:$0x18100] =	vst v63  }
0x363: {  	s28 =	simm.s32 $0x7900  }
0x364: {  	[tilespmem:s28], [sflag:$0x1] =	stream.indirect_vreg.gather [hbm4b:s19+s3], $0x80, v2, vm0, $0xb8;
	[tilespmem:$0x18100] =	vst v63  }
0x365: {  	_ =	swait.ge [sflag:s23], $0x8000  }
0x366: {  	[sflag:s23] =	ssyncset.done $0x0  }
0x367: {  	s20 =	simm.s32 $0x8100;
	s1 =	rddreg [dreg:$0x14];
	[sflag:s23] =	ssyncadd.s32 $0xFFFF8000  }
0x368: {  	[hbm4b:s1+s3] =	stream.linear.scatter [tilespmem:s20], [sflag:$0x5], $0x8000, $0x38;
	[tilespmem:$0x18100] =	vst v63  }
0x369: {  	_ =	swait.ge [sflag:s0], $0x8000  }
0x36a: {  	[sflag:s0] =	ssyncset.done $0x0  }
0x36b: {  	[sflag:s0] =	ssyncadd.s32 $0xFFFF8000  }
0x36c: {  	v2 =	vld.msk [tilespmem:$0x98], $0xff;
	_ =	sdelay $0x4  }
0x36d: {  	v3 =	vshll.u32 v2, $0x5  }
0x36e: {  	v2 =	vand.u32 $0x7, v2;
	v3 =	vand.u32 $0xFFFFFF00, v3  }
0x36f: {  	v2 =	vor.u32 v2, v3  }
0x370: {  	v2 =	vperm.xlane v2, v0;
	_ =	sdelay $0x1  }
0x371: {  	v2 =	vadd.s32 v1, v2;
	_ =	sdelay $0x4  }
0x372: {  	[tilespmem:s20], [sflag:$0x2] =	stream.indirect_vreg.gather [hbm4b:s26+s3], $0x80, v2, vm0, $0xb8;
	[tilespmem:$0x18100] =	vst v63  }
0x373: {  	s1 =	simm.s32 $0x8900  }
0x374: {  	[tilespmem:s1], [sflag:$0x2] =	stream.indirect_vreg.gather [hbm4b:s5+s3], $0x80, v2, vm0, $0xb8;
	[tilespmem:$0x18100] =	vst v63  }
0x375: {  	s28 =	simm.s32 $0x9100  }
0x376: {  	[tilespmem:s28], [sflag:$0x2] =	stream.indirect_vreg.gather [hbm4b:s6+s3], $0x80, v2, vm0, $0xb8;
	[tilespmem:$0x18100] =	vst v63  }
0x377: {  	s28 =	simm.s32 $0x9900  }
0x378: {  	[tilespmem:s28], [sflag:$0x2] =	stream.indirect_vreg.gather [hbm4b:s7+s3], $0x80, v2, vm0, $0xb8;
	[tilespmem:$0x18100] =	vst v63  }
0x379: {  	s28 =	simm.s32 $0xA100  }
0x37a: {  	[tilespmem:s28], [sflag:$0x2] =	stream.indirect_vreg.gather [hbm4b:s8+s3], $0x80, v2, vm0, $0xb8;
	[tilespmem:$0x18100] =	vst v63  }
0x37b: {  	s28 =	simm.s32 $0xA900  }
0x37c: {  	[tilespmem:s28], [sflag:$0x2] =	stream.indirect_vreg.gather [hbm4b:s9+s3], $0x80, v2, vm0, $0xb8;
	[tilespmem:$0x18100] =	vst v63  }
0x37d: {  	s28 =	simm.s32 $0xB100  }
0x37e: {  	[tilespmem:s28], [sflag:$0x2] =	stream.indirect_vreg.gather [hbm4b:s10+s3], $0x80, v2, vm0, $0xb8;
	[tilespmem:$0x18100] =	vst v63  }
0x37f: {  	s28 =	simm.s32 $0xB900  }
0x380: {  	[tilespmem:s28], [sflag:$0x2] =	stream.indirect_vreg.gather [hbm4b:s11+s3], $0x80, v2, vm0, $0xb8;
	[tilespmem:$0x18100] =	vst v63  }
0x381: {  	s28 =	simm.s32 $0xC100  }
0x382: {  	[tilespmem:s28], [sflag:$0x2] =	stream.indirect_vreg.gather [hbm4b:s12+s3], $0x80, v2, vm0, $0xb8;
	[tilespmem:$0x18100] =	vst v63  }
0x383: {  	s28 =	simm.s32 $0xC900  }
0x384: {  	[tilespmem:s28], [sflag:$0x2] =	stream.indirect_vreg.gather [hbm4b:s13+s3], $0x80, v2, vm0, $0xb8;
	[tilespmem:$0x18100] =	vst v63  }
0x385: {  	s28 =	simm.s32 $0xD100  }
0x386: {  	[tilespmem:s28], [sflag:$0x2] =	stream.indirect_vreg.gather [hbm4b:s14+s3], $0x80, v2, vm0, $0xb8;
	[tilespmem:$0x18100] =	vst v63  }
0x387: {  	s28 =	simm.s32 $0xD900  }
0x388: {  	[tilespmem:s28], [sflag:$0x2] =	stream.indirect_vreg.gather [hbm4b:s15+s3], $0x80, v2, vm0, $0xb8;
	[tilespmem:$0x18100] =	vst v63  }
0x389: {  	s28 =	simm.s32 $0xE100  }
0x38a: {  	[tilespmem:s28], [sflag:$0x2] =	stream.indirect_vreg.gather [hbm4b:s16+s3], $0x80, v2, vm0, $0xb8;
	[tilespmem:$0x18100] =	vst v63  }
0x38b: {  	s28 =	simm.s32 $0xE900  }
0x38c: {  	[tilespmem:s28], [sflag:$0x2] =	stream.indirect_vreg.gather [hbm4b:s17+s3], $0x80, v2, vm0, $0xb8;
	[tilespmem:$0x18100] =	vst v63  }
0x38d: {  	s28 =	simm.s32 $0xF100  }
0x38e: {  	[tilespmem:s28], [sflag:$0x2] =	stream.indirect_vreg.gather [hbm4b:s18+s3], $0x80, v2, vm0, $0xb8;
	[tilespmem:$0x18100] =	vst v63  }
0x38f: {  	s28 =	simm.s32 $0xF900  }
0x390: {  	[tilespmem:s28], [sflag:$0x2] =	stream.indirect_vreg.gather [hbm4b:s19+s3], $0x80, v2, vm0, $0xb8;
	[tilespmem:$0x18100] =	vst v63  }
0x391: {  	_ =	swait.ge [sflag:s25], $0x8000  }
0x392: {  	[sflag:s25] =	ssyncset.done $0x0  }
0x393: {  	s20 =	simm.s32 $0x10100;
	s28 =	rddreg [dreg:$0x15];
	[sflag:s25] =	ssyncadd.s32 $0xFFFF8000  }
0x394: {  	[hbm4b:s28+s3] =	stream.linear.scatter [tilespmem:s20], [sflag:$0x6], $0x8000, $0x38;
	[tilespmem:$0x18100] =	vst v63  }
0x395: {  	_ =	swait.ge [sflag:s24], $0x8000  }
0x396: {  	[sflag:s24] =	ssyncset.done $0x0  }
0x397: {  	[sflag:s24] =	ssyncadd.s32 $0xFFFF8000  }
0x398: {  	v2 =	vld.msk [tilespmem:$0xA0], $0xff;
	_ =	sdelay $0x4  }
0x399: {  	v3 =	vshll.u32 v2, $0x5  }
0x39a: {  	v2 =	vand.u32 $0x7, v2;
	v3 =	vand.u32 $0xFFFFFF00, v3  }
0x39b: {  	v2 =	vor.u32 v2, v3  }
0x39c: {  	v2 =	vperm.xlane v2, v0;
	_ =	sdelay $0x1  }
0x39d: {  	v2 =	vadd.s32 v1, v2;
	_ =	sdelay $0x4  }
0x39e: {  	[tilespmem:s20], [sflag:$0x3] =	stream.indirect_vreg.gather [hbm4b:s26+s3], $0x80, v2, vm0, $0xb8;
	[tilespmem:$0x18100] =	vst v63  }
0x39f: {  	s28 =	simm.s32 $0x10900  }
0x3a0: {  	[tilespmem:s28], [sflag:$0x3] =	stream.indirect_vreg.gather [hbm4b:s5+s3], $0x80, v2, vm0, $0xb8;
	[tilespmem:$0x18100] =	vst v63  }
0x3a1: {  	_ = 	snop  }
0x3a2: {  	[tilespmem:s22], [sflag:$0x3] =	stream.indirect_vreg.gather [hbm4b:s6+s3], $0x80, v2, vm0, $0xb8;
	[tilespmem:$0x18100] =	vst v63  }
0x3a3: {  	_ = 	snop  }
0x3a4: {  	[tilespmem:s29], [sflag:$0x3] =	stream.indirect_vreg.gather [hbm4b:s7+s3], $0x80, v2, vm0, $0xb8;
	[tilespmem:$0x18100] =	vst v63  }
0x3a5: {  	s28 =	simm.s32 $0x12100  }
0x3a6: {  	[tilespmem:s28], [sflag:$0x3] =	stream.indirect_vreg.gather [hbm4b:s8+s3], $0x80, v2, vm0, $0xb8;
	[tilespmem:$0x18100] =	vst v63  }
0x3a7: {  	_ = 	snop  }
0x3a8: {  	[tilespmem:s30], [sflag:$0x3] =	stream.indirect_vreg.gather [hbm4b:s9+s3], $0x80, v2, vm0, $0xb8;
	[tilespmem:$0x18100] =	vst v63  }
0x3a9: {  	s29 =	simm.s32 $0x13100  }
0x3aa: {  	[tilespmem:s29], [sflag:$0x3] =	stream.indirect_vreg.gather [hbm4b:s10+s3], $0x80, v2, vm0, $0xb8;
	[tilespmem:$0x18100] =	vst v63  }
0x3ab: {  	s30 =	simm.s32 $0x13900  }
0x3ac: {  	[tilespmem:s30], [sflag:$0x3] =	stream.indirect_vreg.gather [hbm4b:s11+s3], $0x80, v2, vm0, $0xb8;
	[tilespmem:$0x18100] =	vst v63  }
0x3ad: {  	s22 =	simm.s32 $0x14100  }
0x3ae: {  	[tilespmem:s22], [sflag:$0x3] =	stream.indirect_vreg.gather [hbm4b:s12+s3], $0x80, v2, vm0, $0xb8;
	[tilespmem:$0x18100] =	vst v63  }
0x3af: {  	s28 =	simm.s32 $0x14900  }
0x3b0: {  	[tilespmem:s28], [sflag:$0x3] =	stream.indirect_vreg.gather [hbm4b:s13+s3], $0x80, v2, vm0, $0xb8;
	[tilespmem:$0x18100] =	vst v63  }
0x3b1: {  	s29 =	simm.s32 $0x15100  }
0x3b2: {  	[tilespmem:s29], [sflag:$0x3] =	stream.indirect_vreg.gather [hbm4b:s14+s3], $0x80, v2, vm0, $0xb8;
	[tilespmem:$0x18100] =	vst v63  }
0x3b3: {  	s30 =	simm.s32 $0x15900  }
0x3b4: {  	[tilespmem:s30], [sflag:$0x3] =	stream.indirect_vreg.gather [hbm4b:s15+s3], $0x80, v2, vm0, $0xb8;
	[tilespmem:$0x18100] =	vst v63  }
0x3b5: {  	s22 =	simm.s32 $0x16100  }
0x3b6: {  	[tilespmem:s22], [sflag:$0x3] =	stream.indirect_vreg.gather [hbm4b:s16+s3], $0x80, v2, vm0, $0xb8;
	[tilespmem:$0x18100] =	vst v63  }
0x3b7: {  	s28 =	simm.s32 $0x16900  }
0x3b8: {  	[tilespmem:s28], [sflag:$0x3] =	stream.indirect_vreg.gather [hbm4b:s17+s3], $0x80, v2, vm0, $0xb8;
	[tilespmem:$0x18100] =	vst v63  }
0x3b9: {  	s29 =	simm.s32 $0x17100  }
0x3ba: {  	[tilespmem:s29], [sflag:$0x3] =	stream.indirect_vreg.gather [hbm4b:s18+s3], $0x80, v2, vm0, $0xb8;
	[tilespmem:$0x18100] =	vst v63  }
0x3bb: {  	s30 =	simm.s32 $0x17900  }
0x3bc: {  	[tilespmem:s30], [sflag:$0x3] =	stream.indirect_vreg.gather [hbm4b:s19+s3], $0x80, v2, vm0, $0xb8;
	[tilespmem:$0x18100] =	vst v63  }
0x3bd: {  	_ =	swait.ge [sflag:s21], $0x8000  }
0x3be: {  	[sflag:s21] =	ssyncset.done $0x0  }
0x3bf: {  	s22 =	simm.s32 $0x100;
	s20 =	rddreg [dreg:$0x16];
	[sflag:s21] =	ssyncadd.s32 $0xFFFF8000  }
0x3c0: {  	[hbm4b:s20+s3] =	stream.linear.scatter [tilespmem:s22], [sflag:$0x4], $0x8000, $0x38;
	[tilespmem:$0x18100] =	vst v63  }
0x3c1: {  	_ =	swait.ge [sflag:s4], $0x8000  }
0x3c2: {  	[sflag:s4] =	ssyncset.done $0x0  }
0x3c3: {  	[sflag:s4] =	ssyncadd.s32 $0xFFFF8000  }
0x3c4: {  	v2 =	vld.msk [tilespmem:$0xA8], $0xff;
	_ =	sdelay $0x4  }
0x3c5: {  	v3 =	vshll.u32 v2, $0x5  }
0x3c6: {  	v2 =	vand.u32 $0x7, v2;
	v3 =	vand.u32 $0xFFFFFF00, v3  }
0x3c7: {  	v2 =	vor.u32 v2, v3  }
0x3c8: {  	v2 =	vperm.xlane v2, v0;
	_ =	sdelay $0x1  }
0x3c9: {  	v2 =	vadd.s32 v1, v2;
	_ =	sdelay $0x4  }
0x3ca: {  	[tilespmem:s22], [sflag:$0x1] =	stream.indirect_vreg.gather [hbm4b:s26+s3], $0x80, v2, vm0, $0xb8;
	[tilespmem:$0x18100] =	vst v63  }
0x3cb: {  	_ = 	snop  }
0x3cc: {  	[tilespmem:s2], [sflag:$0x1] =	stream.indirect_vreg.gather [hbm4b:s5+s3], $0x80, v2, vm0, $0xb8;
	[tilespmem:$0x18100] =	vst v63  }
0x3cd: {  	_ = 	snop  }
0x3ce: {  	[tilespmem:s31], [sflag:$0x1] =	stream.indirect_vreg.gather [hbm4b:s6+s3], $0x80, v2, vm0, $0xb8;
	[tilespmem:$0x18100] =	vst v63  }
0x3cf: {  	s31 =	simm.s32 $0x1900  }
0x3d0: {  	[tilespmem:s31], [sflag:$0x1] =	stream.indirect_vreg.gather [hbm4b:s7+s3], $0x80, v2, vm0, $0xb8;
	[tilespmem:$0x18100] =	vst v63  }
0x3d1: {  	s28 =	simm.s32 $0x2100  }
0x3d2: {  	[tilespmem:s28], [sflag:$0x1] =	stream.indirect_vreg.gather [hbm4b:s8+s3], $0x80, v2, vm0, $0xb8;
	[tilespmem:$0x18100] =	vst v63  }
0x3d3: {  	s29 =	simm.s32 $0x2900  }
0x3d4: {  	[tilespmem:s29], [sflag:$0x1] =	stream.indirect_vreg.gather [hbm4b:s9+s3], $0x80, v2, vm0, $0xb8;
	[tilespmem:$0x18100] =	vst v63  }
0x3d5: {  	s30 =	simm.s32 $0x3100  }
0x3d6: {  	[tilespmem:s30], [sflag:$0x1] =	stream.indirect_vreg.gather [hbm4b:s10+s3], $0x80, v2, vm0, $0xb8;
	[tilespmem:$0x18100] =	vst v63  }
0x3d7: {  	s20 =	simm.s32 $0x3900  }
0x3d8: {  	[tilespmem:s20], [sflag:$0x1] =	stream.indirect_vreg.gather [hbm4b:s11+s3], $0x80, v2, vm0, $0xb8;
	[tilespmem:$0x18100] =	vst v63  }
0x3d9: {  	s22 =	simm.s32 $0x4100  }
0x3da: {  	[tilespmem:s22], [sflag:$0x1] =	stream.indirect_vreg.gather [hbm4b:s12+s3], $0x80, v2, vm0, $0xb8;
	[tilespmem:$0x18100] =	vst v63  }
0x3db: {  	s29 =	simm.s32 $0x4900  }
0x3dc: {  	[tilespmem:s29], [sflag:$0x1] =	stream.indirect_vreg.gather [hbm4b:s13+s3], $0x80, v2, vm0, $0xb8;
	[tilespmem:$0x18100] =	vst v63  }
0x3dd: {  	s28 =	simm.s32 $0x5100  }
0x3de: {  	[tilespmem:s28], [sflag:$0x1] =	stream.indirect_vreg.gather [hbm4b:s14+s3], $0x80, v2, vm0, $0xb8;
	[tilespmem:$0x18100] =	vst v63  }
0x3df: {  	s30 =	simm.s32 $0x5900  }
0x3e0: {  	[tilespmem:s30], [sflag:$0x1] =	stream.indirect_vreg.gather [hbm4b:s15+s3], $0x80, v2, vm0, $0xb8;
	[tilespmem:$0x18100] =	vst v63  }
0x3e1: {  	s20 =	simm.s32 $0x6100  }
0x3e2: {  	[tilespmem:s20], [sflag:$0x1] =	stream.indirect_vreg.gather [hbm4b:s16+s3], $0x80, v2, vm0, $0xb8;
	[tilespmem:$0x18100] =	vst v63  }
0x3e3: {  	s22 =	simm.s32 $0x6900  }
0x3e4: {  	[tilespmem:s22], [sflag:$0x1] =	stream.indirect_vreg.gather [hbm4b:s17+s3], $0x80, v2, vm0, $0xb8;
	[tilespmem:$0x18100] =	vst v63  }
0x3e5: {  	s28 =	simm.s32 $0x7100  }
0x3e6: {  	[tilespmem:s28], [sflag:$0x1] =	stream.indirect_vreg.gather [hbm4b:s18+s3], $0x80, v2, vm0, $0xb8;
	[tilespmem:$0x18100] =	vst v63  }
0x3e7: {  	s30 =	simm.s32 $0x7900  }
0x3e8: {  	[tilespmem:s30], [sflag:$0x1] =	stream.indirect_vreg.gather [hbm4b:s19+s3], $0x80, v2, vm0, $0xb8;
	[tilespmem:$0x18100] =	vst v63  }
0x3e9: {  	_ =	swait.ge [sflag:s23], $0x8000  }
0x3ea: {  	[sflag:s23] =	ssyncset.done $0x0  }
0x3eb: {  	s20 =	simm.s32 $0x8100;
	s2 =	rddreg [dreg:$0x17];
	[sflag:s23] =	ssyncadd.s32 $0xFFFF8000  }
0x3ec: {  	[hbm4b:s2+s3] =	stream.linear.scatter [tilespmem:s20], [sflag:$0x5], $0x8000, $0x38;
	[tilespmem:$0x18100] =	vst v63  }
0x3ed: {  	_ =	swait.ge [sflag:s0], $0x8000  }
0x3ee: {  	[sflag:s0] =	ssyncset.done $0x0  }
0x3ef: {  	[sflag:s0] =	ssyncadd.s32 $0xFFFF8000  }
0x3f0: {  	v2 =	vld.msk [tilespmem:$0xB0], $0xff;
	_ =	sdelay $0x4  }
0x3f1: {  	v3 =	vshll.u32 v2, $0x5  }
0x3f2: {  	v2 =	vand.u32 $0x7, v2;
	v3 =	vand.u32 $0xFFFFFF00, v3  }
0x3f3: {  	v2 =	vor.u32 v2, v3  }
0x3f4: {  	v2 =	vperm.xlane v2, v0;
	_ =	sdelay $0x1  }
0x3f5: {  	v2 =	vadd.s32 v1, v2;
	_ =	sdelay $0x4  }
0x3f6: {  	[tilespmem:s20], [sflag:$0x2] =	stream.indirect_vreg.gather [hbm4b:s26+s3], $0x80, v2, vm0, $0xb8;
	[tilespmem:$0x18100] =	vst v63  }
0x3f7: {  	_ = 	snop  }
0x3f8: {  	[tilespmem:s1], [sflag:$0x2] =	stream.indirect_vreg.gather [hbm4b:s5+s3], $0x80, v2, vm0, $0xb8;
	[tilespmem:$0x18100] =	vst v63  }
0x3f9: {  	s22 =	simm.s32 $0x9100  }
0x3fa: {  	[tilespmem:s22], [sflag:$0x2] =	stream.indirect_vreg.gather [hbm4b:s6+s3], $0x80, v2, vm0, $0xb8;
	[tilespmem:$0x18100] =	vst v63  }
0x3fb: {  	s28 =	simm.s32 $0x9900  }
0x3fc: {  	[tilespmem:s28], [sflag:$0x2] =	stream.indirect_vreg.gather [hbm4b:s7+s3], $0x80, v2, vm0, $0xb8;
	[tilespmem:$0x18100] =	vst v63  }
0x3fd: {  	s30 =	simm.s32 $0xA100  }
0x3fe: {  	[tilespmem:s30], [sflag:$0x2] =	stream.indirect_vreg.gather [hbm4b:s8+s3], $0x80, v2, vm0, $0xb8;
	[tilespmem:$0x18100] =	vst v63  }
0x3ff: {  	s2 =	simm.s32 $0xA900  }
0x400: {  	[tilespmem:s2], [sflag:$0x2] =	stream.indirect_vreg.gather [hbm4b:s9+s3], $0x80, v2, vm0, $0xb8;
	[tilespmem:$0x18100] =	vst v63  }
0x401: {  	s20 =	simm.s32 $0xB100  }
0x402: {  	[tilespmem:s20], [sflag:$0x2] =	stream.indirect_vreg.gather [hbm4b:s10+s3], $0x80, v2, vm0, $0xb8;
	[tilespmem:$0x18100] =	vst v63  }
0x403: {  	s22 =	simm.s32 $0xB900  }
0x404: {  	[tilespmem:s22], [sflag:$0x2] =	stream.indirect_vreg.gather [hbm4b:s11+s3], $0x80, v2, vm0, $0xb8;
	[tilespmem:$0x18100] =	vst v63  }
0x405: {  	s28 =	simm.s32 $0xC100  }
0x406: {  	[tilespmem:s28], [sflag:$0x2] =	stream.indirect_vreg.gather [hbm4b:s12+s3], $0x80, v2, vm0, $0xb8;
	[tilespmem:$0x18100] =	vst v63  }
0x407: {  	s30 =	simm.s32 $0xC900  }
0x408: {  	[tilespmem:s30], [sflag:$0x2] =	stream.indirect_vreg.gather [hbm4b:s13+s3], $0x80, v2, vm0, $0xb8;
	[tilespmem:$0x18100] =	vst v63  }
0x409: {  	s2 =	simm.s32 $0xD100  }
0x40a: {  	[tilespmem:s2], [sflag:$0x2] =	stream.indirect_vreg.gather [hbm4b:s14+s3], $0x80, v2, vm0, $0xb8;
	[tilespmem:$0x18100] =	vst v63  }
0x40b: {  	s20 =	simm.s32 $0xD900  }
0x40c: {  	[tilespmem:s20], [sflag:$0x2] =	stream.indirect_vreg.gather [hbm4b:s15+s3], $0x80, v2, vm0, $0xb8;
	[tilespmem:$0x18100] =	vst v63  }
0x40d: {  	s22 =	simm.s32 $0xE100  }
0x40e: {  	[tilespmem:s22], [sflag:$0x2] =	stream.indirect_vreg.gather [hbm4b:s16+s3], $0x80, v2, vm0, $0xb8;
	[tilespmem:$0x18100] =	vst v63  }
0x40f: {  	s28 =	simm.s32 $0xE900  }
0x410: {  	[tilespmem:s28], [sflag:$0x2] =	stream.indirect_vreg.gather [hbm4b:s17+s3], $0x80, v2, vm0, $0xb8;
	[tilespmem:$0x18100] =	vst v63  }
0x411: {  	s30 =	simm.s32 $0xF100  }
0x412: {  	[tilespmem:s30], [sflag:$0x2] =	stream.indirect_vreg.gather [hbm4b:s18+s3], $0x80, v2, vm0, $0xb8;
	[tilespmem:$0x18100] =	vst v63  }
0x413: {  	s2 =	simm.s32 $0xF900  }
0x414: {  	[tilespmem:s2], [sflag:$0x2] =	stream.indirect_vreg.gather [hbm4b:s19+s3], $0x80, v2, vm0, $0xb8;
	[tilespmem:$0x18100] =	vst v63  }
0x415: {  	_ =	swait.ge [sflag:s25], $0x8000  }
0x416: {  	[sflag:s25] =	ssyncset.done $0x0  }
0x417: {  	s22 =	simm.s32 $0x10100;
	s20 =	rddreg [dreg:$0x18];
	[sflag:s25] =	ssyncadd.s32 $0xFFFF8000  }
0x418: {  	[hbm4b:s20+s3] =	stream.linear.scatter [tilespmem:s22], [sflag:$0x6], $0x8000, $0x38;
	[tilespmem:$0x18100] =	vst v63  }
0x419: {  	_ =	swait.ge [sflag:s24], $0x8000  }
0x41a: {  	[sflag:s24] =	ssyncset.done $0x0  }
0x41b: {  	[sflag:s24] =	ssyncadd.s32 $0xFFFF8000  }
0x41c: {  	v2 =	vld.msk [tilespmem:$0xB8], $0xff;
	_ =	sdelay $0x4  }
0x41d: {  	v3 =	vshll.u32 v2, $0x5  }
0x41e: {  	v2 =	vand.u32 $0x7, v2;
	v3 =	vand.u32 $0xFFFFFF00, v3  }
0x41f: {  	v2 =	vor.u32 v2, v3  }
0x420: {  	v2 =	vperm.xlane v2, v0;
	_ =	sdelay $0x1  }
0x421: {  	v2 =	vadd.s32 v1, v2;
	_ =	sdelay $0x4  }
0x422: {  	[tilespmem:s22], [sflag:$0x3] =	stream.indirect_vreg.gather [hbm4b:s26+s3], $0x80, v2, vm0, $0xb8;
	[tilespmem:$0x18100] =	vst v63  }
0x423: {  	s20 =	simm.s32 $0x10900  }
0x424: {  	[tilespmem:s20], [sflag:$0x3] =	stream.indirect_vreg.gather [hbm4b:s5+s3], $0x80, v2, vm0, $0xb8;
	[tilespmem:$0x18100] =	vst v63  }
0x425: {  	s28 =	simm.s32 $0x11100  }
0x426: {  	[tilespmem:s28], [sflag:$0x3] =	stream.indirect_vreg.gather [hbm4b:s6+s3], $0x80, v2, vm0, $0xb8;
	[tilespmem:$0x18100] =	vst v63  }
0x427: {  	s30 =	simm.s32 $0x11900  }
0x428: {  	[tilespmem:s30], [sflag:$0x3] =	stream.indirect_vreg.gather [hbm4b:s7+s3], $0x80, v2, vm0, $0xb8;
	[tilespmem:$0x18100] =	vst v63  }
0x429: {  	s22 =	simm.s32 $0x12100  }
0x42a: {  	[tilespmem:s22], [sflag:$0x3] =	stream.indirect_vreg.gather [hbm4b:s8+s3], $0x80, v2, vm0, $0xb8;
	[tilespmem:$0x18100] =	vst v63  }
0x42b: {  	s28 =	simm.s32 $0x12900  }
0x42c: {  	[tilespmem:s28], [sflag:$0x3] =	stream.indirect_vreg.gather [hbm4b:s9+s3], $0x80, v2, vm0, $0xb8;
	[tilespmem:$0x18100] =	vst v63  }
0x42d: {  	s30 =	simm.s32 $0x13100  }
0x42e: {  	[tilespmem:s30], [sflag:$0x3] =	stream.indirect_vreg.gather [hbm4b:s10+s3], $0x80, v2, vm0, $0xb8;
	[tilespmem:$0x18100] =	vst v63  }
0x42f: {  	s22 =	simm.s32 $0x13900  }
0x430: {  	[tilespmem:s22], [sflag:$0x3] =	stream.indirect_vreg.gather [hbm4b:s11+s3], $0x80, v2, vm0, $0xb8;
	[tilespmem:$0x18100] =	vst v63  }
0x431: {  	s28 =	simm.s32 $0x14100  }
0x432: {  	[tilespmem:s28], [sflag:$0x3] =	stream.indirect_vreg.gather [hbm4b:s12+s3], $0x80, v2, vm0, $0xb8;
	[tilespmem:$0x18100] =	vst v63  }
0x433: {  	s30 =	simm.s32 $0x14900  }
0x434: {  	[tilespmem:s30], [sflag:$0x3] =	stream.indirect_vreg.gather [hbm4b:s13+s3], $0x80, v2, vm0, $0xb8;
	[tilespmem:$0x18100] =	vst v63  }
0x435: {  	s22 =	simm.s32 $0x15100  }
0x436: {  	[tilespmem:s22], [sflag:$0x3] =	stream.indirect_vreg.gather [hbm4b:s14+s3], $0x80, v2, vm0, $0xb8;
	[tilespmem:$0x18100] =	vst v63  }
0x437: {  	s28 =	simm.s32 $0x15900  }
0x438: {  	[tilespmem:s28], [sflag:$0x3] =	stream.indirect_vreg.gather [hbm4b:s15+s3], $0x80, v2, vm0, $0xb8;
	[tilespmem:$0x18100] =	vst v63  }
0x439: {  	s30 =	simm.s32 $0x16100  }
0x43a: {  	[tilespmem:s30], [sflag:$0x3] =	stream.indirect_vreg.gather [hbm4b:s16+s3], $0x80, v2, vm0, $0xb8;
	[tilespmem:$0x18100] =	vst v63  }
0x43b: {  	s22 =	simm.s32 $0x16900  }
0x43c: {  	[tilespmem:s22], [sflag:$0x3] =	stream.indirect_vreg.gather [hbm4b:s17+s3], $0x80, v2, vm0, $0xb8;
	[tilespmem:$0x18100] =	vst v63  }
0x43d: {  	s28 =	simm.s32 $0x17100  }
0x43e: {  	[tilespmem:s28], [sflag:$0x3] =	stream.indirect_vreg.gather [hbm4b:s18+s3], $0x80, v2, vm0, $0xb8;
	[tilespmem:$0x18100] =	vst v63  }
0x43f: {  	s30 =	simm.s32 $0x17900  }
0x440: {  	[tilespmem:s30], [sflag:$0x3] =	stream.indirect_vreg.gather [hbm4b:s19+s3], $0x80, v2, vm0, $0xb8;
	[tilespmem:$0x18100] =	vst v63  }
0x441: {  	_ =	swait.ge [sflag:s21], $0x8000  }
0x442: {  	[sflag:s21] =	ssyncset.done $0x0  }
0x443: {  	s22 =	simm.s32 $0x100;
	s1 =	rddreg [dreg:$0x19];
	[sflag:s21] =	ssyncadd.s32 $0xFFFF8000  }
0x444: {  	[hbm4b:s1+s3] =	stream.linear.scatter [tilespmem:s22], [sflag:$0x4], $0x8000, $0x38;
	[tilespmem:$0x18100] =	vst v63  }
0x445: {  	_ =	swait.ge [sflag:s4], $0x8000  }
0x446: {  	[sflag:s4] =	ssyncset.done $0x0  }
0x447: {  	[sflag:s4] =	ssyncadd.s32 $0xFFFF8000  }
0x448: {  	v2 =	vld.msk [tilespmem:$0xC0], $0xff;
	_ =	sdelay $0x4  }
0x449: {  	v3 =	vshll.u32 v2, $0x5  }
0x44a: {  	v2 =	vand.u32 $0x7, v2;
	v3 =	vand.u32 $0xFFFFFF00, v3  }
0x44b: {  	v2 =	vor.u32 v2, v3  }
0x44c: {  	v2 =	vperm.xlane v2, v0;
	_ =	sdelay $0x1  }
0x44d: {  	v2 =	vadd.s32 v1, v2;
	_ =	sdelay $0x4  }
0x44e: {  	[tilespmem:s22], [sflag:$0x1] =	stream.indirect_vreg.gather [hbm4b:s26+s3], $0x80, v2, vm0, $0xb8;
	[tilespmem:$0x18100] =	vst v63  }
0x44f: {  	s22 =	simm.s32 $0x900  }
0x450: {  	[tilespmem:s22], [sflag:$0x1] =	stream.indirect_vreg.gather [hbm4b:s5+s3], $0x80, v2, vm0, $0xb8;
	[tilespmem:$0x18100] =	vst v63  }
0x451: {  	s30 =	simm.s32 $0x1100  }
0x452: {  	[tilespmem:s30], [sflag:$0x1] =	stream.indirect_vreg.gather [hbm4b:s6+s3], $0x80, v2, vm0, $0xb8;
	[tilespmem:$0x18100] =	vst v63  }
0x453: {  	_ = 	snop  }
0x454: {  	[tilespmem:s31], [sflag:$0x1] =	stream.indirect_vreg.gather [hbm4b:s7+s3], $0x80, v2, vm0, $0xb8;
	[tilespmem:$0x18100] =	vst v63  }
0x455: {  	s31 =	simm.s32 $0x2100  }
0x456: {  	[tilespmem:s31], [sflag:$0x1] =	stream.indirect_vreg.gather [hbm4b:s8+s3], $0x80, v2, vm0, $0xb8;
	[tilespmem:$0x18100] =	vst v63  }
0x457: {  	s31 =	simm.s32 $0x2900  }
0x458: {  	[tilespmem:s31], [sflag:$0x1] =	stream.indirect_vreg.gather [hbm4b:s9+s3], $0x80, v2, vm0, $0xb8;
	[tilespmem:$0x18100] =	vst v63  }
0x459: {  	s28 =	simm.s32 $0x3100  }
0x45a: {  	[tilespmem:s28], [sflag:$0x1] =	stream.indirect_vreg.gather [hbm4b:s10+s3], $0x80, v2, vm0, $0xb8;
	[tilespmem:$0x18100] =	vst v63  }
0x45b: {  	s30 =	simm.s32 $0x3900  }
0x45c: {  	[tilespmem:s30], [sflag:$0x1] =	stream.indirect_vreg.gather [hbm4b:s11+s3], $0x80, v2, vm0, $0xb8;
	[tilespmem:$0x18100] =	vst v63  }
0x45d: {  	s28 =	simm.s32 $0x4100  }
0x45e: {  	[tilespmem:s28], [sflag:$0x1] =	stream.indirect_vreg.gather [hbm4b:s12+s3], $0x80, v2, vm0, $0xb8;
	[tilespmem:$0x18100] =	vst v63  }
0x45f: {  	_ = 	snop  }
0x460: {  	[tilespmem:s29], [sflag:$0x1] =	stream.indirect_vreg.gather [hbm4b:s13+s3], $0x80, v2, vm0, $0xb8;
	[tilespmem:$0x18100] =	vst v63  }
0x461: {  	s30 =	simm.s32 $0x5100  }
0x462: {  	[tilespmem:s30], [sflag:$0x1] =	stream.indirect_vreg.gather [hbm4b:s14+s3], $0x80, v2, vm0, $0xb8;
	[tilespmem:$0x18100] =	vst v63  }
0x463: {  	s29 =	simm.s32 $0x5900  }
0x464: {  	[tilespmem:s29], [sflag:$0x1] =	stream.indirect_vreg.gather [hbm4b:s15+s3], $0x80, v2, vm0, $0xb8;
	[tilespmem:$0x18100] =	vst v63  }
0x465: {  	s28 =	simm.s32 $0x6100  }
0x466: {  	[tilespmem:s28], [sflag:$0x1] =	stream.indirect_vreg.gather [hbm4b:s16+s3], $0x80, v2, vm0, $0xb8;
	[tilespmem:$0x18100] =	vst v63  }
0x467: {  	s29 =	simm.s32 $0x6900  }
0x468: {  	[tilespmem:s29], [sflag:$0x1] =	stream.indirect_vreg.gather [hbm4b:s17+s3], $0x80, v2, vm0, $0xb8;
	[tilespmem:$0x18100] =	vst v63  }
0x469: {  	s28 =	simm.s32 $0x7100  }
0x46a: {  	[tilespmem:s28], [sflag:$0x1] =	stream.indirect_vreg.gather [hbm4b:s18+s3], $0x80, v2, vm0, $0xb8;
	[tilespmem:$0x18100] =	vst v63  }
0x46b: {  	s29 =	simm.s32 $0x7900  }
0x46c: {  	[tilespmem:s29], [sflag:$0x1] =	stream.indirect_vreg.gather [hbm4b:s19+s3], $0x80, v2, vm0, $0xb8;
	[tilespmem:$0x18100] =	vst v63  }
0x46d: {  	_ =	swait.ge [sflag:s23], $0x8000  }
0x46e: {  	[sflag:s23] =	ssyncset.done $0x0  }
0x46f: {  	s1 =	simm.s32 $0x8100;
	s28 =	rddreg [dreg:$0x1a];
	[sflag:s23] =	ssyncadd.s32 $0xFFFF8000  }
0x470: {  	[hbm4b:s28+s3] =	stream.linear.scatter [tilespmem:s1], [sflag:$0x5], $0x8000, $0x38;
	[tilespmem:$0x18100] =	vst v63  }
0x471: {  	_ =	swait.ge [sflag:s0], $0x8000  }
0x472: {  	[sflag:s0] =	ssyncset.done $0x0  }
0x473: {  	[sflag:s0] =	ssyncadd.s32 $0xFFFF8000  }
0x474: {  	v2 =	vld.msk [tilespmem:$0xC8], $0xff;
	_ =	sdelay $0x4  }
0x475: {  	v3 =	vshll.u32 v2, $0x5  }
0x476: {  	v2 =	vand.u32 $0x7, v2;
	v3 =	vand.u32 $0xFFFFFF00, v3  }
0x477: {  	v2 =	vor.u32 v2, v3  }
0x478: {  	v2 =	vperm.xlane v2, v0;
	_ =	sdelay $0x1  }
0x479: {  	v2 =	vadd.s32 v1, v2;
	_ =	sdelay $0x4  }
0x47a: {  	[tilespmem:s1], [sflag:$0x2] =	stream.indirect_vreg.gather [hbm4b:s26+s3], $0x80, v2, vm0, $0xb8;
	[tilespmem:$0x18100] =	vst v63  }
0x47b: {  	s29 =	simm.s32 $0x8900  }
0x47c: {  	[tilespmem:s29], [sflag:$0x2] =	stream.indirect_vreg.gather [hbm4b:s5+s3], $0x80, v2, vm0, $0xb8;
	[tilespmem:$0x18100] =	vst v63  }
0x47d: {  	s28 =	simm.s32 $0x9100  }
0x47e: {  	[tilespmem:s28], [sflag:$0x2] =	stream.indirect_vreg.gather [hbm4b:s6+s3], $0x80, v2, vm0, $0xb8;
	[tilespmem:$0x18100] =	vst v63  }
0x47f: {  	s28 =	simm.s32 $0x9900  }
0x480: {  	[tilespmem:s28], [sflag:$0x2] =	stream.indirect_vreg.gather [hbm4b:s7+s3], $0x80, v2, vm0, $0xb8;
	[tilespmem:$0x18100] =	vst v63  }
0x481: {  	s28 =	simm.s32 $0xA100  }
0x482: {  	[tilespmem:s28], [sflag:$0x2] =	stream.indirect_vreg.gather [hbm4b:s8+s3], $0x80, v2, vm0, $0xb8;
	[tilespmem:$0x18100] =	vst v63  }
0x483: {  	s28 =	simm.s32 $0xA900  }
0x484: {  	[tilespmem:s28], [sflag:$0x2] =	stream.indirect_vreg.gather [hbm4b:s9+s3], $0x80, v2, vm0, $0xb8;
	[tilespmem:$0x18100] =	vst v63  }
0x485: {  	s28 =	simm.s32 $0xB100  }
0x486: {  	[tilespmem:s28], [sflag:$0x2] =	stream.indirect_vreg.gather [hbm4b:s10+s3], $0x80, v2, vm0, $0xb8;
	[tilespmem:$0x18100] =	vst v63  }
0x487: {  	s28 =	simm.s32 $0xB900  }
0x488: {  	[tilespmem:s28], [sflag:$0x2] =	stream.indirect_vreg.gather [hbm4b:s11+s3], $0x80, v2, vm0, $0xb8;
	[tilespmem:$0x18100] =	vst v63  }
0x489: {  	s28 =	simm.s32 $0xC100  }
0x48a: {  	[tilespmem:s28], [sflag:$0x2] =	stream.indirect_vreg.gather [hbm4b:s12+s3], $0x80, v2, vm0, $0xb8;
	[tilespmem:$0x18100] =	vst v63  }
0x48b: {  	s28 =	simm.s32 $0xC900  }
0x48c: {  	[tilespmem:s28], [sflag:$0x2] =	stream.indirect_vreg.gather [hbm4b:s13+s3], $0x80, v2, vm0, $0xb8;
	[tilespmem:$0x18100] =	vst v63  }
0x48d: {  	s28 =	simm.s32 $0xD100  }
0x48e: {  	[tilespmem:s28], [sflag:$0x2] =	stream.indirect_vreg.gather [hbm4b:s14+s3], $0x80, v2, vm0, $0xb8;
	[tilespmem:$0x18100] =	vst v63  }
0x48f: {  	s28 =	simm.s32 $0xD900  }
0x490: {  	[tilespmem:s28], [sflag:$0x2] =	stream.indirect_vreg.gather [hbm4b:s15+s3], $0x80, v2, vm0, $0xb8;
	[tilespmem:$0x18100] =	vst v63  }
0x491: {  	s28 =	simm.s32 $0xE100  }
0x492: {  	[tilespmem:s28], [sflag:$0x2] =	stream.indirect_vreg.gather [hbm4b:s16+s3], $0x80, v2, vm0, $0xb8;
	[tilespmem:$0x18100] =	vst v63  }
0x493: {  	s28 =	simm.s32 $0xE900  }
0x494: {  	[tilespmem:s28], [sflag:$0x2] =	stream.indirect_vreg.gather [hbm4b:s17+s3], $0x80, v2, vm0, $0xb8;
	[tilespmem:$0x18100] =	vst v63  }
0x495: {  	s28 =	simm.s32 $0xF100  }
0x496: {  	[tilespmem:s28], [sflag:$0x2] =	stream.indirect_vreg.gather [hbm4b:s18+s3], $0x80, v2, vm0, $0xb8;
	[tilespmem:$0x18100] =	vst v63  }
0x497: {  	s28 =	simm.s32 $0xF900  }
0x498: {  	[tilespmem:s28], [sflag:$0x2] =	stream.indirect_vreg.gather [hbm4b:s19+s3], $0x80, v2, vm0, $0xb8;
	[tilespmem:$0x18100] =	vst v63  }
0x499: {  	_ =	swait.ge [sflag:s25], $0x8000  }
0x49a: {  	[sflag:s25] =	ssyncset.done $0x0  }
0x49b: {  	s2 =	simm.s32 $0x10100;
	s28 =	rddreg [dreg:$0x1b];
	[sflag:s25] =	ssyncadd.s32 $0xFFFF8000  }
0x49c: {  	[hbm4b:s28+s3] =	stream.linear.scatter [tilespmem:s2], [sflag:$0x6], $0x8000, $0x38;
	[tilespmem:$0x18100] =	vst v63  }
0x49d: {  	_ =	swait.ge [sflag:s24], $0x8000  }
0x49e: {  	[sflag:s24] =	ssyncset.done $0x0  }
0x49f: {  	[sflag:s24] =	ssyncadd.s32 $0xFFFF8000  }
0x4a0: {  	v2 =	vld.msk [tilespmem:$0xD0], $0xff;
	_ =	sdelay $0x4  }
0x4a1: {  	v3 =	vshll.u32 v2, $0x5  }
0x4a2: {  	v2 =	vand.u32 $0x7, v2;
	v3 =	vand.u32 $0xFFFFFF00, v3  }
0x4a3: {  	v2 =	vor.u32 v2, v3  }
0x4a4: {  	v2 =	vperm.xlane v2, v0;
	_ =	sdelay $0x1  }
0x4a5: {  	v2 =	vadd.s32 v1, v2;
	_ =	sdelay $0x4  }
0x4a6: {  	[tilespmem:s2], [sflag:$0x3] =	stream.indirect_vreg.gather [hbm4b:s26+s3], $0x80, v2, vm0, $0xb8;
	[tilespmem:$0x18100] =	vst v63  }
0x4a7: {  	_ = 	snop  }
0x4a8: {  	[tilespmem:s20], [sflag:$0x3] =	stream.indirect_vreg.gather [hbm4b:s5+s3], $0x80, v2, vm0, $0xb8;
	[tilespmem:$0x18100] =	vst v63  }
0x4a9: {  	s2 =	simm.s32 $0x11100  }
0x4aa: {  	[tilespmem:s2], [sflag:$0x3] =	stream.indirect_vreg.gather [hbm4b:s6+s3], $0x80, v2, vm0, $0xb8;
	[tilespmem:$0x18100] =	vst v63  }
0x4ab: {  	s28 =	simm.s32 $0x11900  }
0x4ac: {  	[tilespmem:s28], [sflag:$0x3] =	stream.indirect_vreg.gather [hbm4b:s7+s3], $0x80, v2, vm0, $0xb8;
	[tilespmem:$0x18100] =	vst v63  }
0x4ad: {  	s2 =	simm.s32 $0x12100  }
0x4ae: {  	[tilespmem:s2], [sflag:$0x3] =	stream.indirect_vreg.gather [hbm4b:s8+s3], $0x80, v2, vm0, $0xb8;
	[tilespmem:$0x18100] =	vst v63  }
0x4af: {  	s28 =	simm.s32 $0x12900  }
0x4b0: {  	[tilespmem:s28], [sflag:$0x3] =	stream.indirect_vreg.gather [hbm4b:s9+s3], $0x80, v2, vm0, $0xb8;
	[tilespmem:$0x18100] =	vst v63  }
0x4b1: {  	s2 =	simm.s32 $0x13100  }
0x4b2: {  	[tilespmem:s2], [sflag:$0x3] =	stream.indirect_vreg.gather [hbm4b:s10+s3], $0x80, v2, vm0, $0xb8;
	[tilespmem:$0x18100] =	vst v63  }
0x4b3: {  	s28 =	simm.s32 $0x13900  }
0x4b4: {  	[tilespmem:s28], [sflag:$0x3] =	stream.indirect_vreg.gather [hbm4b:s11+s3], $0x80, v2, vm0, $0xb8;
	[tilespmem:$0x18100] =	vst v63  }
0x4b5: {  	s2 =	simm.s32 $0x14100  }
0x4b6: {  	[tilespmem:s2], [sflag:$0x3] =	stream.indirect_vreg.gather [hbm4b:s12+s3], $0x80, v2, vm0, $0xb8;
	[tilespmem:$0x18100] =	vst v63  }
0x4b7: {  	s28 =	simm.s32 $0x14900  }
0x4b8: {  	[tilespmem:s28], [sflag:$0x3] =	stream.indirect_vreg.gather [hbm4b:s13+s3], $0x80, v2, vm0, $0xb8;
	[tilespmem:$0x18100] =	vst v63  }
0x4b9: {  	s2 =	simm.s32 $0x15100  }
0x4ba: {  	[tilespmem:s2], [sflag:$0x3] =	stream.indirect_vreg.gather [hbm4b:s14+s3], $0x80, v2, vm0, $0xb8;
	[tilespmem:$0x18100] =	vst v63  }
0x4bb: {  	s28 =	simm.s32 $0x15900  }
0x4bc: {  	[tilespmem:s28], [sflag:$0x3] =	stream.indirect_vreg.gather [hbm4b:s15+s3], $0x80, v2, vm0, $0xb8;
	[tilespmem:$0x18100] =	vst v63  }
0x4bd: {  	s2 =	simm.s32 $0x16100  }
0x4be: {  	[tilespmem:s2], [sflag:$0x3] =	stream.indirect_vreg.gather [hbm4b:s16+s3], $0x80, v2, vm0, $0xb8;
	[tilespmem:$0x18100] =	vst v63  }
0x4bf: {  	s28 =	simm.s32 $0x16900  }
0x4c0: {  	[tilespmem:s28], [sflag:$0x3] =	stream.indirect_vreg.gather [hbm4b:s17+s3], $0x80, v2, vm0, $0xb8;
	[tilespmem:$0x18100] =	vst v63  }
0x4c1: {  	s2 =	simm.s32 $0x17100  }
0x4c2: {  	[tilespmem:s2], [sflag:$0x3] =	stream.indirect_vreg.gather [hbm4b:s18+s3], $0x80, v2, vm0, $0xb8;
	[tilespmem:$0x18100] =	vst v63  }
0x4c3: {  	s28 =	simm.s32 $0x17900  }
0x4c4: {  	[tilespmem:s28], [sflag:$0x3] =	stream.indirect_vreg.gather [hbm4b:s19+s3], $0x80, v2, vm0, $0xb8;
	[tilespmem:$0x18100] =	vst v63  }
0x4c5: {  	_ =	swait.ge [sflag:s21], $0x8000  }
0x4c6: {  	[sflag:s21] =	ssyncset.done $0x0  }
0x4c7: {  	s20 =	simm.s32 $0x100;
	s2 =	rddreg [dreg:$0x1c];
	[sflag:s21] =	ssyncadd.s32 $0xFFFF8000  }
0x4c8: {  	[hbm4b:s2+s3] =	stream.linear.scatter [tilespmem:s20], [sflag:$0x4], $0x8000, $0x38;
	[tilespmem:$0x18100] =	vst v63  }
0x4c9: {  	_ =	swait.ge [sflag:s4], $0x8000  }
0x4ca: {  	[sflag:s4] =	ssyncset.done $0x0  }
0x4cb: {  	[sflag:s4] =	ssyncadd.s32 $0xFFFF8000  }
0x4cc: {  	v2 =	vld.msk [tilespmem:$0xD8], $0xff;
	_ =	sdelay $0x4  }
0x4cd: {  	v3 =	vshll.u32 v2, $0x5  }
0x4ce: {  	v2 =	vand.u32 $0x7, v2;
	v3 =	vand.u32 $0xFFFFFF00, v3  }
0x4cf: {  	v2 =	vor.u32 v2, v3  }
0x4d0: {  	v2 =	vperm.xlane v2, v0;
	_ =	sdelay $0x1  }
0x4d1: {  	v2 =	vadd.s32 v1, v2;
	_ =	sdelay $0x4  }
0x4d2: {  	[tilespmem:s20], [sflag:$0x1] =	stream.indirect_vreg.gather [hbm4b:s26+s3], $0x80, v2, vm0, $0xb8;
	[tilespmem:$0x18100] =	vst v63  }
0x4d3: {  	_ = 	snop  }
0x4d4: {  	[tilespmem:s22], [sflag:$0x1] =	stream.indirect_vreg.gather [hbm4b:s5+s3], $0x80, v2, vm0, $0xb8;
	[tilespmem:$0x18100] =	vst v63  }
0x4d5: {  	s22 =	simm.s32 $0x1100  }
0x4d6: {  	[tilespmem:s22], [sflag:$0x1] =	stream.indirect_vreg.gather [hbm4b:s6+s3], $0x80, v2, vm0, $0xb8;
	[tilespmem:$0x18100] =	vst v63  }
0x4d7: {  	s2 =	simm.s32 $0x1900  }
0x4d8: {  	[tilespmem:s2], [sflag:$0x1] =	stream.indirect_vreg.gather [hbm4b:s7+s3], $0x80, v2, vm0, $0xb8;
	[tilespmem:$0x18100] =	vst v63  }
0x4d9: {  	s28 =	simm.s32 $0x2100  }
0x4da: {  	[tilespmem:s28], [sflag:$0x1] =	stream.indirect_vreg.gather [hbm4b:s8+s3], $0x80, v2, vm0, $0xb8;
	[tilespmem:$0x18100] =	vst v63  }
0x4db: {  	_ = 	snop  }
0x4dc: {  	[tilespmem:s31], [sflag:$0x1] =	stream.indirect_vreg.gather [hbm4b:s9+s3], $0x80, v2, vm0, $0xb8;
	[tilespmem:$0x18100] =	vst v63  }
0x4dd: {  	s22 =	simm.s32 $0x3100  }
0x4de: {  	[tilespmem:s22], [sflag:$0x1] =	stream.indirect_vreg.gather [hbm4b:s10+s3], $0x80, v2, vm0, $0xb8;
	[tilespmem:$0x18100] =	vst v63  }
0x4df: {  	s28 =	simm.s32 $0x3900  }
0x4e0: {  	[tilespmem:s28], [sflag:$0x1] =	stream.indirect_vreg.gather [hbm4b:s11+s3], $0x80, v2, vm0, $0xb8;
	[tilespmem:$0x18100] =	vst v63  }
0x4e1: {  	s20 =	simm.s32 $0x4100  }
0x4e2: {  	[tilespmem:s20], [sflag:$0x1] =	stream.indirect_vreg.gather [hbm4b:s12+s3], $0x80, v2, vm0, $0xb8;
	[tilespmem:$0x18100] =	vst v63  }
0x4e3: {  	s22 =	simm.s32 $0x4900  }
0x4e4: {  	[tilespmem:s22], [sflag:$0x1] =	stream.indirect_vreg.gather [hbm4b:s13+s3], $0x80, v2, vm0, $0xb8;
	[tilespmem:$0x18100] =	vst v63  }
0x4e5: {  	_ = 	snop  }
0x4e6: {  	[tilespmem:s30], [sflag:$0x1] =	stream.indirect_vreg.gather [hbm4b:s14+s3], $0x80, v2, vm0, $0xb8;
	[tilespmem:$0x18100] =	vst v63  }
0x4e7: {  	s30 =	simm.s32 $0x5900  }
0x4e8: {  	[tilespmem:s30], [sflag:$0x1] =	stream.indirect_vreg.gather [hbm4b:s15+s3], $0x80, v2, vm0, $0xb8;
	[tilespmem:$0x18100] =	vst v63  }
0x4e9: {  	s31 =	simm.s32 $0x6100  }
0x4ea: {  	[tilespmem:s31], [sflag:$0x1] =	stream.indirect_vreg.gather [hbm4b:s16+s3], $0x80, v2, vm0, $0xb8;
	[tilespmem:$0x18100] =	vst v63  }
0x4eb: {  	s30 =	simm.s32 $0x6900  }
0x4ec: {  	[tilespmem:s30], [sflag:$0x1] =	stream.indirect_vreg.gather [hbm4b:s17+s3], $0x80, v2, vm0, $0xb8;
	[tilespmem:$0x18100] =	vst v63  }
0x4ed: {  	s31 =	simm.s32 $0x7100  }
0x4ee: {  	[tilespmem:s31], [sflag:$0x1] =	stream.indirect_vreg.gather [hbm4b:s18+s3], $0x80, v2, vm0, $0xb8;
	[tilespmem:$0x18100] =	vst v63  }
0x4ef: {  	s30 =	simm.s32 $0x7900  }
0x4f0: {  	[tilespmem:s30], [sflag:$0x1] =	stream.indirect_vreg.gather [hbm4b:s19+s3], $0x80, v2, vm0, $0xb8;
	[tilespmem:$0x18100] =	vst v63  }
0x4f1: {  	_ =	swait.ge [sflag:s23], $0x8000  }
0x4f2: {  	[sflag:s23] =	ssyncset.done $0x0  }
0x4f3: {  	s1 =	simm.s32 $0x8100;
	s30 =	rddreg [dreg:$0x1d];
	[sflag:s23] =	ssyncadd.s32 $0xFFFF8000  }
0x4f4: {  	[hbm4b:s30+s3] =	stream.linear.scatter [tilespmem:s1], [sflag:$0x5], $0x8000, $0x38;
	[tilespmem:$0x18100] =	vst v63  }
0x4f5: {  	_ =	swait.ge [sflag:s0], $0x8000  }
0x4f6: {  	[sflag:s0] =	ssyncset.done $0x0  }
0x4f7: {  	[sflag:s0] =	ssyncadd.s32 $0xFFFF8000  }
0x4f8: {  	v2 =	vld.msk [tilespmem:$0xE0], $0xff;
	_ =	sdelay $0x4  }
0x4f9: {  	v3 =	vshll.u32 v2, $0x5  }
0x4fa: {  	v2 =	vand.u32 $0x7, v2;
	v3 =	vand.u32 $0xFFFFFF00, v3  }
0x4fb: {  	v2 =	vor.u32 v2, v3  }
0x4fc: {  	v2 =	vperm.xlane v2, v0;
	_ =	sdelay $0x1  }
0x4fd: {  	v2 =	vadd.s32 v1, v2;
	_ =	sdelay $0x4  }
0x4fe: {  	[tilespmem:s1], [sflag:$0x2] =	stream.indirect_vreg.gather [hbm4b:s26+s3], $0x80, v2, vm0, $0xb8;
	[tilespmem:$0x18100] =	vst v63  }
0x4ff: {  	_ = 	snop  }
0x500: {  	[tilespmem:s29], [sflag:$0x2] =	stream.indirect_vreg.gather [hbm4b:s5+s3], $0x80, v2, vm0, $0xb8;
	[tilespmem:$0x18100] =	vst v63  }
0x501: {  	s30 =	simm.s32 $0x9100  }
0x502: {  	[tilespmem:s30], [sflag:$0x2] =	stream.indirect_vreg.gather [hbm4b:s6+s3], $0x80, v2, vm0, $0xb8;
	[tilespmem:$0x18100] =	vst v63  }
0x503: {  	s1 =	simm.s32 $0x9900  }
0x504: {  	[tilespmem:s1], [sflag:$0x2] =	stream.indirect_vreg.gather [hbm4b:s7+s3], $0x80, v2, vm0, $0xb8;
	[tilespmem:$0x18100] =	vst v63  }
0x505: {  	s29 =	simm.s32 $0xA100  }
0x506: {  	[tilespmem:s29], [sflag:$0x2] =	stream.indirect_vreg.gather [hbm4b:s8+s3], $0x80, v2, vm0, $0xb8;
	[tilespmem:$0x18100] =	vst v63  }
0x507: {  	s30 =	simm.s32 $0xA900  }
0x508: {  	[tilespmem:s30], [sflag:$0x2] =	stream.indirect_vreg.gather [hbm4b:s9+s3], $0x80, v2, vm0, $0xb8;
	[tilespmem:$0x18100] =	vst v63  }
0x509: {  	s1 =	simm.s32 $0xB100  }
0x50a: {  	[tilespmem:s1], [sflag:$0x2] =	stream.indirect_vreg.gather [hbm4b:s10+s3], $0x80, v2, vm0, $0xb8;
	[tilespmem:$0x18100] =	vst v63  }
0x50b: {  	s29 =	simm.s32 $0xB900  }
0x50c: {  	[tilespmem:s29], [sflag:$0x2] =	stream.indirect_vreg.gather [hbm4b:s11+s3], $0x80, v2, vm0, $0xb8;
	[tilespmem:$0x18100] =	vst v63  }
0x50d: {  	s30 =	simm.s32 $0xC100  }
0x50e: {  	[tilespmem:s30], [sflag:$0x2] =	stream.indirect_vreg.gather [hbm4b:s12+s3], $0x80, v2, vm0, $0xb8;
	[tilespmem:$0x18100] =	vst v63  }
0x50f: {  	s1 =	simm.s32 $0xC900  }
0x510: {  	[tilespmem:s1], [sflag:$0x2] =	stream.indirect_vreg.gather [hbm4b:s13+s3], $0x80, v2, vm0, $0xb8;
	[tilespmem:$0x18100] =	vst v63  }
0x511: {  	s29 =	simm.s32 $0xD100  }
0x512: {  	[tilespmem:s29], [sflag:$0x2] =	stream.indirect_vreg.gather [hbm4b:s14+s3], $0x80, v2, vm0, $0xb8;
	[tilespmem:$0x18100] =	vst v63  }
0x513: {  	s30 =	simm.s32 $0xD900  }
0x514: {  	[tilespmem:s30], [sflag:$0x2] =	stream.indirect_vreg.gather [hbm4b:s15+s3], $0x80, v2, vm0, $0xb8;
	[tilespmem:$0x18100] =	vst v63  }
0x515: {  	s1 =	simm.s32 $0xE100  }
0x516: {  	[tilespmem:s1], [sflag:$0x2] =	stream.indirect_vreg.gather [hbm4b:s16+s3], $0x80, v2, vm0, $0xb8;
	[tilespmem:$0x18100] =	vst v63  }
0x517: {  	s29 =	simm.s32 $0xE900  }
0x518: {  	[tilespmem:s29], [sflag:$0x2] =	stream.indirect_vreg.gather [hbm4b:s17+s3], $0x80, v2, vm0, $0xb8;
	[tilespmem:$0x18100] =	vst v63  }
0x519: {  	s30 =	simm.s32 $0xF100  }
0x51a: {  	[tilespmem:s30], [sflag:$0x2] =	stream.indirect_vreg.gather [hbm4b:s18+s3], $0x80, v2, vm0, $0xb8;
	[tilespmem:$0x18100] =	vst v63  }
0x51b: {  	s1 =	simm.s32 $0xF900  }
0x51c: {  	[tilespmem:s1], [sflag:$0x2] =	stream.indirect_vreg.gather [hbm4b:s19+s3], $0x80, v2, vm0, $0xb8;
	[tilespmem:$0x18100] =	vst v63  }
0x51d: {  	_ =	swait.ge [sflag:s25], $0x8000  }
0x51e: {  	[sflag:s25] =	ssyncset.done $0x0  }
0x51f: {  	s1 =	simm.s32 $0x10100;
	s29 =	rddreg [dreg:$0x1e];
	[sflag:s25] =	ssyncadd.s32 $0xFFFF8000  }
0x520: {  	[hbm4b:s29+s3] =	stream.linear.scatter [tilespmem:s1], [sflag:$0x6], $0x8000, $0x38;
	[tilespmem:$0x18100] =	vst v63  }
0x521: {  	_ =	swait.ge [sflag:s24], $0x8000  }
0x522: {  	[sflag:s24] =	ssyncset.done $0x0  }
0x523: {  	[sflag:s24] =	ssyncadd.s32 $0xFFFF8000  }
0x524: {  	v2 =	vld.msk [tilespmem:$0xE8], $0xff;
	_ =	sdelay $0x4  }
0x525: {  	v3 =	vshll.u32 v2, $0x5  }
0x526: {  	v2 =	vand.u32 $0x7, v2;
	v3 =	vand.u32 $0xFFFFFF00, v3  }
0x527: {  	v2 =	vor.u32 v2, v3  }
0x528: {  	v2 =	vperm.xlane v2, v0;
	_ =	sdelay $0x1  }
0x529: {  	v2 =	vadd.s32 v1, v2;
	_ =	sdelay $0x4  }
0x52a: {  	[tilespmem:s1], [sflag:$0x3] =	stream.indirect_vreg.gather [hbm4b:s26+s3], $0x80, v2, vm0, $0xb8;
	[tilespmem:$0x18100] =	vst v63  }
0x52b: {  	s29 =	simm.s32 $0x10900  }
0x52c: {  	[tilespmem:s29], [sflag:$0x3] =	stream.indirect_vreg.gather [hbm4b:s5+s3], $0x80, v2, vm0, $0xb8;
	[tilespmem:$0x18100] =	vst v63  }
0x52d: {  	s28 =	simm.s32 $0x11100  }
0x52e: {  	[tilespmem:s28], [sflag:$0x3] =	stream.indirect_vreg.gather [hbm4b:s6+s3], $0x80, v2, vm0, $0xb8;
	[tilespmem:$0x18100] =	vst v63  }
0x52f: {  	s29 =	simm.s32 $0x11900  }
0x530: {  	[tilespmem:s29], [sflag:$0x3] =	stream.indirect_vreg.gather [hbm4b:s7+s3], $0x80, v2, vm0, $0xb8;
	[tilespmem:$0x18100] =	vst v63  }
0x531: {  	s28 =	simm.s32 $0x12100  }
0x532: {  	[tilespmem:s28], [sflag:$0x3] =	stream.indirect_vreg.gather [hbm4b:s8+s3], $0x80, v2, vm0, $0xb8;
	[tilespmem:$0x18100] =	vst v63  }
0x533: {  	s29 =	simm.s32 $0x12900  }
0x534: {  	[tilespmem:s29], [sflag:$0x3] =	stream.indirect_vreg.gather [hbm4b:s9+s3], $0x80, v2, vm0, $0xb8;
	[tilespmem:$0x18100] =	vst v63  }
0x535: {  	s28 =	simm.s32 $0x13100  }
0x536: {  	[tilespmem:s28], [sflag:$0x3] =	stream.indirect_vreg.gather [hbm4b:s10+s3], $0x80, v2, vm0, $0xb8;
	[tilespmem:$0x18100] =	vst v63  }
0x537: {  	s29 =	simm.s32 $0x13900  }
0x538: {  	[tilespmem:s29], [sflag:$0x3] =	stream.indirect_vreg.gather [hbm4b:s11+s3], $0x80, v2, vm0, $0xb8;
	[tilespmem:$0x18100] =	vst v63  }
0x539: {  	s28 =	simm.s32 $0x14100  }
0x53a: {  	[tilespmem:s28], [sflag:$0x3] =	stream.indirect_vreg.gather [hbm4b:s12+s3], $0x80, v2, vm0, $0xb8;
	[tilespmem:$0x18100] =	vst v63  }
0x53b: {  	s29 =	simm.s32 $0x14900  }
0x53c: {  	[tilespmem:s29], [sflag:$0x3] =	stream.indirect_vreg.gather [hbm4b:s13+s3], $0x80, v2, vm0, $0xb8;
	[tilespmem:$0x18100] =	vst v63  }
0x53d: {  	s28 =	simm.s32 $0x15100  }
0x53e: {  	[tilespmem:s28], [sflag:$0x3] =	stream.indirect_vreg.gather [hbm4b:s14+s3], $0x80, v2, vm0, $0xb8;
	[tilespmem:$0x18100] =	vst v63  }
0x53f: {  	s29 =	simm.s32 $0x15900  }
0x540: {  	[tilespmem:s29], [sflag:$0x3] =	stream.indirect_vreg.gather [hbm4b:s15+s3], $0x80, v2, vm0, $0xb8;
	[tilespmem:$0x18100] =	vst v63  }
0x541: {  	s28 =	simm.s32 $0x16100  }
0x542: {  	[tilespmem:s28], [sflag:$0x3] =	stream.indirect_vreg.gather [hbm4b:s16+s3], $0x80, v2, vm0, $0xb8;
	[tilespmem:$0x18100] =	vst v63  }
0x543: {  	s29 =	simm.s32 $0x16900  }
0x544: {  	[tilespmem:s29], [sflag:$0x3] =	stream.indirect_vreg.gather [hbm4b:s17+s3], $0x80, v2, vm0, $0xb8;
	[tilespmem:$0x18100] =	vst v63  }
0x545: {  	s28 =	simm.s32 $0x17100  }
0x546: {  	[tilespmem:s28], [sflag:$0x3] =	stream.indirect_vreg.gather [hbm4b:s18+s3], $0x80, v2, vm0, $0xb8;
	[tilespmem:$0x18100] =	vst v63  }
0x547: {  	s29 =	simm.s32 $0x17900  }
0x548: {  	[tilespmem:s29], [sflag:$0x3] =	stream.indirect_vreg.gather [hbm4b:s19+s3], $0x80, v2, vm0, $0xb8;
	[tilespmem:$0x18100] =	vst v63  }
0x549: {  	_ =	swait.ge [sflag:s21], $0x8000  }
0x54a: {  	[sflag:s21] =	ssyncset.done $0x0  }
0x54b: {  	s29 =	simm.s32 $0x100;
	s1 =	rddreg [dreg:$0x1f];
	[sflag:s21] =	ssyncadd.s32 $0xFFFF8000  }
0x54c: {  	[hbm4b:s1+s3] =	stream.linear.scatter [tilespmem:s29], [sflag:$0x4], $0x8000, $0x38;
	[tilespmem:$0x18100] =	vst v63  }
0x54d: {  	_ =	swait.ge [sflag:s4], $0x8000  }
0x54e: {  	[sflag:s4] =	ssyncset.done $0x0  }
0x54f: {  	[sflag:s4] =	ssyncadd.s32 $0xFFFF8000  }
0x550: {  	v2 =	vld.msk [tilespmem:$0xF0], $0xff;
	_ =	sdelay $0x4  }
0x551: {  	v3 =	vshll.u32 v2, $0x5  }
0x552: {  	v2 =	vand.u32 $0x7, v2;
	v3 =	vand.u32 $0xFFFFFF00, v3  }
0x553: {  	v2 =	vor.u32 v2, v3  }
0x554: {  	v2 =	vperm.xlane v2, v0;
	_ =	sdelay $0x1  }
0x555: {  	v2 =	vadd.s32 v1, v2;
	_ =	sdelay $0x4  }
0x556: {  	[tilespmem:s29], [sflag:$0x1] =	stream.indirect_vreg.gather [hbm4b:s26+s3], $0x80, v2, vm0, $0xb8;
	[tilespmem:$0x18100] =	vst v63  }
0x557: {  	s28 =	simm.s32 $0x900  }
0x558: {  	[tilespmem:s28], [sflag:$0x1] =	stream.indirect_vreg.gather [hbm4b:s5+s3], $0x80, v2, vm0, $0xb8;
	[tilespmem:$0x18100] =	vst v63  }
0x559: {  	s28 =	simm.s32 $0x1100  }
0x55a: {  	[tilespmem:s28], [sflag:$0x1] =	stream.indirect_vreg.gather [hbm4b:s6+s3], $0x80, v2, vm0, $0xb8;
	[tilespmem:$0x18100] =	vst v63  }
0x55b: {  	_ = 	snop  }
0x55c: {  	[tilespmem:s2], [sflag:$0x1] =	stream.indirect_vreg.gather [hbm4b:s7+s3], $0x80, v2, vm0, $0xb8;
	[tilespmem:$0x18100] =	vst v63  }
0x55d: {  	s2 =	simm.s32 $0x2100  }
0x55e: {  	[tilespmem:s2], [sflag:$0x1] =	stream.indirect_vreg.gather [hbm4b:s8+s3], $0x80, v2, vm0, $0xb8;
	[tilespmem:$0x18100] =	vst v63  }
0x55f: {  	s28 =	simm.s32 $0x2900  }
0x560: {  	[tilespmem:s28], [sflag:$0x1] =	stream.indirect_vreg.gather [hbm4b:s9+s3], $0x80, v2, vm0, $0xb8;
	[tilespmem:$0x18100] =	vst v63  }
0x561: {  	s2 =	simm.s32 $0x3100  }
0x562: {  	[tilespmem:s2], [sflag:$0x1] =	stream.indirect_vreg.gather [hbm4b:s10+s3], $0x80, v2, vm0, $0xb8;
	[tilespmem:$0x18100] =	vst v63  }
0x563: {  	s28 =	simm.s32 $0x3900  }
0x564: {  	[tilespmem:s28], [sflag:$0x1] =	stream.indirect_vreg.gather [hbm4b:s11+s3], $0x80, v2, vm0, $0xb8;
	[tilespmem:$0x18100] =	vst v63  }
0x565: {  	_ = 	snop  }
0x566: {  	[tilespmem:s20], [sflag:$0x1] =	stream.indirect_vreg.gather [hbm4b:s12+s3], $0x80, v2, vm0, $0xb8;
	[tilespmem:$0x18100] =	vst v63  }
0x567: {  	_ = 	snop  }
0x568: {  	[tilespmem:s22], [sflag:$0x1] =	stream.indirect_vreg.gather [hbm4b:s13+s3], $0x80, v2, vm0, $0xb8;
	[tilespmem:$0x18100] =	vst v63  }
0x569: {  	s2 =	simm.s32 $0x5100  }
0x56a: {  	[tilespmem:s2], [sflag:$0x1] =	stream.indirect_vreg.gather [hbm4b:s14+s3], $0x80, v2, vm0, $0xb8;
	[tilespmem:$0x18100] =	vst v63  }
0x56b: {  	s20 =	simm.s32 $0x5900  }
0x56c: {  	[tilespmem:s20], [sflag:$0x1] =	stream.indirect_vreg.gather [hbm4b:s15+s3], $0x80, v2, vm0, $0xb8;
	[tilespmem:$0x18100] =	vst v63  }
0x56d: {  	s22 =	simm.s32 $0x6100  }
0x56e: {  	[tilespmem:s22], [sflag:$0x1] =	stream.indirect_vreg.gather [hbm4b:s16+s3], $0x80, v2, vm0, $0xb8;
	[tilespmem:$0x18100] =	vst v63  }
0x56f: {  	s28 =	simm.s32 $0x6900  }
0x570: {  	[tilespmem:s28], [sflag:$0x1] =	stream.indirect_vreg.gather [hbm4b:s17+s3], $0x80, v2, vm0, $0xb8;
	[tilespmem:$0x18100] =	vst v63  }
0x571: {  	s31 =	simm.s32 $0x7100  }
0x572: {  	[tilespmem:s31], [sflag:$0x1] =	stream.indirect_vreg.gather [hbm4b:s18+s3], $0x80, v2, vm0, $0xb8;
	[tilespmem:$0x18100] =	vst v63  }
0x573: {  	s2 =	simm.s32 $0x7900  }
0x574: {  	[tilespmem:s2], [sflag:$0x1] =	stream.indirect_vreg.gather [hbm4b:s19+s3], $0x80, v2, vm0, $0xb8;
	[tilespmem:$0x18100] =	vst v63  }
0x575: {  	_ =	swait.ge [sflag:s23], $0x8000  }
0x576: {  	s20 =	sld [smem:$0x7F9]  }
0x577: {  	[sflag:s23] =	ssyncset.done $0x0  }
0x578: {  	s22 =	simm.s32 $0x8100;
	[sflag:s23] =	ssyncadd.s32 $0xFFFF8000  }
0x579: {  	[hbm4b:s20+s3] =	stream.linear.scatter [tilespmem:s22], [sflag:$0x5], $0x8000, $0x38;
	[tilespmem:$0x18100] =	vst v63  }
0x57a: {  	_ =	swait.ge [sflag:s0], $0x8000  }
0x57b: {  	[sflag:s0] =	ssyncset.done $0x0  }
0x57c: {  	[sflag:s0] =	ssyncadd.s32 $0xFFFF8000  }
0x57d: {  	v2 =	vld.msk [tilespmem:$0xF8], $0xff;
	_ =	sdelay $0x4  }
0x57e: {  	v3 =	vshll.u32 v2, $0x5  }
0x57f: {  	v2 =	vand.u32 $0x7, v2;
	v3 =	vand.u32 $0xFFFFFF00, v3  }
0x580: {  	v2 =	vor.u32 v2, v3  }
0x581: {  	v2 =	vperm.xlane v2, v0;
	_ =	sdelay $0x1  }
0x582: {  	v2 =	vadd.s32 v1, v2;
	_ =	sdelay $0x4  }
0x583: {  	[tilespmem:s22], [sflag:$0x2] =	stream.indirect_vreg.gather [hbm4b:s26+s3], $0x80, v2, vm0, $0xb8;
	[tilespmem:$0x18100] =	vst v63  }
0x584: {  	s31 =	simm.s32 $0x8900  }
0x585: {  	[tilespmem:s31], [sflag:$0x2] =	stream.indirect_vreg.gather [hbm4b:s5+s3], $0x80, v2, vm0, $0xb8;
	[tilespmem:$0x18100] =	vst v63  }
0x586: {  	s20 =	simm.s32 $0x9100  }
0x587: {  	[tilespmem:s20], [sflag:$0x2] =	stream.indirect_vreg.gather [hbm4b:s6+s3], $0x80, v2, vm0, $0xb8;
	[tilespmem:$0x18100] =	vst v63  }
0x588: {  	s22 =	simm.s32 $0x9900  }
0x589: {  	[tilespmem:s22], [sflag:$0x2] =	stream.indirect_vreg.gather [hbm4b:s7+s3], $0x80, v2, vm0, $0xb8;
	[tilespmem:$0x18100] =	vst v63  }
0x58a: {  	s26 =	simm.s32 $0xA100  }
0x58b: {  	[tilespmem:s26], [sflag:$0x2] =	stream.indirect_vreg.gather [hbm4b:s8+s3], $0x80, v2, vm0, $0xb8;
	[tilespmem:$0x18100] =	vst v63  }
0x58c: {  	s28 =	simm.s32 $0xA900  }
0x58d: {  	[tilespmem:s28], [sflag:$0x2] =	stream.indirect_vreg.gather [hbm4b:s9+s3], $0x80, v2, vm0, $0xb8;
	[tilespmem:$0x18100] =	vst v63  }
0x58e: {  	s31 =	simm.s32 $0xB100  }
0x58f: {  	[tilespmem:s31], [sflag:$0x2] =	stream.indirect_vreg.gather [hbm4b:s10+s3], $0x80, v2, vm0, $0xb8;
	[tilespmem:$0x18100] =	vst v63  }
0x590: {  	s22 =	simm.s32 $0xB900  }
0x591: {  	[tilespmem:s22], [sflag:$0x2] =	stream.indirect_vreg.gather [hbm4b:s11+s3], $0x80, v2, vm0, $0xb8;
	[tilespmem:$0x18100] =	vst v63  }
0x592: {  	s26 =	simm.s32 $0xC100  }
0x593: {  	[tilespmem:s26], [sflag:$0x2] =	stream.indirect_vreg.gather [hbm4b:s12+s3], $0x80, v2, vm0, $0xb8;
	[tilespmem:$0x18100] =	vst v63  }
0x594: {  	s28 =	simm.s32 $0xC900  }
0x595: {  	[tilespmem:s28], [sflag:$0x2] =	stream.indirect_vreg.gather [hbm4b:s13+s3], $0x80, v2, vm0, $0xb8;
	[tilespmem:$0x18100] =	vst v63  }
0x596: {  	s31 =	simm.s32 $0xD100  }
0x597: {  	[tilespmem:s31], [sflag:$0x2] =	stream.indirect_vreg.gather [hbm4b:s14+s3], $0x80, v2, vm0, $0xb8;
	[tilespmem:$0x18100] =	vst v63  }
0x598: {  	s22 =	simm.s32 $0xD900  }
0x599: {  	[tilespmem:s22], [sflag:$0x2] =	stream.indirect_vreg.gather [hbm4b:s15+s3], $0x80, v2, vm0, $0xb8;
	[tilespmem:$0x18100] =	vst v63  }
0x59a: {  	s26 =	simm.s32 $0xE100  }
0x59b: {  	[tilespmem:s26], [sflag:$0x2] =	stream.indirect_vreg.gather [hbm4b:s16+s3], $0x80, v2, vm0, $0xb8;
	[tilespmem:$0x18100] =	vst v63  }
0x59c: {  	s28 =	simm.s32 $0xE900  }
0x59d: {  	[tilespmem:s28], [sflag:$0x2] =	stream.indirect_vreg.gather [hbm4b:s17+s3], $0x80, v2, vm0, $0xb8;
	[tilespmem:$0x18100] =	vst v63  }
0x59e: {  	s31 =	simm.s32 $0xF100  }
0x59f: {  	[tilespmem:s31], [sflag:$0x2] =	stream.indirect_vreg.gather [hbm4b:s18+s3], $0x80, v2, vm0, $0xb8;
	[tilespmem:$0x18100] =	vst v63  }
0x5a0: {  	s22 =	simm.s32 $0xF900  }
0x5a1: {  	[tilespmem:s22], [sflag:$0x2] =	stream.indirect_vreg.gather [hbm4b:s19+s3], $0x80, v2, vm0, $0xb8;
	[tilespmem:$0x18100] =	vst v63  }
0x5a2: {  	s20 =	sld [smem:$0x7F8];
	_ =	swait.ge [sflag:s25], $0x8000  }
0x5a3: {  	s26 =	sld [smem:$0x7FA]  }
0x5a4: {  	[sflag:s25] =	ssyncset.done $0x0  }
0x5a5: {  	s30 =	simm.s32 $0x10100;
	[sflag:s25] =	ssyncadd.s32 $0xFFFF8000  }
0x5a6: {  	[hbm4b:s26+s3] =	stream.linear.scatter [tilespmem:s30], [sflag:$0x6], $0x8000, $0x38;
	[tilespmem:$0x18100] =	vst v63  }
0x5a7: {  	_ =	swait.ge [sflag:s21], $0x8000  }
0x5a8: {  	s30 =	sld [smem:$0x7FB]  }
0x5a9: {  	[sflag:s21] =	ssyncset.done $0x0  }
0x5aa: {  	s29 =	simm.s32 $0x100;
	[sflag:s21] =	ssyncadd.s32 $0xFFFF8000  }
0x5ab: {  	[hbm4b:s30+s3] =	stream.linear.scatter [tilespmem:s29], [sflag:$0x4], $0x8000, $0x38;
	[tilespmem:$0x18100] =	vst v63  }
0x5ac: {  	_ =	swait.ge [sflag:s23], $0x8000  }
0x5ad: {  	s31 =	sld [smem:$0x7FD]  }
0x5ae: {  	[sflag:s23] =	ssyncset.done $0x0  }
0x5af: {  	s1 =	simm.s32 $0x8100;
	[sflag:s23] =	ssyncadd.s32 $0xFFFF8000  }
0x5b0: {  	[hbm4b:s31+s3] =	stream.linear.scatter [tilespmem:s1], [sflag:$0x5], $0x8000, $0x38;
	[tilespmem:$0x18100] =	vst v63  }
0x5b1: {  	_ =	swait.ge [sflag:s4], $0x8000  }
0x5b2: {  	[sflag:s4] =	ssyncset.done $0x0  }
0x5b3: {  	[sflag:s4] =	ssyncadd.s32 $0xFFFF8000  }
0x5b4: {  	p0 =	sne.s32 s20, $0x1;
	_ =	swait.ge [sflag:s0], $0x8000  }
.Ltmp0:
0x5b5: {  	[sflag:s0] =	ssyncset.done $0x0;
	(pc) =	sbr.rel @p0 .LBB2_1-.Ltmp0, $4  }
0x5b6: {  	[sflag:s0] =	ssyncadd.s32 $0xFFFF8000  }
0x5b7: {  	_ =	swait.ge [sflag:s24], $0x8000  }
0x5b8: {  	[sflag:s24] =	ssyncset.done $0x0  }
0x5b9: {  	s20 =	sadd.s32 $0xFFFFFFFF, s20;
	[sflag:s24] =	ssyncadd.s32 $0xFFFF8000  }
0x5ba: {  	_ =	sfence.sel $0x180000  }
0x5bb: {  	[bflag:$0x0] =	sbarrier.arrive $0xFFFF  }
0x5bc: {  	_ =	strace $0x90000047  }
0x5bd: {  	s0 =	stileid.u32;
	[bflag:$0x2] =	sbarrier.arrive $0xFFFF  }
0x5be: {  	p0 =	sne.s32 s0, $0x0;
	s0 =	rddreg [dreg:$0x3]  }
0x5bf: {  	s0 =	sadd.s32 @!p0 $0x100000, s0  }
0x5c0: {  	[sflag:s0] =	ssyncadd.tile.s32 @!p0 $0x1;
	_ =	shalt  }
.Lfunc_end2:
_tile_overlayer_lowered:
.L_overlay_start_2:
0x5c1: {  	(tag) =	ssettag $0x2  }
0x5c2: {  	s0 =	rddreg [dreg:$0x0];
	s2 =	stileid.u32  }
0x5c3: {  	s1 =	rddreg [dreg:$0x1];
	p0 =	sne.s32 s2, $0x0  }
0x5c4: {  	s3 =	rddreg [dreg:$0x2];
	[bflag:$0x3] =	sbarrier.arrive $0xFFFF;
	s2 =	simm.s32 @!p0 $0x1C07  }
0x5c5: {  	[timem:s3], [sflag:s2] =	dma.local @!p0 [hbm:s0], s1  }
0x5c6: {  	s0 =	simm.s32 @!p0 $0x7  }
0x5c7: {  	_ =	swait.ge @!p0 [sflag:s0], s1  }
0x5c8: {  	s1 =	ssub.s32 @!p0 $0x0, s1;
	[sflag:s0] =	ssyncset.done @!p0 $0x0  }
0x5c9: {  	[sflag:s0] =	ssyncadd.s32 @!p0 s1  }
0x5ca: {  	[bflag:$0x3] =	sbarrier.arrive $0xFFFF  }
0x5cb: {  	_ =	shalt  }

</sc_bundles>
